<compile_context>
chip_gen: v7x
topology: tpu7x:2x2x1
jax: 0.10.2.dev20260603
libtpu: 0.0.44.dev20260713+nightly
codegen_flags: <defaults>
</compile_context>

<pallas_src>
import functools

import jax
import jax.numpy as jnp
from jax import lax
from jax.experimental import pallas as pl
from jax.experimental.pallas import tpu as pltpu
from jax.experimental.pallas import tpu_sc as plsc

N = 10000
D = 128
E = 320000
N_CLASSES = 40

NC = 2
NS = 16
NW = NC * NS
EPT = E // NW
C = 96
NCHUNK = 108
EPT_PAD = NCHUNK * C
N_ACC = N + 8
ROWS_PT = 624
ROWS_LAST = N - 15 * ROWS_PT

_mesh = plsc.VectorSubcoreMesh(core_axis_name="c", subcore_axis_name="s")


@functools.partial(
    pl.kernel,
    mesh=_mesh,
    out_type=[
        jax.ShapeDtypeStruct((N, D), jnp.float32),
        jax.ShapeDtypeStruct((N, D), jnp.float32),
    ],
    scratch_types=[
        pltpu.VMEM((C,), jnp.int32),
        pltpu.VMEM((C,), jnp.int32),
        pltpu.VMEM((C,), jnp.int32),
        pltpu.VMEM((C,), jnp.int32),
        pltpu.VMEM((C,), jnp.int32),
        pltpu.VMEM((C,), jnp.int32),
        pltpu.VMEM((C,), jnp.int32),
        pltpu.VMEM((C,), jnp.int32),
        pltpu.VMEM((C, D), jnp.float32),
        pltpu.VMEM((C, D), jnp.float32),
        pltpu.VMEM((C, D), jnp.float32),
        pltpu.VMEM((C, D), jnp.float32),
        pltpu.VMEM_SHARED((N_ACC, D), jnp.float32),
        pltpu.SemaphoreType.DMA,
        pltpu.SemaphoreType.DMA,
        pltpu.SemaphoreType.DMA,
        pltpu.SemaphoreType.DMA,
    ],
)
def _sc_agg(x_hbm, src_hbm, dst_hbm, zeros_hbm, out0, out1,
            si0, si1, si2, si3, di0, di1, di2, di3,
            rows0, rows1, rows2, rows3, acc, sem_g, sem_s, sem_i, sem_d):
    c = lax.axis_index("c")
    s = lax.axis_index("s")
    wid = c * NS + s
    r0 = s * ROWS_PT
    base = wid * EPT_PAD
    sbufs = [si0, si1, si2, si3]
    dbufs = [di0, di1, di2, di3]
    rbufs = [rows0, rows1, rows2, rows3]

    def _sidx_copy(g, buf):
        return pltpu.make_async_copy(src_hbm.at[pl.ds(base + g * C, C)],
                                     buf, sem_i)

    def _didx_copy(g, buf):
        return pltpu.make_async_copy(dst_hbm.at[pl.ds(base + g * C, C)],
                                     buf, sem_d)

    def _scat_drain():
        pltpu.make_async_copy(rows0, acc.at[di0], sem_s).wait()

    @pl.when(s < NS - 1)
    def _():
        pltpu.async_copy(zeros_hbm.at[pl.ds(r0, ROWS_PT)],
                         acc.at[pl.ds(r0, ROWS_PT)], sem_s)

    @pl.when(s == NS - 1)
    def _():
        pltpu.async_copy(zeros_hbm.at[pl.ds(r0, ROWS_LAST)],
                         acc.at[pl.ds(r0, ROWS_LAST)], sem_s)

    for j in range(4):
        _sidx_copy(j, sbufs[j]).start()
    _didx_copy(0, di0).start()
    _didx_copy(1, di1).start()
    _sidx_copy(0, si0).wait()
    pltpu.async_copy(x_hbm.at[si0], rows0, sem_g)
    _sidx_copy(1, si1).wait()
    pltpu.async_copy(x_hbm.at[si1], rows1, sem_g)

    @pl.when(s < NS - 1)
    def _():
        pltpu.make_async_copy(zeros_hbm.at[pl.ds(r0, ROWS_PT)],
                              acc.at[pl.ds(r0, ROWS_PT)], sem_s).wait()

    @pl.when(s == NS - 1)
    def _():
        pltpu.make_async_copy(zeros_hbm.at[pl.ds(r0, ROWS_LAST)],
                              acc.at[pl.ds(r0, ROWS_LAST)], sem_s).wait()

    plsc.subcore_barrier()

    def _chunk_step(g, j):
        @pl.when(g >= 2)
        def _():
            _scat_drain()

        @pl.when(g + 2 < NCHUNK)
        def _():
            _sidx_copy(g + 2, sbufs[(j + 2) % 4]).wait()
            pltpu.async_copy(x_hbm.at[sbufs[(j + 2) % 4]], rbufs[(j + 2) % 4],
                             sem_g)
            _didx_copy(g + 2, dbufs[(j + 2) % 4]).start()
        pltpu.make_async_copy(x_hbm.at[sbufs[j]], rbufs[j], sem_g).wait()

        @pl.when(g + 4 < NCHUNK)
        def _():
            _sidx_copy(g + 4, sbufs[j]).start()
        _didx_copy(g, dbufs[j]).wait()
        pltpu.async_copy(rbufs[j], acc.at[dbufs[j]], sem_s, add=True)

    def body(t, carry):
        for j in range(4):
            _chunk_step(4 * t + j, j)
        return carry

    lax.fori_loop(0, NCHUNK // 4, body, 0)
    _scat_drain()
    _scat_drain()
    plsc.subcore_barrier()

    out = [out0, out1]
    for ci in range(NC):
        @pl.when((c == ci) & (s < NS - 1))
        def _(ci=ci):
            pltpu.sync_copy(acc.at[pl.ds(r0, ROWS_PT)],
                            out[ci].at[pl.ds(r0, ROWS_PT)])

        @pl.when((c == ci) & (s == NS - 1))
        def _(ci=ci):
            pltpu.sync_copy(acc.at[pl.ds(r0, ROWS_LAST)],
                            out[ci].at[pl.ds(r0, ROWS_LAST)])


ROWS_BLK = 2000


def _mlp_body(x_ref, p0_ref, p1_ref, w_ref, b_ref, o_ref):
    z = x_ref[...] + p0_ref[...] + p1_ref[...]
    h = jnp.dot(z, w_ref[...], preferred_element_type=jnp.float32) + b_ref[...]
    o_ref[...] = jnp.maximum(h, 0.0)


def _tc_mlp(x, p0, p1, W, b):
    return pl.pallas_call(
        _mlp_body,
        grid=(N // ROWS_BLK,),
        in_specs=[
            pl.BlockSpec((ROWS_BLK, D), lambda i: (i, 0)),
            pl.BlockSpec((ROWS_BLK, D), lambda i: (i, 0)),
            pl.BlockSpec((ROWS_BLK, D), lambda i: (i, 0)),
            pl.BlockSpec((D, D), lambda i: (0, 0)),
            pl.BlockSpec((1, D), lambda i: (0, 0)),
        ],
        out_specs=pl.BlockSpec((ROWS_BLK, D), lambda i: (i, 0)),
        out_shape=jax.ShapeDtypeStruct((N, D), jnp.float32),
    )(x, p0, p1, W, b.reshape(1, D))


def _final_body(x_ref, p0_ref, p1_ref, w2_ref, b2_ref, wc_ref, bc_ref, o_ref):
    z = x_ref[...] + p0_ref[...] + p1_ref[...]
    h = jnp.dot(z, w2_ref[...], preferred_element_type=jnp.float32) + b2_ref[...]
    h = jnp.maximum(h, 0.0)
    o_ref[...] = jnp.dot(h, wc_ref[...], preferred_element_type=jnp.float32) + bc_ref[...]


def _tc_final(x, p0, p1, W2, b2, Wc, bc):
    return pl.pallas_call(
        _final_body,
        grid=(N // ROWS_BLK,),
        in_specs=[
            pl.BlockSpec((ROWS_BLK, D), lambda i: (i, 0)),
            pl.BlockSpec((ROWS_BLK, D), lambda i: (i, 0)),
            pl.BlockSpec((ROWS_BLK, D), lambda i: (i, 0)),
            pl.BlockSpec((D, D), lambda i: (0, 0)),
            pl.BlockSpec((1, D), lambda i: (0, 0)),
            pl.BlockSpec((D, N_CLASSES), lambda i: (0, 0)),
            pl.BlockSpec((1, N_CLASSES), lambda i: (0, 0)),
        ],
        out_specs=pl.BlockSpec((ROWS_BLK, N_CLASSES), lambda i: (i, 0)),
        out_shape=jax.ShapeDtypeStruct((N, N_CLASSES), jnp.float32),
    )(x, p0, p1, W2, b2.reshape(1, D), Wc, bc.reshape(1, N_CLASSES))


def kernel(feat, edge_index, W0, b0, W1, b1, W2, b2, Wc, bc):
    pad_n = EPT_PAD - EPT
    junk_src = (jnp.arange(NW, dtype=jnp.int32)[:, None] * 331
                + jnp.arange(pad_n, dtype=jnp.int32)[None, :] * 17) % N
    src = jnp.concatenate(
        [edge_index[0].astype(jnp.int32).reshape(NW, EPT), junk_src],
        axis=1).reshape(-1)
    junk = N + jnp.tile(jnp.arange(8, dtype=jnp.int32),
                        (EPT_PAD - EPT) // 8 + 1)[:EPT_PAD - EPT]
    dst = jnp.concatenate(
        [edge_index[1].astype(jnp.int32).reshape(NW, EPT),
         jnp.broadcast_to(junk, (NW, EPT_PAD - EPT))], axis=1).reshape(-1)
    zeros = jnp.zeros((N, D), jnp.float32)
    p0, p1 = _sc_agg(feat, src, dst, zeros)
    h = _tc_mlp(feat, p0, p1, W0, b0)
    p0, p1 = _sc_agg(h, src, dst, zeros)
    h = _tc_mlp(h, p0, p1, W1, b1)
    p0, p1 = _sc_agg(h, src, dst, zeros)
    return _tc_final(h, p0, p1, W2, b2, Wc, bc)

# --- scband reference (transcript-rebuilt; emitter-appended) ---
"""Pipeline reference for scband-gin-11751030522384 (READ-ONLY COPY).

The authoritative reference and input builder live on the scoring server;
editing this copy changes nothing except your own understanding.
"""

import jax, jax.numpy as jnp
import numpy as np

N_NODES = 10000
N_EDGES = 320000
D_IN = 128
D_HID = 128
N_CLASSES = 40


def setup_inputs(seed: int = 0) -> dict:
    key = jax.random.key(seed)
    ks = jax.random.split(key, 12)
    feat = jax.random.normal(ks[0], (N_NODES, D_IN), dtype=jnp.float32)
    edge_index = jax.random.randint(ks[1], (2, N_EDGES), 0, N_NODES, dtype=jnp.int64)
    def lin(kw, kb, fan_in, fan_out):
        bound = 1.0 / np.sqrt(fan_in)
        W = jax.random.uniform(kw, (fan_in, fan_out), dtype=jnp.float32, minval=-bound, maxval=bound)
        b = jax.random.uniform(kb, (fan_out,), dtype=jnp.float32, minval=-bound, maxval=bound)
        return W, b
    W0, b0 = lin(ks[2], ks[3], D_IN, D_HID)
    W1, b1 = lin(ks[4], ks[5], D_HID, D_HID)
    W2, b2 = lin(ks[6], ks[7], D_HID, D_HID)
    Wc, bc = lin(ks[8], ks[9], D_HID, N_CLASSES)
    return {"feat": feat, "edge_index": edge_index,
            "W0": W0, "b0": b0, "W1": W1, "b1": b1,
            "W2": W2, "b2": b2, "Wc": Wc, "bc": bc}


def reference(feat, edge_index, W0, b0, W1, b1, W2, b2, Wc, bc):
    # DGL GINConv with apply_func=Linear, aggregator='sum', eps=0 (not learned):
    #   h = Linear((1 + eps) * x + sum_{j in N(i)} x_j)
    src = edge_index[0]
    dst = edge_index[1]
    n = feat.shape[0]

    def gin_layer(x, W, b):
        msgs = jnp.take(x, src, axis=0)                      # gather from source nodes
        agg = jax.ops.segment_sum(msgs, dst, num_segments=n)  # scatter-add to dst nodes
        return (x + agg) @ W + b

    h = gin_layer(feat, W0, b0)
    h = jax.nn.relu(h)  # dropout=0 -> identity
    h = gin_layer(h, W1, b1)
    h = jax.nn.relu(h)
    h = gin_layer(h, W2, b2)
    h = jax.nn.relu(h)
    out = h @ Wc + bc  # mode='node' classification head
    return out

if __name__ == "__main__":
    import jax
    _d = setup_inputs()
    print(jax.jit(kernel)(*tuple(_d.values())))

</pallas_src>

<mosaic_0001>
#map = affine_map<(d0, d1) -> (0, 0)>
#map1 = affine_map<(d0, d1) -> (0)>
module attributes {stable_mosaic.version = 14 : i64} {
  func.func @_sc_agg(%arg0: i32, %arg1: i32, %arg2: memref<10000x128xf32, #tpu.memory_space<hbm>>, %arg3: memref<331776xi32, #tpu.memory_space<hbm>>, %arg4: memref<331776xi32, #tpu.memory_space<hbm>>, %arg5: memref<10000x128xf32, #tpu.memory_space<hbm>>, %arg6: memref<10000x128xf32, #tpu.memory_space<hbm>>, %arg7: memref<10000x128xf32, #tpu.memory_space<hbm>>, %arg8: memref<96xi32, #tpu.memory_space<vmem>>, %arg9: memref<96xi32, #tpu.memory_space<vmem>>, %arg10: memref<96xi32, #tpu.memory_space<vmem>>, %arg11: memref<96xi32, #tpu.memory_space<vmem>>, %arg12: memref<96xi32, #tpu.memory_space<vmem>>, %arg13: memref<96xi32, #tpu.memory_space<vmem>>, %arg14: memref<96xi32, #tpu.memory_space<vmem>>, %arg15: memref<96xi32, #tpu.memory_space<vmem>>, %arg16: memref<96x128xf32, #tpu.memory_space<vmem>>, %arg17: memref<96x128xf32, #tpu.memory_space<vmem>>, %arg18: memref<96x128xf32, #tpu.memory_space<vmem>>, %arg19: memref<96x128xf32, #tpu.memory_space<vmem>>, %arg20: memref<10008x128xf32, #tpu.memory_space<vmem_shared>>, %arg21: memref<!tpu.dma_semaphore, #tpu.memory_space<semaphore_mem>>, %arg22: memref<!tpu.dma_semaphore, #tpu.memory_space<semaphore_mem>>, %arg23: memref<!tpu.dma_semaphore, #tpu.memory_space<semaphore_mem>>, %arg24: memref<!tpu.dma_semaphore, #tpu.memory_space<semaphore_mem>>) attributes {dimension_semantics = [#tpu.dimension_semantics<core_parallel>, #tpu.dimension_semantics<subcore_parallel>], iteration_bounds = array<i64: 2, 16>, scalar_prefetch = 0 : i64, scratch_operands = 17 : i64, tpu.core_type = #tpu.core_type<sc_vector_subcore>, window_params = [{transform_indices = #map}, {transform_indices = #map1}, {transform_indices = #map1}, {transform_indices = #map}, {transform_indices = #map}, {transform_indices = #map}]} {
    %mul3A = arith.constant 16 : i32
    %mul3A_0 = arith.muli %arg0, %mul3A : i32
    %add3A = arith.addi %mul3A_0, %arg1 : i32
    %mul3A_1 = arith.constant 624 : i32
    %mul3A_2 = arith.muli %arg1, %mul3A_1 : i32
    %mul3A_3 = arith.constant 10368 : i32
    %mul3A_4 = arith.muli %add3A, %mul3A_3 : i32
    %lt3A = arith.constant 15 : i32
    %lt3A_5 = arith.cmpi slt, %arg1, %lt3A : i32
    %convert_element_type3A = arith.extui %lt3A_5 : i1 to i32
    %cond3A = arith.constant 0 : i32
    %cond3A_6 = arith.cmpi ne, %convert_element_type3A, %cond3A : i32
    scf.if %cond3A_6 {
      %dma_start3A_100 = arith.constant 0 : i32
      %dma_start3A_101 = tpu.memref_slice %arg20[%mul3A_2, %dma_start3A_100] : memref<10008x128xf32, #tpu.memory_space<vmem_shared>> -> memref<624x128xf32, #tpu.memory_space<vmem_shared>>
      %dma_start3A_102 = arith.constant 0 : i32
      %dma_start3A_103 = tpu.memref_slice %arg5[%mul3A_2, %dma_start3A_102] : memref<10000x128xf32, #tpu.memory_space<hbm>> -> memref<624x128xf32, #tpu.memory_space<hbm>>
      tpu.enqueue_dma source(%dma_start3A_103 : memref<624x128xf32, #tpu.memory_space<hbm>>) target(%dma_start3A_101 : memref<624x128xf32, #tpu.memory_space<vmem_shared>>) target_semaphore(%arg22 : memref<!tpu.dma_semaphore, #tpu.memory_space<semaphore_mem>>)
    } else {
    }
    %eq3A = arith.constant 15 : i32
    %eq3A_7 = arith.cmpi eq, %arg1, %eq3A : i32
    %convert_element_type3A_8 = arith.extui %eq3A_7 : i1 to i32
    %cond3A_9 = arith.constant 0 : i32
    %cond3A_10 = arith.cmpi ne, %convert_element_type3A_8, %cond3A_9 : i32
    scf.if %cond3A_10 {
      %dma_start3A_100 = arith.constant 0 : i32
      %dma_start3A_101 = tpu.memref_slice %arg20[%mul3A_2, %dma_start3A_100] : memref<10008x128xf32, #tpu.memory_space<vmem_shared>> -> memref<640x128xf32, #tpu.memory_space<vmem_shared>>
      %dma_start3A_102 = arith.constant 0 : i32
      %dma_start3A_103 = tpu.memref_slice %arg5[%mul3A_2, %dma_start3A_102] : memref<10000x128xf32, #tpu.memory_space<hbm>> -> memref<640x128xf32, #tpu.memory_space<hbm>>
      tpu.enqueue_dma source(%dma_start3A_103 : memref<640x128xf32, #tpu.memory_space<hbm>>) target(%dma_start3A_101 : memref<640x128xf32, #tpu.memory_space<vmem_shared>>) target_semaphore(%arg22 : memref<!tpu.dma_semaphore, #tpu.memory_space<semaphore_mem>>)
    } else {
    }
    %add3A_11 = arith.constant 0 : i32
    %add3A_12 = arith.addi %mul3A_4, %add3A_11 : i32
    %dma_start3A = tpu.memref_slice %arg3[%add3A_12] : memref<331776xi32, #tpu.memory_space<hbm>> -> memref<96xi32, #tpu.memory_space<hbm>>
    %dma_start3A_13 = tpu.memref_slice %arg3[%add3A_12] : memref<331776xi32, #tpu.memory_space<hbm>> -> memref<96xi32, #tpu.memory_space<hbm>>
    tpu.enqueue_dma source(%dma_start3A_13 : memref<96xi32, #tpu.memory_space<hbm>>) target(%arg8 : memref<96xi32, #tpu.memory_space<vmem>>) target_semaphore(%arg23 : memref<!tpu.dma_semaphore, #tpu.memory_space<semaphore_mem>>)
    %add3A_14 = arith.constant 96 : i32
    %add3A_15 = arith.addi %mul3A_4, %add3A_14 : i32
    %dma_start3A_16 = tpu.memref_slice %arg3[%add3A_15] : memref<331776xi32, #tpu.memory_space<hbm>> -> memref<96xi32, #tpu.memory_space<hbm>>
    %dma_start3A_17 = tpu.memref_slice %arg3[%add3A_15] : memref<331776xi32, #tpu.memory_space<hbm>> -> memref<96xi32, #tpu.memory_space<hbm>>
    tpu.enqueue_dma source(%dma_start3A_17 : memref<96xi32, #tpu.memory_space<hbm>>) target(%arg9 : memref<96xi32, #tpu.memory_space<vmem>>) target_semaphore(%arg23 : memref<!tpu.dma_semaphore, #tpu.memory_space<semaphore_mem>>)
    %add3A_18 = arith.constant 192 : i32
    %add3A_19 = arith.addi %mul3A_4, %add3A_18 : i32
    %dma_start3A_20 = tpu.memref_slice %arg3[%add3A_19] : memref<331776xi32, #tpu.memory_space<hbm>> -> memref<96xi32, #tpu.memory_space<hbm>>
    %dma_start3A_21 = tpu.memref_slice %arg3[%add3A_19] : memref<331776xi32, #tpu.memory_space<hbm>> -> memref<96xi32, #tpu.memory_space<hbm>>
    tpu.enqueue_dma source(%dma_start3A_21 : memref<96xi32, #tpu.memory_space<hbm>>) target(%arg10 : memref<96xi32, #tpu.memory_space<vmem>>) target_semaphore(%arg23 : memref<!tpu.dma_semaphore, #tpu.memory_space<semaphore_mem>>)
    %add3A_22 = arith.constant 288 : i32
    %add3A_23 = arith.addi %mul3A_4, %add3A_22 : i32
    %dma_start3A_24 = tpu.memref_slice %arg3[%add3A_23] : memref<331776xi32, #tpu.memory_space<hbm>> -> memref<96xi32, #tpu.memory_space<hbm>>
    %dma_start3A_25 = tpu.memref_slice %arg3[%add3A_23] : memref<331776xi32, #tpu.memory_space<hbm>> -> memref<96xi32, #tpu.memory_space<hbm>>
    tpu.enqueue_dma source(%dma_start3A_25 : memref<96xi32, #tpu.memory_space<hbm>>) target(%arg11 : memref<96xi32, #tpu.memory_space<vmem>>) target_semaphore(%arg23 : memref<!tpu.dma_semaphore, #tpu.memory_space<semaphore_mem>>)
    %add3A_26 = arith.constant 0 : i32
    %add3A_27 = arith.addi %mul3A_4, %add3A_26 : i32
    %dma_start3A_28 = tpu.memref_slice %arg4[%add3A_27] : memref<331776xi32, #tpu.memory_space<hbm>> -> memref<96xi32, #tpu.memory_space<hbm>>
    %dma_start3A_29 = tpu.memref_slice %arg4[%add3A_27] : memref<331776xi32, #tpu.memory_space<hbm>> -> memref<96xi32, #tpu.memory_space<hbm>>
    tpu.enqueue_dma source(%dma_start3A_29 : memref<96xi32, #tpu.memory_space<hbm>>) target(%arg12 : memref<96xi32, #tpu.memory_space<vmem>>) target_semaphore(%arg24 : memref<!tpu.dma_semaphore, #tpu.memory_space<semaphore_mem>>)
    %add3A_30 = arith.constant 96 : i32
    %add3A_31 = arith.addi %mul3A_4, %add3A_30 : i32
    %dma_start3A_32 = tpu.memref_slice %arg4[%add3A_31] : memref<331776xi32, #tpu.memory_space<hbm>> -> memref<96xi32, #tpu.memory_space<hbm>>
    %dma_start3A_33 = tpu.memref_slice %arg4[%add3A_31] : memref<331776xi32, #tpu.memory_space<hbm>> -> memref<96xi32, #tpu.memory_space<hbm>>
    tpu.enqueue_dma source(%dma_start3A_33 : memref<96xi32, #tpu.memory_space<hbm>>) target(%arg13 : memref<96xi32, #tpu.memory_space<vmem>>) target_semaphore(%arg24 : memref<!tpu.dma_semaphore, #tpu.memory_space<semaphore_mem>>)
    %add3A_34 = arith.constant 0 : i32
    %add3A_35 = arith.addi %mul3A_4, %add3A_34 : i32
    %dma_wait3A = tpu.memref_slice %arg3[%add3A_35] : memref<331776xi32, #tpu.memory_space<hbm>> -> memref<96xi32, #tpu.memory_space<hbm>>
    %dma_wait3A_36 = tpu.memref_slice %arg3[%add3A_35] : memref<331776xi32, #tpu.memory_space<hbm>> -> memref<96xi32, #tpu.memory_space<hbm>>
    tpu.wait_dma2 semaphore(%arg23 : memref<!tpu.dma_semaphore, #tpu.memory_space<semaphore_mem>>) src(%dma_wait3A_36 : memref<96xi32, #tpu.memory_space<hbm>>) dst(%arg8 : memref<96xi32, #tpu.memory_space<vmem>>)
    %dma_start3A_37 = arith.constant 0 : i32
    %dma_start3A_38 = arith.constant 0 : i32
    %dma_start3A_39 = tpu.memref_slice %arg2[%dma_start3A_37, %dma_start3A_38] : memref<10000x128xf32, #tpu.memory_space<hbm>> -> memref<10000x128xf32, #tpu.memory_space<hbm>>
    tpu.enqueue_indirect_dma source(%dma_start3A_39 : memref<10000x128xf32, #tpu.memory_space<hbm>>) target(%arg16 : memref<96x128xf32, #tpu.memory_space<vmem>>) offsets(%arg8 : memref<96xi32, #tpu.memory_space<vmem>>) semaphore(%arg21 : memref<!tpu.dma_semaphore, #tpu.memory_space<semaphore_mem>>)
    %add3A_40 = arith.constant 96 : i32
    %add3A_41 = arith.addi %mul3A_4, %add3A_40 : i32
    %dma_wait3A_42 = tpu.memref_slice %arg3[%add3A_41] : memref<331776xi32, #tpu.memory_space<hbm>> -> memref<96xi32, #tpu.memory_space<hbm>>
    %dma_wait3A_43 = tpu.memref_slice %arg3[%add3A_41] : memref<331776xi32, #tpu.memory_space<hbm>> -> memref<96xi32, #tpu.memory_space<hbm>>
    tpu.wait_dma2 semaphore(%arg23 : memref<!tpu.dma_semaphore, #tpu.memory_space<semaphore_mem>>) src(%dma_wait3A_43 : memref<96xi32, #tpu.memory_space<hbm>>) dst(%arg9 : memref<96xi32, #tpu.memory_space<vmem>>)
    %dma_start3A_44 = arith.constant 0 : i32
    %dma_start3A_45 = arith.constant 0 : i32
    %dma_start3A_46 = tpu.memref_slice %arg2[%dma_start3A_44, %dma_start3A_45] : memref<10000x128xf32, #tpu.memory_space<hbm>> -> memref<10000x128xf32, #tpu.memory_space<hbm>>
    tpu.enqueue_indirect_dma source(%dma_start3A_46 : memref<10000x128xf32, #tpu.memory_space<hbm>>) target(%arg17 : memref<96x128xf32, #tpu.memory_space<vmem>>) offsets(%arg9 : memref<96xi32, #tpu.memory_space<vmem>>) semaphore(%arg21 : memref<!tpu.dma_semaphore, #tpu.memory_space<semaphore_mem>>)
    %lt3A_47 = arith.constant 15 : i32
    %lt3A_48 = arith.cmpi slt, %arg1, %lt3A_47 : i32
    %convert_element_type3A_49 = arith.extui %lt3A_48 : i1 to i32
    %cond3A_50 = arith.constant 0 : i32
    %cond3A_51 = arith.cmpi ne, %convert_element_type3A_49, %cond3A_50 : i32
    scf.if %cond3A_51 {
      %dma_wait3A_100 = arith.constant 0 : i32
      %dma_wait3A_101 = tpu.memref_slice %arg20[%mul3A_2, %dma_wait3A_100] : memref<10008x128xf32, #tpu.memory_space<vmem_shared>> -> memref<624x128xf32, #tpu.memory_space<vmem_shared>>
      %dma_wait3A_102 = arith.constant 0 : i32
      %dma_wait3A_103 = tpu.memref_slice %arg5[%mul3A_2, %dma_wait3A_102] : memref<10000x128xf32, #tpu.memory_space<hbm>> -> memref<624x128xf32, #tpu.memory_space<hbm>>
      tpu.wait_dma2 semaphore(%arg22 : memref<!tpu.dma_semaphore, #tpu.memory_space<semaphore_mem>>) src(%dma_wait3A_103 : memref<624x128xf32, #tpu.memory_space<hbm>>) dst(%dma_wait3A_101 : memref<624x128xf32, #tpu.memory_space<vmem_shared>>)
    } else {
    }
    %eq3A_52 = arith.constant 15 : i32
    %eq3A_53 = arith.cmpi eq, %arg1, %eq3A_52 : i32
    %convert_element_type3A_54 = arith.extui %eq3A_53 : i1 to i32
    %cond3A_55 = arith.constant 0 : i32
    %cond3A_56 = arith.cmpi ne, %convert_element_type3A_54, %cond3A_55 : i32
    scf.if %cond3A_56 {
      %dma_wait3A_100 = arith.constant 0 : i32
      %dma_wait3A_101 = tpu.memref_slice %arg20[%mul3A_2, %dma_wait3A_100] : memref<10008x128xf32, #tpu.memory_space<vmem_shared>> -> memref<640x128xf32, #tpu.memory_space<vmem_shared>>
      %dma_wait3A_102 = arith.constant 0 : i32
      %dma_wait3A_103 = tpu.memref_slice %arg5[%mul3A_2, %dma_wait3A_102] : memref<10000x128xf32, #tpu.memory_space<hbm>> -> memref<640x128xf32, #tpu.memory_space<hbm>>
      tpu.wait_dma2 semaphore(%arg22 : memref<!tpu.dma_semaphore, #tpu.memory_space<semaphore_mem>>) src(%dma_wait3A_103 : memref<640x128xf32, #tpu.memory_space<hbm>>) dst(%dma_wait3A_101 : memref<640x128xf32, #tpu.memory_space<vmem_shared>>)
    } else {
    }
    %barrier3A = arith.constant 0 : index
    tpu.barrier barrier_id(%barrier3A)
    %scan3A = arith.constant 0 : i32
    %scan3A_57 = arith.constant 0 : i32
    %scan3A_58 = arith.constant 27 : i32
    %scan3A_59 = arith.addi %scan3A_57, %scan3A_58 : i32
    %scan3A_60 = arith.constant 1 : i32
    scf.for %scan3A_100 = %scan3A_57 to %scan3A_59 step %scan3A_60  : i32 {
      %mul3A_101 = arith.constant 4 : i32
      %mul3A_102 = arith.muli %mul3A_101, %scan3A_100 : i32
      %add3A_103 = arith.constant 0 : i32
      %add3A_104 = arith.addi %mul3A_102, %add3A_103 : i32
      %ge3A = arith.constant 2 : i32
      %ge3A_105 = arith.cmpi sge, %add3A_104, %ge3A : i32
      %convert_element_type3A_106 = arith.extui %ge3A_105 : i1 to i32
      %cond3A_107 = arith.constant 0 : i32
      %cond3A_108 = arith.cmpi ne, %convert_element_type3A_106, %cond3A_107 : i32
      scf.if %cond3A_108 {
        %dma_wait3A_236 = arith.constant 0 : i32
        %dma_wait3A_237 = arith.constant 0 : i32
        %dma_wait3A_238 = tpu.memref_slice %arg20[%dma_wait3A_236, %dma_wait3A_237] : memref<10008x128xf32, #tpu.memory_space<vmem_shared>> -> memref<10008x128xf32, #tpu.memory_space<vmem_shared>>
        tpu.wait_indirect_dma semaphore(%arg22 : memref<!tpu.dma_semaphore, #tpu.memory_space<semaphore_mem>>) src(%arg16 : memref<96x128xf32, #tpu.memory_space<vmem>>) dst(%dma_wait3A_238 : memref<10008x128xf32, #tpu.memory_space<vmem_shared>>)
      } else {
      }
      %add3A_109 = arith.constant 2 : i32
      %add3A_110 = arith.addi %add3A_104, %add3A_109 : i32
      %lt3A_111 = arith.constant 108 : i32
      %lt3A_112 = arith.cmpi slt, %add3A_110, %lt3A_111 : i32
      %convert_element_type3A_113 = arith.extui %lt3A_112 : i1 to i32
      %cond3A_114 = arith.constant 0 : i32
      %cond3A_115 = arith.cmpi ne, %convert_element_type3A_113, %cond3A_114 : i32
      scf.if %cond3A_115 {
        %add3A_236 = arith.constant 2 : i32
        %add3A_237 = arith.addi %add3A_104, %add3A_236 : i32
        %mul3A_238 = arith.constant 96 : i32
        %mul3A_239 = arith.muli %add3A_237, %mul3A_238 : i32
        %add3A_240 = arith.addi %mul3A_4, %mul3A_239 : i32
        %dma_wait3A_241 = tpu.memref_slice %arg3[%add3A_240] : memref<331776xi32, #tpu.memory_space<hbm>> -> memref<96xi32, #tpu.memory_space<hbm>>
        %dma_wait3A_242 = tpu.memref_slice %arg3[%add3A_240] : memref<331776xi32, #tpu.memory_space<hbm>> -> memref<96xi32, #tpu.memory_space<hbm>>
        tpu.wait_dma2 semaphore(%arg23 : memref<!tpu.dma_semaphore, #tpu.memory_space<semaphore_mem>>) src(%dma_wait3A_242 : memref<96xi32, #tpu.memory_space<hbm>>) dst(%arg10 : memref<96xi32, #tpu.memory_space<vmem>>)
        %dma_start3A_243 = arith.constant 0 : i32
        %dma_start3A_244 = arith.constant 0 : i32
        %dma_start3A_245 = tpu.memref_slice %arg2[%dma_start3A_243, %dma_start3A_244] : memref<10000x128xf32, #tpu.memory_space<hbm>> -> memref<10000x128xf32, #tpu.memory_space<hbm>>
        tpu.enqueue_indirect_dma source(%dma_start3A_245 : memref<10000x128xf32, #tpu.memory_space<hbm>>) target(%arg18 : memref<96x128xf32, #tpu.memory_space<vmem>>) offsets(%arg10 : memref<96xi32, #tpu.memory_space<vmem>>) semaphore(%arg21 : memref<!tpu.dma_semaphore, #tpu.memory_space<semaphore_mem>>)
        %add3A_246 = arith.constant 2 : i32
        %add3A_247 = arith.addi %add3A_104, %add3A_246 : i32
        %mul3A_248 = arith.constant 96 : i32
        %mul3A_249 = arith.muli %add3A_247, %mul3A_248 : i32
        %add3A_250 = arith.addi %mul3A_4, %mul3A_249 : i32
        %dma_start3A_251 = tpu.memref_slice %arg4[%add3A_250] : memref<331776xi32, #tpu.memory_space<hbm>> -> memref<96xi32, #tpu.memory_space<hbm>>
        %dma_start3A_252 = tpu.memref_slice %arg4[%add3A_250] : memref<331776xi32, #tpu.memory_space<hbm>> -> memref<96xi32, #tpu.memory_space<hbm>>
        tpu.enqueue_dma source(%dma_start3A_252 : memref<96xi32, #tpu.memory_space<hbm>>) target(%arg14 : memref<96xi32, #tpu.memory_space<vmem>>) target_semaphore(%arg24 : memref<!tpu.dma_semaphore, #tpu.memory_space<semaphore_mem>>)
      } else {
      }
      %dma_wait3A_116 = arith.constant 0 : i32
      %dma_wait3A_117 = arith.constant 0 : i32
      %dma_wait3A_118 = tpu.memref_slice %arg2[%dma_wait3A_116, %dma_wait3A_117] : memref<10000x128xf32, #tpu.memory_space<hbm>> -> memref<10000x128xf32, #tpu.memory_space<hbm>>
      tpu.wait_indirect_dma semaphore(%arg21 : memref<!tpu.dma_semaphore, #tpu.memory_space<semaphore_mem>>) src(%dma_wait3A_118 : memref<10000x128xf32, #tpu.memory_space<hbm>>) dst(%arg16 : memref<96x128xf32, #tpu.memory_space<vmem>>)
      %add3A_119 = arith.constant 4 : i32
      %add3A_120 = arith.addi %add3A_104, %add3A_119 : i32
      %lt3A_121 = arith.constant 108 : i32
      %lt3A_122 = arith.cmpi slt, %add3A_120, %lt3A_121 : i32
      %convert_element_type3A_123 = arith.extui %lt3A_122 : i1 to i32
      %cond3A_124 = arith.constant 0 : i32
      %cond3A_125 = arith.cmpi ne, %convert_element_type3A_123, %cond3A_124 : i32
      scf.if %cond3A_125 {
        %add3A_236 = arith.constant 4 : i32
        %add3A_237 = arith.addi %add3A_104, %add3A_236 : i32
        %mul3A_238 = arith.constant 96 : i32
        %mul3A_239 = arith.muli %add3A_237, %mul3A_238 : i32
        %add3A_240 = arith.addi %mul3A_4, %mul3A_239 : i32
        %dma_start3A_241 = tpu.memref_slice %arg3[%add3A_240] : memref<331776xi32, #tpu.memory_space<hbm>> -> memref<96xi32, #tpu.memory_space<hbm>>
        %dma_start3A_242 = tpu.memref_slice %arg3[%add3A_240] : memref<331776xi32, #tpu.memory_space<hbm>> -> memref<96xi32, #tpu.memory_space<hbm>>
        tpu.enqueue_dma source(%dma_start3A_242 : memref<96xi32, #tpu.memory_space<hbm>>) target(%arg8 : memref<96xi32, #tpu.memory_space<vmem>>) target_semaphore(%arg23 : memref<!tpu.dma_semaphore, #tpu.memory_space<semaphore_mem>>)
      } else {
      }
      %mul3A_126 = arith.constant 96 : i32
      %mul3A_127 = arith.muli %add3A_104, %mul3A_126 : i32
      %add3A_128 = arith.addi %mul3A_4, %mul3A_127 : i32
      %dma_wait3A_129 = tpu.memref_slice %arg4[%add3A_128] : memref<331776xi32, #tpu.memory_space<hbm>> -> memref<96xi32, #tpu.memory_space<hbm>>
      %dma_wait3A_130 = tpu.memref_slice %arg4[%add3A_128] : memref<331776xi32, #tpu.memory_space<hbm>> -> memref<96xi32, #tpu.memory_space<hbm>>
      tpu.wait_dma2 semaphore(%arg24 : memref<!tpu.dma_semaphore, #tpu.memory_space<semaphore_mem>>) src(%dma_wait3A_130 : memref<96xi32, #tpu.memory_space<hbm>>) dst(%arg12 : memref<96xi32, #tpu.memory_space<vmem>>)
      %dma_start3A_131 = arith.constant 0 : i32
      %dma_start3A_132 = arith.constant 0 : i32
      %dma_start3A_133 = tpu.memref_slice %arg20[%dma_start3A_131, %dma_start3A_132] : memref<10008x128xf32, #tpu.memory_space<vmem_shared>> -> memref<10008x128xf32, #tpu.memory_space<vmem_shared>>
      tpu.enqueue_indirect_dma source(%arg16 : memref<96x128xf32, #tpu.memory_space<vmem>>) target(%dma_start3A_133 : memref<10008x128xf32, #tpu.memory_space<vmem_shared>>) offsets(%arg12 : memref<96xi32, #tpu.memory_space<vmem>>) semaphore(%arg22 : memref<!tpu.dma_semaphore, #tpu.memory_space<semaphore_mem>>) {add = true}
      %mul3A_134 = arith.constant 4 : i32
      %mul3A_135 = arith.muli %mul3A_134, %scan3A_100 : i32
      %add3A_136 = arith.constant 1 : i32
      %add3A_137 = arith.addi %mul3A_135, %add3A_136 : i32
      %ge3A_138 = arith.constant 2 : i32
      %ge3A_139 = arith.cmpi sge, %add3A_137, %ge3A_138 : i32
      %convert_element_type3A_140 = arith.extui %ge3A_139 : i1 to i32
      %cond3A_141 = arith.constant 0 : i32
      %cond3A_142 = arith.cmpi ne, %convert_element_type3A_140, %cond3A_141 : i32
      scf.if %cond3A_142 {
        %dma_wait3A_236 = arith.constant 0 : i32
        %dma_wait3A_237 = arith.constant 0 : i32
        %dma_wait3A_238 = tpu.memref_slice %arg20[%dma_wait3A_236, %dma_wait3A_237] : memref<10008x128xf32, #tpu.memory_space<vmem_shared>> -> memref<10008x128xf32, #tpu.memory_space<vmem_shared>>
        tpu.wait_indirect_dma semaphore(%arg22 : memref<!tpu.dma_semaphore, #tpu.memory_space<semaphore_mem>>) src(%arg16 : memref<96x128xf32, #tpu.memory_space<vmem>>) dst(%dma_wait3A_238 : memref<10008x128xf32, #tpu.memory_space<vmem_shared>>)
      } else {
      }
      %add3A_143 = arith.constant 2 : i32
      %add3A_144 = arith.addi %add3A_137, %add3A_143 : i32
      %lt3A_145 = arith.constant 108 : i32
      %lt3A_146 = arith.cmpi slt, %add3A_144, %lt3A_145 : i32
      %convert_element_type3A_147 = arith.extui %lt3A_146 : i1 to i32
      %cond3A_148 = arith.constant 0 : i32
      %cond3A_149 = arith.cmpi ne, %convert_element_type3A_147, %cond3A_148 : i32
      scf.if %cond3A_149 {
        %add3A_236 = arith.constant 2 : i32
        %add3A_237 = arith.addi %add3A_137, %add3A_236 : i32
        %mul3A_238 = arith.constant 96 : i32
        %mul3A_239 = arith.muli %add3A_237, %mul3A_238 : i32
        %add3A_240 = arith.addi %mul3A_4, %mul3A_239 : i32
        %dma_wait3A_241 = tpu.memref_slice %arg3[%add3A_240] : memref<331776xi32, #tpu.memory_space<hbm>> -> memref<96xi32, #tpu.memory_space<hbm>>
        %dma_wait3A_242 = tpu.memref_slice %arg3[%add3A_240] : memref<331776xi32, #tpu.memory_space<hbm>> -> memref<96xi32, #tpu.memory_space<hbm>>
        tpu.wait_dma2 semaphore(%arg23 : memref<!tpu.dma_semaphore, #tpu.memory_space<semaphore_mem>>) src(%dma_wait3A_242 : memref<96xi32, #tpu.memory_space<hbm>>) dst(%arg11 : memref<96xi32, #tpu.memory_space<vmem>>)
        %dma_start3A_243 = arith.constant 0 : i32
        %dma_start3A_244 = arith.constant 0 : i32
        %dma_start3A_245 = tpu.memref_slice %arg2[%dma_start3A_243, %dma_start3A_244] : memref<10000x128xf32, #tpu.memory_space<hbm>> -> memref<10000x128xf32, #tpu.memory_space<hbm>>
        tpu.enqueue_indirect_dma source(%dma_start3A_245 : memref<10000x128xf32, #tpu.memory_space<hbm>>) target(%arg19 : memref<96x128xf32, #tpu.memory_space<vmem>>) offsets(%arg11 : memref<96xi32, #tpu.memory_space<vmem>>) semaphore(%arg21 : memref<!tpu.dma_semaphore, #tpu.memory_space<semaphore_mem>>)
        %add3A_246 = arith.constant 2 : i32
        %add3A_247 = arith.addi %add3A_137, %add3A_246 : i32
        %mul3A_248 = arith.constant 96 : i32
        %mul3A_249 = arith.muli %add3A_247, %mul3A_248 : i32
        %add3A_250 = arith.addi %mul3A_4, %mul3A_249 : i32
        %dma_start3A_251 = tpu.memref_slice %arg4[%add3A_250] : memref<331776xi32, #tpu.memory_space<hbm>> -> memref<96xi32, #tpu.memory_space<hbm>>
        %dma_start3A_252 = tpu.memref_slice %arg4[%add3A_250] : memref<331776xi32, #tpu.memory_space<hbm>> -> memref<96xi32, #tpu.memory_space<hbm>>
        tpu.enqueue_dma source(%dma_start3A_252 : memref<96xi32, #tpu.memory_space<hbm>>) target(%arg15 : memref<96xi32, #tpu.memory_space<vmem>>) target_semaphore(%arg24 : memref<!tpu.dma_semaphore, #tpu.memory_space<semaphore_mem>>)
      } else {
      }
      %dma_wait3A_150 = arith.constant 0 : i32
      %dma_wait3A_151 = arith.constant 0 : i32
      %dma_wait3A_152 = tpu.memref_slice %arg2[%dma_wait3A_150, %dma_wait3A_151] : memref<10000x128xf32, #tpu.memory_space<hbm>> -> memref<10000x128xf32, #tpu.memory_space<hbm>>
      tpu.wait_indirect_dma semaphore(%arg21 : memref<!tpu.dma_semaphore, #tpu.memory_space<semaphore_mem>>) src(%dma_wait3A_152 : memref<10000x128xf32, #tpu.memory_space<hbm>>) dst(%arg17 : memref<96x128xf32, #tpu.memory_space<vmem>>)
      %add3A_153 = arith.constant 4 : i32
      %add3A_154 = arith.addi %add3A_137, %add3A_153 : i32
      %lt3A_155 = arith.constant 108 : i32
      %lt3A_156 = arith.cmpi slt, %add3A_154, %lt3A_155 : i32
      %convert_element_type3A_157 = arith.extui %lt3A_156 : i1 to i32
      %cond3A_158 = arith.constant 0 : i32
      %cond3A_159 = arith.cmpi ne, %convert_element_type3A_157, %cond3A_158 : i32
      scf.if %cond3A_159 {
        %add3A_236 = arith.constant 4 : i32
        %add3A_237 = arith.addi %add3A_137, %add3A_236 : i32
        %mul3A_238 = arith.constant 96 : i32
        %mul3A_239 = arith.muli %add3A_237, %mul3A_238 : i32
        %add3A_240 = arith.addi %mul3A_4, %mul3A_239 : i32
        %dma_start3A_241 = tpu.memref_slice %arg3[%add3A_240] : memref<331776xi32, #tpu.memory_space<hbm>> -> memref<96xi32, #tpu.memory_space<hbm>>
        %dma_start3A_242 = tpu.memref_slice %arg3[%add3A_240] : memref<331776xi32, #tpu.memory_space<hbm>> -> memref<96xi32, #tpu.memory_space<hbm>>
        tpu.enqueue_dma source(%dma_start3A_242 : memref<96xi32, #tpu.memory_space<hbm>>) target(%arg9 : memref<96xi32, #tpu.memory_space<vmem>>) target_semaphore(%arg23 : memref<!tpu.dma_semaphore, #tpu.memory_space<semaphore_mem>>)
      } else {
      }
      %mul3A_160 = arith.constant 96 : i32
      %mul3A_161 = arith.muli %add3A_137, %mul3A_160 : i32
      %add3A_162 = arith.addi %mul3A_4, %mul3A_161 : i32
      %dma_wait3A_163 = tpu.memref_slice %arg4[%add3A_162] : memref<331776xi32, #tpu.memory_space<hbm>> -> memref<96xi32, #tpu.memory_space<hbm>>
      %dma_wait3A_164 = tpu.memref_slice %arg4[%add3A_162] : memref<331776xi32, #tpu.memory_space<hbm>> -> memref<96xi32, #tpu.memory_space<hbm>>
      tpu.wait_dma2 semaphore(%arg24 : memref<!tpu.dma_semaphore, #tpu.memory_space<semaphore_mem>>) src(%dma_wait3A_164 : memref<96xi32, #tpu.memory_space<hbm>>) dst(%arg13 : memref<96xi32, #tpu.memory_space<vmem>>)
      %dma_start3A_165 = arith.constant 0 : i32
      %dma_start3A_166 = arith.constant 0 : i32
      %dma_start3A_167 = tpu.memref_slice %arg20[%dma_start3A_165, %dma_start3A_166] : memref<10008x128xf32, #tpu.memory_space<vmem_shared>> -> memref<10008x128xf32, #tpu.memory_space<vmem_shared>>
      tpu.enqueue_indirect_dma source(%arg17 : memref<96x128xf32, #tpu.memory_space<vmem>>) target(%dma_start3A_167 : memref<10008x128xf32, #tpu.memory_space<vmem_shared>>) offsets(%arg13 : memref<96xi32, #tpu.memory_space<vmem>>) semaphore(%arg22 : memref<!tpu.dma_semaphore, #tpu.memory_space<semaphore_mem>>) {add = true}
      %mul3A_168 = arith.constant 4 : i32
      %mul3A_169 = arith.muli %mul3A_168, %scan3A_100 : i32
      %add3A_170 = arith.constant 2 : i32
      %add3A_171 = arith.addi %mul3A_169, %add3A_170 : i32
      %ge3A_172 = arith.constant 2 : i32
      %ge3A_173 = arith.cmpi sge, %add3A_171, %ge3A_172 : i32
      %convert_element_type3A_174 = arith.extui %ge3A_173 : i1 to i32
      %cond3A_175 = arith.constant 0 : i32
      %cond3A_176 = arith.cmpi ne, %convert_element_type3A_174, %cond3A_175 : i32
      scf.if %cond3A_176 {
        %dma_wait3A_236 = arith.constant 0 : i32
        %dma_wait3A_237 = arith.constant 0 : i32
        %dma_wait3A_238 = tpu.memref_slice %arg20[%dma_wait3A_236, %dma_wait3A_237] : memref<10008x128xf32, #tpu.memory_space<vmem_shared>> -> memref<10008x128xf32, #tpu.memory_space<vmem_shared>>
        tpu.wait_indirect_dma semaphore(%arg22 : memref<!tpu.dma_semaphore, #tpu.memory_space<semaphore_mem>>) src(%arg16 : memref<96x128xf32, #tpu.memory_space<vmem>>) dst(%dma_wait3A_238 : memref<10008x128xf32, #tpu.memory_space<vmem_shared>>)
      } else {
      }
      %add3A_177 = arith.constant 2 : i32
      %add3A_178 = arith.addi %add3A_171, %add3A_177 : i32
      %lt3A_179 = arith.constant 108 : i32
      %lt3A_180 = arith.cmpi slt, %add3A_178, %lt3A_179 : i32
      %convert_element_type3A_181 = arith.extui %lt3A_180 : i1 to i32
      %cond3A_182 = arith.constant 0 : i32
      %cond3A_183 = arith.cmpi ne, %convert_element_type3A_181, %cond3A_182 : i32
      scf.if %cond3A_183 {
        %add3A_236 = arith.constant 2 : i32
        %add3A_237 = arith.addi %add3A_171, %add3A_236 : i32
        %mul3A_238 = arith.constant 96 : i32
        %mul3A_239 = arith.muli %add3A_237, %mul3A_238 : i32
        %add3A_240 = arith.addi %mul3A_4, %mul3A_239 : i32
        %dma_wait3A_241 = tpu.memref_slice %arg3[%add3A_240] : memref<331776xi32, #tpu.memory_space<hbm>> -> memref<96xi32, #tpu.memory_space<hbm>>
        %dma_wait3A_242 = tpu.memref_slice %arg3[%add3A_240] : memref<331776xi32, #tpu.memory_space<hbm>> -> memref<96xi32, #tpu.memory_space<hbm>>
        tpu.wait_dma2 semaphore(%arg23 : memref<!tpu.dma_semaphore, #tpu.memory_space<semaphore_mem>>) src(%dma_wait3A_242 : memref<96xi32, #tpu.memory_space<hbm>>) dst(%arg8 : memref<96xi32, #tpu.memory_space<vmem>>)
        %dma_start3A_243 = arith.constant 0 : i32
        %dma_start3A_244 = arith.constant 0 : i32
        %dma_start3A_245 = tpu.memref_slice %arg2[%dma_start3A_243, %dma_start3A_244] : memref<10000x128xf32, #tpu.memory_space<hbm>> -> memref<10000x128xf32, #tpu.memory_space<hbm>>
        tpu.enqueue_indirect_dma source(%dma_start3A_245 : memref<10000x128xf32, #tpu.memory_space<hbm>>) target(%arg16 : memref<96x128xf32, #tpu.memory_space<vmem>>) offsets(%arg8 : memref<96xi32, #tpu.memory_space<vmem>>) semaphore(%arg21 : memref<!tpu.dma_semaphore, #tpu.memory_space<semaphore_mem>>)
        %add3A_246 = arith.constant 2 : i32
        %add3A_247 = arith.addi %add3A_171, %add3A_246 : i32
        %mul3A_248 = arith.constant 96 : i32
        %mul3A_249 = arith.muli %add3A_247, %mul3A_248 : i32
        %add3A_250 = arith.addi %mul3A_4, %mul3A_249 : i32
        %dma_start3A_251 = tpu.memref_slice %arg4[%add3A_250] : memref<331776xi32, #tpu.memory_space<hbm>> -> memref<96xi32, #tpu.memory_space<hbm>>
        %dma_start3A_252 = tpu.memref_slice %arg4[%add3A_250] : memref<331776xi32, #tpu.memory_space<hbm>> -> memref<96xi32, #tpu.memory_space<hbm>>
        tpu.enqueue_dma source(%dma_start3A_252 : memref<96xi32, #tpu.memory_space<hbm>>) target(%arg12 : memref<96xi32, #tpu.memory_space<vmem>>) target_semaphore(%arg24 : memref<!tpu.dma_semaphore, #tpu.memory_space<semaphore_mem>>)
      } else {
      }
      %dma_wait3A_184 = arith.constant 0 : i32
      %dma_wait3A_185 = arith.constant 0 : i32
      %dma_wait3A_186 = tpu.memref_slice %arg2[%dma_wait3A_184, %dma_wait3A_185] : memref<10000x128xf32, #tpu.memory_space<hbm>> -> memref<10000x128xf32, #tpu.memory_space<hbm>>
      tpu.wait_indirect_dma semaphore(%arg21 : memref<!tpu.dma_semaphore, #tpu.memory_space<semaphore_mem>>) src(%dma_wait3A_186 : memref<10000x128xf32, #tpu.memory_space<hbm>>) dst(%arg18 : memref<96x128xf32, #tpu.memory_space<vmem>>)
      %add3A_187 = arith.constant 4 : i32
      %add3A_188 = arith.addi %add3A_171, %add3A_187 : i32
      %lt3A_189 = arith.constant 108 : i32
      %lt3A_190 = arith.cmpi slt, %add3A_188, %lt3A_189 : i32
      %convert_element_type3A_191 = arith.extui %lt3A_190 : i1 to i32
      %cond3A_192 = arith.constant 0 : i32
      %cond3A_193 = arith.cmpi ne, %convert_element_type3A_191, %cond3A_192 : i32
      scf.if %cond3A_193 {
        %add3A_236 = arith.constant 4 : i32
        %add3A_237 = arith.addi %add3A_171, %add3A_236 : i32
        %mul3A_238 = arith.constant 96 : i32
        %mul3A_239 = arith.muli %add3A_237, %mul3A_238 : i32
        %add3A_240 = arith.addi %mul3A_4, %mul3A_239 : i32
        %dma_start3A_241 = tpu.memref_slice %arg3[%add3A_240] : memref<331776xi32, #tpu.memory_space<hbm>> -> memref<96xi32, #tpu.memory_space<hbm>>
        %dma_start3A_242 = tpu.memref_slice %arg3[%add3A_240] : memref<331776xi32, #tpu.memory_space<hbm>> -> memref<96xi32, #tpu.memory_space<hbm>>
        tpu.enqueue_dma source(%dma_start3A_242 : memref<96xi32, #tpu.memory_space<hbm>>) target(%arg10 : memref<96xi32, #tpu.memory_space<vmem>>) target_semaphore(%arg23 : memref<!tpu.dma_semaphore, #tpu.memory_space<semaphore_mem>>)
      } else {
      }
      %mul3A_194 = arith.constant 96 : i32
      %mul3A_195 = arith.muli %add3A_171, %mul3A_194 : i32
      %add3A_196 = arith.addi %mul3A_4, %mul3A_195 : i32
      %dma_wait3A_197 = tpu.memref_slice %arg4[%add3A_196] : memref<331776xi32, #tpu.memory_space<hbm>> -> memref<96xi32, #tpu.memory_space<hbm>>
      %dma_wait3A_198 = tpu.memref_slice %arg4[%add3A_196] : memref<331776xi32, #tpu.memory_space<hbm>> -> memref<96xi32, #tpu.memory_space<hbm>>
      tpu.wait_dma2 semaphore(%arg24 : memref<!tpu.dma_semaphore, #tpu.memory_space<semaphore_mem>>) src(%dma_wait3A_198 : memref<96xi32, #tpu.memory_space<hbm>>) dst(%arg14 : memref<96xi32, #tpu.memory_space<vmem>>)
      %dma_start3A_199 = arith.constant 0 : i32
      %dma_start3A_200 = arith.constant 0 : i32
      %dma_start3A_201 = tpu.memref_slice %arg20[%dma_start3A_199, %dma_start3A_200] : memref<10008x128xf32, #tpu.memory_space<vmem_shared>> -> memref<10008x128xf32, #tpu.memory_space<vmem_shared>>
      tpu.enqueue_indirect_dma source(%arg18 : memref<96x128xf32, #tpu.memory_space<vmem>>) target(%dma_start3A_201 : memref<10008x128xf32, #tpu.memory_space<vmem_shared>>) offsets(%arg14 : memref<96xi32, #tpu.memory_space<vmem>>) semaphore(%arg22 : memref<!tpu.dma_semaphore, #tpu.memory_space<semaphore_mem>>) {add = true}
      %mul3A_202 = arith.constant 4 : i32
      %mul3A_203 = arith.muli %mul3A_202, %scan3A_100 : i32
      %add3A_204 = arith.constant 3 : i32
      %add3A_205 = arith.addi %mul3A_203, %add3A_204 : i32
      %ge3A_206 = arith.constant 2 : i32
      %ge3A_207 = arith.cmpi sge, %add3A_205, %ge3A_206 : i32
      %convert_element_type3A_208 = arith.extui %ge3A_207 : i1 to i32
      %cond3A_209 = arith.constant 0 : i32
      %cond3A_210 = arith.cmpi ne, %convert_element_type3A_208, %cond3A_209 : i32
      scf.if %cond3A_210 {
        %dma_wait3A_236 = arith.constant 0 : i32
        %dma_wait3A_237 = arith.constant 0 : i32
        %dma_wait3A_238 = tpu.memref_slice %arg20[%dma_wait3A_236, %dma_wait3A_237] : memref<10008x128xf32, #tpu.memory_space<vmem_shared>> -> memref<10008x128xf32, #tpu.memory_space<vmem_shared>>
        tpu.wait_indirect_dma semaphore(%arg22 : memref<!tpu.dma_semaphore, #tpu.memory_space<semaphore_mem>>) src(%arg16 : memref<96x128xf32, #tpu.memory_space<vmem>>) dst(%dma_wait3A_238 : memref<10008x128xf32, #tpu.memory_space<vmem_shared>>)
      } else {
      }
      %add3A_211 = arith.constant 2 : i32
      %add3A_212 = arith.addi %add3A_205, %add3A_211 : i32
      %lt3A_213 = arith.constant 108 : i32
      %lt3A_214 = arith.cmpi slt, %add3A_212, %lt3A_213 : i32
      %convert_element_type3A_215 = arith.extui %lt3A_214 : i1 to i32
      %cond3A_216 = arith.constant 0 : i32
      %cond3A_217 = arith.cmpi ne, %convert_element_type3A_215, %cond3A_216 : i32
      scf.if %cond3A_217 {
        %add3A_236 = arith.constant 2 : i32
        %add3A_237 = arith.addi %add3A_205, %add3A_236 : i32
        %mul3A_238 = arith.constant 96 : i32
        %mul3A_239 = arith.muli %add3A_237, %mul3A_238 : i32
        %add3A_240 = arith.addi %mul3A_4, %mul3A_239 : i32
        %dma_wait3A_241 = tpu.memref_slice %arg3[%add3A_240] : memref<331776xi32, #tpu.memory_space<hbm>> -> memref<96xi32, #tpu.memory_space<hbm>>
        %dma_wait3A_242 = tpu.memref_slice %arg3[%add3A_240] : memref<331776xi32, #tpu.memory_space<hbm>> -> memref<96xi32, #tpu.memory_space<hbm>>
        tpu.wait_dma2 semaphore(%arg23 : memref<!tpu.dma_semaphore, #tpu.memory_space<semaphore_mem>>) src(%dma_wait3A_242 : memref<96xi32, #tpu.memory_space<hbm>>) dst(%arg9 : memref<96xi32, #tpu.memory_space<vmem>>)
        %dma_start3A_243 = arith.constant 0 : i32
        %dma_start3A_244 = arith.constant 0 : i32
        %dma_start3A_245 = tpu.memref_slice %arg2[%dma_start3A_243, %dma_start3A_244] : memref<10000x128xf32, #tpu.memory_space<hbm>> -> memref<10000x128xf32, #tpu.memory_space<hbm>>
        tpu.enqueue_indirect_dma source(%dma_start3A_245 : memref<10000x128xf32, #tpu.memory_space<hbm>>) target(%arg17 : memref<96x128xf32, #tpu.memory_space<vmem>>) offsets(%arg9 : memref<96xi32, #tpu.memory_space<vmem>>) semaphore(%arg21 : memref<!tpu.dma_semaphore, #tpu.memory_space<semaphore_mem>>)
        %add3A_246 = arith.constant 2 : i32
        %add3A_247 = arith.addi %add3A_205, %add3A_246 : i32
        %mul3A_248 = arith.constant 96 : i32
        %mul3A_249 = arith.muli %add3A_247, %mul3A_248 : i32
        %add3A_250 = arith.addi %mul3A_4, %mul3A_249 : i32
        %dma_start3A_251 = tpu.memref_slice %arg4[%add3A_250] : memref<331776xi32, #tpu.memory_space<hbm>> -> memref<96xi32, #tpu.memory_space<hbm>>
        %dma_start3A_252 = tpu.memref_slice %arg4[%add3A_250] : memref<331776xi32, #tpu.memory_space<hbm>> -> memref<96xi32, #tpu.memory_space<hbm>>
        tpu.enqueue_dma source(%dma_start3A_252 : memref<96xi32, #tpu.memory_space<hbm>>) target(%arg13 : memref<96xi32, #tpu.memory_space<vmem>>) target_semaphore(%arg24 : memref<!tpu.dma_semaphore, #tpu.memory_space<semaphore_mem>>)
      } else {
      }
      %dma_wait3A_218 = arith.constant 0 : i32
      %dma_wait3A_219 = arith.constant 0 : i32
      %dma_wait3A_220 = tpu.memref_slice %arg2[%dma_wait3A_218, %dma_wait3A_219] : memref<10000x128xf32, #tpu.memory_space<hbm>> -> memref<10000x128xf32, #tpu.memory_space<hbm>>
      tpu.wait_indirect_dma semaphore(%arg21 : memref<!tpu.dma_semaphore, #tpu.memory_space<semaphore_mem>>) src(%dma_wait3A_220 : memref<10000x128xf32, #tpu.memory_space<hbm>>) dst(%arg19 : memref<96x128xf32, #tpu.memory_space<vmem>>)
      %add3A_221 = arith.constant 4 : i32
      %add3A_222 = arith.addi %add3A_205, %add3A_221 : i32
      %lt3A_223 = arith.constant 108 : i32
      %lt3A_224 = arith.cmpi slt, %add3A_222, %lt3A_223 : i32
      %convert_element_type3A_225 = arith.extui %lt3A_224 : i1 to i32
      %cond3A_226 = arith.constant 0 : i32
      %cond3A_227 = arith.cmpi ne, %convert_element_type3A_225, %cond3A_226 : i32
      scf.if %cond3A_227 {
        %add3A_236 = arith.constant 4 : i32
        %add3A_237 = arith.addi %add3A_205, %add3A_236 : i32
        %mul3A_238 = arith.constant 96 : i32
        %mul3A_239 = arith.muli %add3A_237, %mul3A_238 : i32
        %add3A_240 = arith.addi %mul3A_4, %mul3A_239 : i32
        %dma_start3A_241 = tpu.memref_slice %arg3[%add3A_240] : memref<331776xi32, #tpu.memory_space<hbm>> -> memref<96xi32, #tpu.memory_space<hbm>>
        %dma_start3A_242 = tpu.memref_slice %arg3[%add3A_240] : memref<331776xi32, #tpu.memory_space<hbm>> -> memref<96xi32, #tpu.memory_space<hbm>>
        tpu.enqueue_dma source(%dma_start3A_242 : memref<96xi32, #tpu.memory_space<hbm>>) target(%arg11 : memref<96xi32, #tpu.memory_space<vmem>>) target_semaphore(%arg23 : memref<!tpu.dma_semaphore, #tpu.memory_space<semaphore_mem>>)
      } else {
      }
      %mul3A_228 = arith.constant 96 : i32
      %mul3A_229 = arith.muli %add3A_205, %mul3A_228 : i32
      %add3A_230 = arith.addi %mul3A_4, %mul3A_229 : i32
      %dma_wait3A_231 = tpu.memref_slice %arg4[%add3A_230] : memref<331776xi32, #tpu.memory_space<hbm>> -> memref<96xi32, #tpu.memory_space<hbm>>
      %dma_wait3A_232 = tpu.memref_slice %arg4[%add3A_230] : memref<331776xi32, #tpu.memory_space<hbm>> -> memref<96xi32, #tpu.memory_space<hbm>>
      tpu.wait_dma2 semaphore(%arg24 : memref<!tpu.dma_semaphore, #tpu.memory_space<semaphore_mem>>) src(%dma_wait3A_232 : memref<96xi32, #tpu.memory_space<hbm>>) dst(%arg15 : memref<96xi32, #tpu.memory_space<vmem>>)
      %dma_start3A_233 = arith.constant 0 : i32
      %dma_start3A_234 = arith.constant 0 : i32
      %dma_start3A_235 = tpu.memref_slice %arg20[%dma_start3A_233, %dma_start3A_234] : memref<10008x128xf32, #tpu.memory_space<vmem_shared>> -> memref<10008x128xf32, #tpu.memory_space<vmem_shared>>
      tpu.enqueue_indirect_dma source(%arg19 : memref<96x128xf32, #tpu.memory_space<vmem>>) target(%dma_start3A_235 : memref<10008x128xf32, #tpu.memory_space<vmem_shared>>) offsets(%arg15 : memref<96xi32, #tpu.memory_space<vmem>>) semaphore(%arg22 : memref<!tpu.dma_semaphore, #tpu.memory_space<semaphore_mem>>) {add = true}
    }
    %scan3A_61 = arith.constant 27 : i32
    %dma_wait3A_62 = arith.constant 0 : i32
    %dma_wait3A_63 = arith.constant 0 : i32
    %dma_wait3A_64 = tpu.memref_slice %arg20[%dma_wait3A_62, %dma_wait3A_63] : memref<10008x128xf32, #tpu.memory_space<vmem_shared>> -> memref<10008x128xf32, #tpu.memory_space<vmem_shared>>
    tpu.wait_indirect_dma semaphore(%arg22 : memref<!tpu.dma_semaphore, #tpu.memory_space<semaphore_mem>>) src(%arg16 : memref<96x128xf32, #tpu.memory_space<vmem>>) dst(%dma_wait3A_64 : memref<10008x128xf32, #tpu.memory_space<vmem_shared>>)
    %dma_wait3A_65 = arith.constant 0 : i32
    %dma_wait3A_66 = arith.constant 0 : i32
    %dma_wait3A_67 = tpu.memref_slice %arg20[%dma_wait3A_65, %dma_wait3A_66] : memref<10008x128xf32, #tpu.memory_space<vmem_shared>> -> memref<10008x128xf32, #tpu.memory_space<vmem_shared>>
    tpu.wait_indirect_dma semaphore(%arg22 : memref<!tpu.dma_semaphore, #tpu.memory_space<semaphore_mem>>) src(%arg16 : memref<96x128xf32, #tpu.memory_space<vmem>>) dst(%dma_wait3A_67 : memref<10008x128xf32, #tpu.memory_space<vmem_shared>>)
    %barrier3A_68 = arith.constant 0 : index
    tpu.barrier barrier_id(%barrier3A_68)
    %eq3A_69 = arith.constant 0 : i32
    %eq3A_70 = arith.cmpi eq, %arg0, %eq3A_69 : i32
    %lt3A_71 = arith.constant 15 : i32
    %lt3A_72 = arith.cmpi slt, %arg1, %lt3A_71 : i32
    %and3A = arith.andi %eq3A_70, %lt3A_72 : i1
    %convert_element_type3A_73 = arith.extui %and3A : i1 to i32
    %cond3A_74 = arith.constant 0 : i32
    %cond3A_75 = arith.cmpi ne, %convert_element_type3A_73, %cond3A_74 : i32
    scf.if %cond3A_75 {
      "tpu.region"() ({
        %run_scoped3A = tpu.sem_alloc : memref<!tpu.dma_semaphore, #tpu.memory_space<semaphore_mem>>
        %dma_start3A_100 = arith.constant 0 : i32
        %dma_start3A_101 = tpu.memref_slice %arg6[%mul3A_2, %dma_start3A_100] : memref<10000x128xf32, #tpu.memory_space<hbm>> -> memref<624x128xf32, #tpu.memory_space<hbm>>
        %dma_start3A_102 = arith.constant 0 : i32
        %dma_start3A_103 = tpu.memref_slice %arg20[%mul3A_2, %dma_start3A_102] : memref<10008x128xf32, #tpu.memory_space<vmem_shared>> -> memref<624x128xf32, #tpu.memory_space<vmem_shared>>
        tpu.enqueue_dma source(%dma_start3A_103 : memref<624x128xf32, #tpu.memory_space<vmem_shared>>) target(%dma_start3A_101 : memref<624x128xf32, #tpu.memory_space<hbm>>) target_semaphore(%run_scoped3A : memref<!tpu.dma_semaphore, #tpu.memory_space<semaphore_mem>>)
        %dma_wait3A_104 = arith.constant 0 : i32
        %dma_wait3A_105 = tpu.memref_slice %arg6[%mul3A_2, %dma_wait3A_104] : memref<10000x128xf32, #tpu.memory_space<hbm>> -> memref<624x128xf32, #tpu.memory_space<hbm>>
        %dma_wait3A_106 = arith.constant 0 : i32
        %dma_wait3A_107 = tpu.memref_slice %arg20[%mul3A_2, %dma_wait3A_106] : memref<10008x128xf32, #tpu.memory_space<vmem_shared>> -> memref<624x128xf32, #tpu.memory_space<vmem_shared>>
        tpu.wait_dma2 semaphore(%run_scoped3A : memref<!tpu.dma_semaphore, #tpu.memory_space<semaphore_mem>>) src(%dma_wait3A_107 : memref<624x128xf32, #tpu.memory_space<vmem_shared>>) dst(%dma_wait3A_105 : memref<624x128xf32, #tpu.memory_space<hbm>>)
        tpu.yield
      }) : () -> ()
    } else {
    }
    %eq3A_76 = arith.constant 0 : i32
    %eq3A_77 = arith.cmpi eq, %arg0, %eq3A_76 : i32
    %eq3A_78 = arith.constant 15 : i32
    %eq3A_79 = arith.cmpi eq, %arg1, %eq3A_78 : i32
    %and3A_80 = arith.andi %eq3A_77, %eq3A_79 : i1
    %convert_element_type3A_81 = arith.extui %and3A_80 : i1 to i32
    %cond3A_82 = arith.constant 0 : i32
    %cond3A_83 = arith.cmpi ne, %convert_element_type3A_81, %cond3A_82 : i32
    scf.if %cond3A_83 {
      "tpu.region"() ({
        %run_scoped3A = tpu.sem_alloc : memref<!tpu.dma_semaphore, #tpu.memory_space<semaphore_mem>>
        %dma_start3A_100 = arith.constant 0 : i32
        %dma_start3A_101 = tpu.memref_slice %arg6[%mul3A_2, %dma_start3A_100] : memref<10000x128xf32, #tpu.memory_space<hbm>> -> memref<640x128xf32, #tpu.memory_space<hbm>>
        %dma_start3A_102 = arith.constant 0 : i32
        %dma_start3A_103 = tpu.memref_slice %arg20[%mul3A_2, %dma_start3A_102] : memref<10008x128xf32, #tpu.memory_space<vmem_shared>> -> memref<640x128xf32, #tpu.memory_space<vmem_shared>>
        tpu.enqueue_dma source(%dma_start3A_103 : memref<640x128xf32, #tpu.memory_space<vmem_shared>>) target(%dma_start3A_101 : memref<640x128xf32, #tpu.memory_space<hbm>>) target_semaphore(%run_scoped3A : memref<!tpu.dma_semaphore, #tpu.memory_space<semaphore_mem>>)
        %dma_wait3A_104 = arith.constant 0 : i32
        %dma_wait3A_105 = tpu.memref_slice %arg6[%mul3A_2, %dma_wait3A_104] : memref<10000x128xf32, #tpu.memory_space<hbm>> -> memref<640x128xf32, #tpu.memory_space<hbm>>
        %dma_wait3A_106 = arith.constant 0 : i32
        %dma_wait3A_107 = tpu.memref_slice %arg20[%mul3A_2, %dma_wait3A_106] : memref<10008x128xf32, #tpu.memory_space<vmem_shared>> -> memref<640x128xf32, #tpu.memory_space<vmem_shared>>
        tpu.wait_dma2 semaphore(%run_scoped3A : memref<!tpu.dma_semaphore, #tpu.memory_space<semaphore_mem>>) src(%dma_wait3A_107 : memref<640x128xf32, #tpu.memory_space<vmem_shared>>) dst(%dma_wait3A_105 : memref<640x128xf32, #tpu.memory_space<hbm>>)
        tpu.yield
      }) : () -> ()
    } else {
    }
    %eq3A_84 = arith.constant 1 : i32
    %eq3A_85 = arith.cmpi eq, %arg0, %eq3A_84 : i32
    %lt3A_86 = arith.constant 15 : i32
    %lt3A_87 = arith.cmpi slt, %arg1, %lt3A_86 : i32
    %and3A_88 = arith.andi %eq3A_85, %lt3A_87 : i1
    %convert_element_type3A_89 = arith.extui %and3A_88 : i1 to i32
    %cond3A_90 = arith.constant 0 : i32
    %cond3A_91 = arith.cmpi ne, %convert_element_type3A_89, %cond3A_90 : i32
    scf.if %cond3A_91 {
      "tpu.region"() ({
        %run_scoped3A = tpu.sem_alloc : memref<!tpu.dma_semaphore, #tpu.memory_space<semaphore_mem>>
        %dma_start3A_100 = arith.constant 0 : i32
        %dma_start3A_101 = tpu.memref_slice %arg7[%mul3A_2, %dma_start3A_100] : memref<10000x128xf32, #tpu.memory_space<hbm>> -> memref<624x128xf32, #tpu.memory_space<hbm>>
        %dma_start3A_102 = arith.constant 0 : i32
        %dma_start3A_103 = tpu.memref_slice %arg20[%mul3A_2, %dma_start3A_102] : memref<10008x128xf32, #tpu.memory_space<vmem_shared>> -> memref<624x128xf32, #tpu.memory_space<vmem_shared>>
        tpu.enqueue_dma source(%dma_start3A_103 : memref<624x128xf32, #tpu.memory_space<vmem_shared>>) target(%dma_start3A_101 : memref<624x128xf32, #tpu.memory_space<hbm>>) target_semaphore(%run_scoped3A : memref<!tpu.dma_semaphore, #tpu.memory_space<semaphore_mem>>)
        %dma_wait3A_104 = arith.constant 0 : i32
        %dma_wait3A_105 = tpu.memref_slice %arg7[%mul3A_2, %dma_wait3A_104] : memref<10000x128xf32, #tpu.memory_space<hbm>> -> memref<624x128xf32, #tpu.memory_space<hbm>>
        %dma_wait3A_106 = arith.constant 0 : i32
        %dma_wait3A_107 = tpu.memref_slice %arg20[%mul3A_2, %dma_wait3A_106] : memref<10008x128xf32, #tpu.memory_space<vmem_shared>> -> memref<624x128xf32, #tpu.memory_space<vmem_shared>>
        tpu.wait_dma2 semaphore(%run_scoped3A : memref<!tpu.dma_semaphore, #tpu.memory_space<semaphore_mem>>) src(%dma_wait3A_107 : memref<624x128xf32, #tpu.memory_space<vmem_shared>>) dst(%dma_wait3A_105 : memref<624x128xf32, #tpu.memory_space<hbm>>)
        tpu.yield
      }) : () -> ()
    } else {
    }
    %eq3A_92 = arith.constant 1 : i32
    %eq3A_93 = arith.cmpi eq, %arg0, %eq3A_92 : i32
    %eq3A_94 = arith.constant 15 : i32
    %eq3A_95 = arith.cmpi eq, %arg1, %eq3A_94 : i32
    %and3A_96 = arith.andi %eq3A_93, %eq3A_95 : i1
    %convert_element_type3A_97 = arith.extui %and3A_96 : i1 to i32
    %cond3A_98 = arith.constant 0 : i32
    %cond3A_99 = arith.cmpi ne, %convert_element_type3A_97, %cond3A_98 : i32
    scf.if %cond3A_99 {
      "tpu.region"() ({
        %run_scoped3A = tpu.sem_alloc : memref<!tpu.dma_semaphore, #tpu.memory_space<semaphore_mem>>
        %dma_start3A_100 = arith.constant 0 : i32
        %dma_start3A_101 = tpu.memref_slice %arg7[%mul3A_2, %dma_start3A_100] : memref<10000x128xf32, #tpu.memory_space<hbm>> -> memref<640x128xf32, #tpu.memory_space<hbm>>
        %dma_start3A_102 = arith.constant 0 : i32
        %dma_start3A_103 = tpu.memref_slice %arg20[%mul3A_2, %dma_start3A_102] : memref<10008x128xf32, #tpu.memory_space<vmem_shared>> -> memref<640x128xf32, #tpu.memory_space<vmem_shared>>
        tpu.enqueue_dma source(%dma_start3A_103 : memref<640x128xf32, #tpu.memory_space<vmem_shared>>) target(%dma_start3A_101 : memref<640x128xf32, #tpu.memory_space<hbm>>) target_semaphore(%run_scoped3A : memref<!tpu.dma_semaphore, #tpu.memory_space<semaphore_mem>>)
        %dma_wait3A_104 = arith.constant 0 : i32
        %dma_wait3A_105 = tpu.memref_slice %arg7[%mul3A_2, %dma_wait3A_104] : memref<10000x128xf32, #tpu.memory_space<hbm>> -> memref<640x128xf32, #tpu.memory_space<hbm>>
        %dma_wait3A_106 = arith.constant 0 : i32
        %dma_wait3A_107 = tpu.memref_slice %arg20[%mul3A_2, %dma_wait3A_106] : memref<10008x128xf32, #tpu.memory_space<vmem_shared>> -> memref<640x128xf32, #tpu.memory_space<vmem_shared>>
        tpu.wait_dma2 semaphore(%run_scoped3A : memref<!tpu.dma_semaphore, #tpu.memory_space<semaphore_mem>>) src(%dma_wait3A_107 : memref<640x128xf32, #tpu.memory_space<vmem_shared>>) dst(%dma_wait3A_105 : memref<640x128xf32, #tpu.memory_space<hbm>>)
        tpu.yield
      }) : () -> ()
    } else {
    }
    return
  }
}

#map = affine_map<(d0, d1) -> (0, 0)>
#map1 = affine_map<(d0, d1) -> (0)>
module attributes {stable_mosaic.version = 14 : i64} {
  func.func @_sc_agg(%arg0: i32, %arg1: i32, %arg2: memref<10000x128xf32, #tpu.memory_space<hbm>>, %arg3: memref<331776xi32, #tpu.memory_space<hbm>>, %arg4: memref<331776xi32, #tpu.memory_space<hbm>>, %arg5: memref<10000x128xf32, #tpu.memory_space<hbm>>, %arg6: memref<10000x128xf32, #tpu.memory_space<hbm>>, %arg7: memref<10000x128xf32, #tpu.memory_space<hbm>>, %arg8: memref<96xi32, #tpu.memory_space<vmem>>, %arg9: memref<96xi32, #tpu.memory_space<vmem>>, %arg10: memref<96xi32, #tpu.memory_space<vmem>>, %arg11: memref<96xi32, #tpu.memory_space<vmem>>, %arg12: memref<96xi32, #tpu.memory_space<vmem>>, %arg13: memref<96xi32, #tpu.memory_space<vmem>>, %arg14: memref<96xi32, #tpu.memory_space<vmem>>, %arg15: memref<96xi32, #tpu.memory_space<vmem>>, %arg16: memref<96x128xf32, #tpu.memory_space<vmem>>, %arg17: memref<96x128xf32, #tpu.memory_space<vmem>>, %arg18: memref<96x128xf32, #tpu.memory_space<vmem>>, %arg19: memref<96x128xf32, #tpu.memory_space<vmem>>, %arg20: memref<10008x128xf32, #tpu.memory_space<vmem_shared>>, %arg21: memref<!tpu.dma_semaphore, #tpu.memory_space<semaphore_mem>>, %arg22: memref<!tpu.dma_semaphore, #tpu.memory_space<semaphore_mem>>, %arg23: memref<!tpu.dma_semaphore, #tpu.memory_space<semaphore_mem>>, %arg24: memref<!tpu.dma_semaphore, #tpu.memory_space<semaphore_mem>>) attributes {dimension_semantics = [#tpu.dimension_semantics<core_parallel>, #tpu.dimension_semantics<subcore_parallel>], iteration_bounds = array<i64: 2, 16>, scalar_prefetch = 0 : i64, scratch_operands = 17 : i64, tpu.core_type = #tpu.core_type<sc_vector_subcore>, window_params = [{transform_indices = #map}, {transform_indices = #map1}, {transform_indices = #map1}, {transform_indices = #map}, {transform_indices = #map}, {transform_indices = #map}]} {
    %mul3A = arith.constant 16 : i32
    %mul3A_0 = arith.muli %arg0, %mul3A : i32
    %add3A = arith.addi %mul3A_0, %arg1 : i32
    %mul3A_1 = arith.constant 624 : i32
    %mul3A_2 = arith.muli %arg1, %mul3A_1 : i32
    %mul3A_3 = arith.constant 10368 : i32
    %mul3A_4 = arith.muli %add3A, %mul3A_3 : i32
    %lt3A = arith.constant 15 : i32
    %lt3A_5 = arith.cmpi slt, %arg1, %lt3A : i32
    %convert_element_type3A = arith.extui %lt3A_5 : i1 to i32
    %cond3A = arith.constant 0 : i32
    %cond3A_6 = arith.cmpi ne, %convert_element_type3A, %cond3A : i32
    scf.if %cond3A_6 {
      %dma_start3A_100 = arith.constant 0 : i32
      %dma_start3A_101 = tpu.memref_slice %arg20[%mul3A_2, %dma_start3A_100] : memref<10008x128xf32, #tpu.memory_space<vmem_shared>> -> memref<624x128xf32, #tpu.memory_space<vmem_shared>>
      %dma_start3A_102 = arith.constant 0 : i32
      %dma_start3A_103 = tpu.memref_slice %arg5[%mul3A_2, %dma_start3A_102] : memref<10000x128xf32, #tpu.memory_space<hbm>> -> memref<624x128xf32, #tpu.memory_space<hbm>>
      tpu.enqueue_dma source(%dma_start3A_103 : memref<624x128xf32, #tpu.memory_space<hbm>>) target(%dma_start3A_101 : memref<624x128xf32, #tpu.memory_space<vmem_shared>>) target_semaphore(%arg22 : memref<!tpu.dma_semaphore, #tpu.memory_space<semaphore_mem>>)
    } else {
    }
    %eq3A = arith.constant 15 : i32
    %eq3A_7 = arith.cmpi eq, %arg1, %eq3A : i32
    %convert_element_type3A_8 = arith.extui %eq3A_7 : i1 to i32
    %cond3A_9 = arith.constant 0 : i32
    %cond3A_10 = arith.cmpi ne, %convert_element_type3A_8, %cond3A_9 : i32
    scf.if %cond3A_10 {
      %dma_start3A_100 = arith.constant 0 : i32
      %dma_start3A_101 = tpu.memref_slice %arg20[%mul3A_2, %dma_start3A_100] : memref<10008x128xf32, #tpu.memory_space<vmem_shared>> -> memref<640x128xf32, #tpu.memory_space<vmem_shared>>
      %dma_start3A_102 = arith.constant 0 : i32
      %dma_start3A_103 = tpu.memref_slice %arg5[%mul3A_2, %dma_start3A_102] : memref<10000x128xf32, #tpu.memory_space<hbm>> -> memref<640x128xf32, #tpu.memory_space<hbm>>
      tpu.enqueue_dma source(%dma_start3A_103 : memref<640x128xf32, #tpu.memory_space<hbm>>) target(%dma_start3A_101 : memref<640x128xf32, #tpu.memory_space<vmem_shared>>) target_semaphore(%arg22 : memref<!tpu.dma_semaphore, #tpu.memory_space<semaphore_mem>>)
    } else {
    }
    %add3A_11 = arith.constant 0 : i32
    %add3A_12 = arith.addi %mul3A_4, %add3A_11 : i32
    %dma_start3A = tpu.memref_slice %arg3[%add3A_12] : memref<331776xi32, #tpu.memory_space<hbm>> -> memref<96xi32, #tpu.memory_space<hbm>>
    %dma_start3A_13 = tpu.memref_slice %arg3[%add3A_12] : memref<331776xi32, #tpu.memory_space<hbm>> -> memref<96xi32, #tpu.memory_space<hbm>>
    tpu.enqueue_dma source(%dma_start3A_13 : memref<96xi32, #tpu.memory_space<hbm>>) target(%arg8 : memref<96xi32, #tpu.memory_space<vmem>>) target_semaphore(%arg23 : memref<!tpu.dma_semaphore, #tpu.memory_space<semaphore_mem>>)
    %add3A_14 = arith.constant 96 : i32
    %add3A_15 = arith.addi %mul3A_4, %add3A_14 : i32
    %dma_start3A_16 = tpu.memref_slice %arg3[%add3A_15] : memref<331776xi32, #tpu.memory_space<hbm>> -> memref<96xi32, #tpu.memory_space<hbm>>
    %dma_start3A_17 = tpu.memref_slice %arg3[%add3A_15] : memref<331776xi32, #tpu.memory_space<hbm>> -> memref<96xi32, #tpu.memory_space<hbm>>
    tpu.enqueue_dma source(%dma_start3A_17 : memref<96xi32, #tpu.memory_space<hbm>>) target(%arg9 : memref<96xi32, #tpu.memory_space<vmem>>) target_semaphore(%arg23 : memref<!tpu.dma_semaphore, #tpu.memory_space<semaphore_mem>>)
    %add3A_18 = arith.constant 192 : i32
    %add3A_19 = arith.addi %mul3A_4, %add3A_18 : i32
    %dma_start3A_20 = tpu.memref_slice %arg3[%add3A_19] : memref<331776xi32, #tpu.memory_space<hbm>> -> memref<96xi32, #tpu.memory_space<hbm>>
    %dma_start3A_21 = tpu.memref_slice %arg3[%add3A_19] : memref<331776xi32, #tpu.memory_space<hbm>> -> memref<96xi32, #tpu.memory_space<hbm>>
    tpu.enqueue_dma source(%dma_start3A_21 : memref<96xi32, #tpu.memory_space<hbm>>) target(%arg10 : memref<96xi32, #tpu.memory_space<vmem>>) target_semaphore(%arg23 : memref<!tpu.dma_semaphore, #tpu.memory_space<semaphore_mem>>)
    %add3A_22 = arith.constant 288 : i32
    %add3A_23 = arith.addi %mul3A_4, %add3A_22 : i32
    %dma_start3A_24 = tpu.memref_slice %arg3[%add3A_23] : memref<331776xi32, #tpu.memory_space<hbm>> -> memref<96xi32, #tpu.memory_space<hbm>>
    %dma_start3A_25 = tpu.memref_slice %arg3[%add3A_23] : memref<331776xi32, #tpu.memory_space<hbm>> -> memref<96xi32, #tpu.memory_space<hbm>>
    tpu.enqueue_dma source(%dma_start3A_25 : memref<96xi32, #tpu.memory_space<hbm>>) target(%arg11 : memref<96xi32, #tpu.memory_space<vmem>>) target_semaphore(%arg23 : memref<!tpu.dma_semaphore, #tpu.memory_space<semaphore_mem>>)
    %add3A_26 = arith.constant 0 : i32
    %add3A_27 = arith.addi %mul3A_4, %add3A_26 : i32
    %dma_start3A_28 = tpu.memref_slice %arg4[%add3A_27] : memref<331776xi32, #tpu.memory_space<hbm>> -> memref<96xi32, #tpu.memory_space<hbm>>
    %dma_start3A_29 = tpu.memref_slice %arg4[%add3A_27] : memref<331776xi32, #tpu.memory_space<hbm>> -> memref<96xi32, #tpu.memory_space<hbm>>
    tpu.enqueue_dma source(%dma_start3A_29 : memref<96xi32, #tpu.memory_space<hbm>>) target(%arg12 : memref<96xi32, #tpu.memory_space<vmem>>) target_semaphore(%arg24 : memref<!tpu.dma_semaphore, #tpu.memory_space<semaphore_mem>>)
    %add3A_30 = arith.constant 96 : i32
    %add3A_31 = arith.addi %mul3A_4, %add3A_30 : i32
    %dma_start3A_32 = tpu.memref_slice %arg4[%add3A_31] : memref<331776xi32, #tpu.memory_space<hbm>> -> memref<96xi32, #tpu.memory_space<hbm>>
    %dma_start3A_33 = tpu.memref_slice %arg4[%add3A_31] : memref<331776xi32, #tpu.memory_space<hbm>> -> memref<96xi32, #tpu.memory_space<hbm>>
    tpu.enqueue_dma source(%dma_start3A_33 : memref<96xi32, #tpu.memory_space<hbm>>) target(%arg13 : memref<96xi32, #tpu.memory_space<vmem>>) target_semaphore(%arg24 : memref<!tpu.dma_semaphore, #tpu.memory_space<semaphore_mem>>)
    %add3A_34 = arith.constant 0 : i32
    %add3A_35 = arith.addi %mul3A_4, %add3A_34 : i32
    %dma_wait3A = tpu.memref_slice %arg3[%add3A_35] : memref<331776xi32, #tpu.memory_space<hbm>> -> memref<96xi32, #tpu.memory_space<hbm>>
    %dma_wait3A_36 = tpu.memref_slice %arg3[%add3A_35] : memref<331776xi32, #tpu.memory_space<hbm>> -> memref<96xi32, #tpu.memory_space<hbm>>
    tpu.wait_dma2 semaphore(%arg23 : memref<!tpu.dma_semaphore, #tpu.memory_space<semaphore_mem>>) src(%dma_wait3A_36 : memref<96xi32, #tpu.memory_space<hbm>>) dst(%arg8 : memref<96xi32, #tpu.memory_space<vmem>>)
    %dma_start3A_37 = arith.constant 0 : i32
    %dma_start3A_38 = arith.constant 0 : i32
    %dma_start3A_39 = tpu.memref_slice %arg2[%dma_start3A_37, %dma_start3A_38] : memref<10000x128xf32, #tpu.memory_space<hbm>> -> memref<10000x128xf32, #tpu.memory_space<hbm>>
    tpu.enqueue_indirect_dma source(%dma_start3A_39 : memref<10000x128xf32, #tpu.memory_space<hbm>>) target(%arg16 : memref<96x128xf32, #tpu.memory_space<vmem>>) offsets(%arg8 : memref<96xi32, #tpu.memory_space<vmem>>) semaphore(%arg21 : memref<!tpu.dma_semaphore, #tpu.memory_space<semaphore_mem>>)
    %add3A_40 = arith.constant 96 : i32
    %add3A_41 = arith.addi %mul3A_4, %add3A_40 : i32
    %dma_wait3A_42 = tpu.memref_slice %arg3[%add3A_41] : memref<331776xi32, #tpu.memory_space<hbm>> -> memref<96xi32, #tpu.memory_space<hbm>>
    %dma_wait3A_43 = tpu.memref_slice %arg3[%add3A_41] : memref<331776xi32, #tpu.memory_space<hbm>> -> memref<96xi32, #tpu.memory_space<hbm>>
    tpu.wait_dma2 semaphore(%arg23 : memref<!tpu.dma_semaphore, #tpu.memory_space<semaphore_mem>>) src(%dma_wait3A_43 : memref<96xi32, #tpu.memory_space<hbm>>) dst(%arg9 : memref<96xi32, #tpu.memory_space<vmem>>)
    %dma_start3A_44 = arith.constant 0 : i32
    %dma_start3A_45 = arith.constant 0 : i32
    %dma_start3A_46 = tpu.memref_slice %arg2[%dma_start3A_44, %dma_start3A_45] : memref<10000x128xf32, #tpu.memory_space<hbm>> -> memref<10000x128xf32, #tpu.memory_space<hbm>>
    tpu.enqueue_indirect_dma source(%dma_start3A_46 : memref<10000x128xf32, #tpu.memory_space<hbm>>) target(%arg17 : memref<96x128xf32, #tpu.memory_space<vmem>>) offsets(%arg9 : memref<96xi32, #tpu.memory_space<vmem>>) semaphore(%arg21 : memref<!tpu.dma_semaphore, #tpu.memory_space<semaphore_mem>>)
    %lt3A_47 = arith.constant 15 : i32
    %lt3A_48 = arith.cmpi slt, %arg1, %lt3A_47 : i32
    %convert_element_type3A_49 = arith.extui %lt3A_48 : i1 to i32
    %cond3A_50 = arith.constant 0 : i32
    %cond3A_51 = arith.cmpi ne, %convert_element_type3A_49, %cond3A_50 : i32
    scf.if %cond3A_51 {
      %dma_wait3A_100 = arith.constant 0 : i32
      %dma_wait3A_101 = tpu.memref_slice %arg20[%mul3A_2, %dma_wait3A_100] : memref<10008x128xf32, #tpu.memory_space<vmem_shared>> -> memref<624x128xf32, #tpu.memory_space<vmem_shared>>
      %dma_wait3A_102 = arith.constant 0 : i32
      %dma_wait3A_103 = tpu.memref_slice %arg5[%mul3A_2, %dma_wait3A_102] : memref<10000x128xf32, #tpu.memory_space<hbm>> -> memref<624x128xf32, #tpu.memory_space<hbm>>
      tpu.wait_dma2 semaphore(%arg22 : memref<!tpu.dma_semaphore, #tpu.memory_space<semaphore_mem>>) src(%dma_wait3A_103 : memref<624x128xf32, #tpu.memory_space<hbm>>) dst(%dma_wait3A_101 : memref<624x128xf32, #tpu.memory_space<vmem_shared>>)
    } else {
    }
    %eq3A_52 = arith.constant 15 : i32
    %eq3A_53 = arith.cmpi eq, %arg1, %eq3A_52 : i32
    %convert_element_type3A_54 = arith.extui %eq3A_53 : i1 to i32
    %cond3A_55 = arith.constant 0 : i32
    %cond3A_56 = arith.cmpi ne, %convert_element_type3A_54, %cond3A_55 : i32
    scf.if %cond3A_56 {
      %dma_wait3A_100 = arith.constant 0 : i32
      %dma_wait3A_101 = tpu.memref_slice %arg20[%mul3A_2, %dma_wait3A_100] : memref<10008x128xf32, #tpu.memory_space<vmem_shared>> -> memref<640x128xf32, #tpu.memory_space<vmem_shared>>
      %dma_wait3A_102 = arith.constant 0 : i32
      %dma_wait3A_103 = tpu.memref_slice %arg5[%mul3A_2, %dma_wait3A_102] : memref<10000x128xf32, #tpu.memory_space<hbm>> -> memref<640x128xf32, #tpu.memory_space<hbm>>
      tpu.wait_dma2 semaphore(%arg22 : memref<!tpu.dma_semaphore, #tpu.memory_space<semaphore_mem>>) src(%dma_wait3A_103 : memref<640x128xf32, #tpu.memory_space<hbm>>) dst(%dma_wait3A_101 : memref<640x128xf32, #tpu.memory_space<vmem_shared>>)
    } else {
    }
    %barrier3A = arith.constant 0 : index
    tpu.barrier barrier_id(%barrier3A)
    %scan3A = arith.constant 0 : i32
    %scan3A_57 = arith.constant 0 : i32
    %scan3A_58 = arith.constant 27 : i32
    %scan3A_59 = arith.addi %scan3A_57, %scan3A_58 : i32
    %scan3A_60 = arith.constant 1 : i32
    scf.for %scan3A_100 = %scan3A_57 to %scan3A_59 step %scan3A_60  : i32 {
      %mul3A_101 = arith.constant 4 : i32
      %mul3A_102 = arith.muli %mul3A_101, %scan3A_100 : i32
      %add3A_103 = arith.constant 0 : i32
      %add3A_104 = arith.addi %mul3A_102, %add3A_103 : i32
      %ge3A = arith.constant 2 : i32
      %ge3A_105 = arith.cmpi sge, %add3A_104, %ge3A : i32
      %convert_element_type3A_106 = arith.extui %ge3A_105 : i1 to i32
      %cond3A_107 = arith.constant 0 : i32
      %cond3A_108 = arith.cmpi ne, %convert_element_type3A_106, %cond3A_107 : i32
      scf.if %cond3A_108 {
        %dma_wait3A_236 = arith.constant 0 : i32
        %dma_wait3A_237 = arith.constant 0 : i32
        %dma_wait3A_238 = tpu.memref_slice %arg20[%dma_wait3A_236, %dma_wait3A_237] : memref<10008x128xf32, #tpu.memory_space<vmem_shared>> -> memref<10008x128xf32, #tpu.memory_space<vmem_shared>>
        tpu.wait_indirect_dma semaphore(%arg22 : memref<!tpu.dma_semaphore, #tpu.memory_space<semaphore_mem>>) src(%arg16 : memref<96x128xf32, #tpu.memory_space<vmem>>) dst(%dma_wait3A_238 : memref<10008x128xf32, #tpu.memory_space<vmem_shared>>)
      } else {
      }
      %add3A_109 = arith.constant 2 : i32
      %add3A_110 = arith.addi %add3A_104, %add3A_109 : i32
      %lt3A_111 = arith.constant 108 : i32
      %lt3A_112 = arith.cmpi slt, %add3A_110, %lt3A_111 : i32
      %convert_element_type3A_113 = arith.extui %lt3A_112 : i1 to i32
      %cond3A_114 = arith.constant 0 : i32
      %cond3A_115 = arith.cmpi ne, %convert_element_type3A_113, %cond3A_114 : i32
      scf.if %cond3A_115 {
        %add3A_236 = arith.constant 2 : i32
        %add3A_237 = arith.addi %add3A_104, %add3A_236 : i32
        %mul3A_238 = arith.constant 96 : i32
        %mul3A_239 = arith.muli %add3A_237, %mul3A_238 : i32
        %add3A_240 = arith.addi %mul3A_4, %mul3A_239 : i32
        %dma_wait3A_241 = tpu.memref_slice %arg3[%add3A_240] : memref<331776xi32, #tpu.memory_space<hbm>> -> memref<96xi32, #tpu.memory_space<hbm>>
        %dma_wait3A_242 = tpu.memref_slice %arg3[%add3A_240] : memref<331776xi32, #tpu.memory_space<hbm>> -> memref<96xi32, #tpu.memory_space<hbm>>
        tpu.wait_dma2 semaphore(%arg23 : memref<!tpu.dma_semaphore, #tpu.memory_space<semaphore_mem>>) src(%dma_wait3A_242 : memref<96xi32, #tpu.memory_space<hbm>>) dst(%arg10 : memref<96xi32, #tpu.memory_space<vmem>>)
        %dma_start3A_243 = arith.constant 0 : i32
        %dma_start3A_244 = arith.constant 0 : i32
        %dma_start3A_245 = tpu.memref_slice %arg2[%dma_start3A_243, %dma_start3A_244] : memref<10000x128xf32, #tpu.memory_space<hbm>> -> memref<10000x128xf32, #tpu.memory_space<hbm>>
        tpu.enqueue_indirect_dma source(%dma_start3A_245 : memref<10000x128xf32, #tpu.memory_space<hbm>>) target(%arg18 : memref<96x128xf32, #tpu.memory_space<vmem>>) offsets(%arg10 : memref<96xi32, #tpu.memory_space<vmem>>) semaphore(%arg21 : memref<!tpu.dma_semaphore, #tpu.memory_space<semaphore_mem>>)
        %add3A_246 = arith.constant 2 : i32
        %add3A_247 = arith.addi %add3A_104, %add3A_246 : i32
        %mul3A_248 = arith.constant 96 : i32
        %mul3A_249 = arith.muli %add3A_247, %mul3A_248 : i32
        %add3A_250 = arith.addi %mul3A_4, %mul3A_249 : i32
        %dma_start3A_251 = tpu.memref_slice %arg4[%add3A_250] : memref<331776xi32, #tpu.memory_space<hbm>> -> memref<96xi32, #tpu.memory_space<hbm>>
        %dma_start3A_252 = tpu.memref_slice %arg4[%add3A_250] : memref<331776xi32, #tpu.memory_space<hbm>> -> memref<96xi32, #tpu.memory_space<hbm>>
        tpu.enqueue_dma source(%dma_start3A_252 : memref<96xi32, #tpu.memory_space<hbm>>) target(%arg14 : memref<96xi32, #tpu.memory_space<vmem>>) target_semaphore(%arg24 : memref<!tpu.dma_semaphore, #tpu.memory_space<semaphore_mem>>)
      } else {
      }
      %dma_wait3A_116 = arith.constant 0 : i32
      %dma_wait3A_117 = arith.constant 0 : i32
      %dma_wait3A_118 = tpu.memref_slice %arg2[%dma_wait3A_116, %dma_wait3A_117] : memref<10000x128xf32, #tpu.memory_space<hbm>> -> memref<10000x128xf32, #tpu.memory_space<hbm>>
      tpu.wait_indirect_dma semaphore(%arg21 : memref<!tpu.dma_semaphore, #tpu.memory_space<semaphore_mem>>) src(%dma_wait3A_118 : memref<10000x128xf32, #tpu.memory_space<hbm>>) dst(%arg16 : memref<96x128xf32, #tpu.memory_space<vmem>>)
      %add3A_119 = arith.constant 4 : i32
      %add3A_120 = arith.addi %add3A_104, %add3A_119 : i32
      %lt3A_121 = arith.constant 108 : i32
      %lt3A_122 = arith.cmpi slt, %add3A_120, %lt3A_121 : i32
      %convert_element_type3A_123 = arith.extui %lt3A_122 : i1 to i32
      %cond3A_124 = arith.constant 0 : i32
      %cond3A_125 = arith.cmpi ne, %convert_element_type3A_123, %cond3A_124 : i32
      scf.if %cond3A_125 {
        %add3A_236 = arith.constant 4 : i32
        %add3A_237 = arith.addi %add3A_104, %add3A_236 : i32
        %mul3A_238 = arith.constant 96 : i32
        %mul3A_239 = arith.muli %add3A_237, %mul3A_238 : i32
        %add3A_240 = arith.addi %mul3A_4, %mul3A_239 : i32
        %dma_start3A_241 = tpu.memref_slice %arg3[%add3A_240] : memref<331776xi32, #tpu.memory_space<hbm>> -> memref<96xi32, #tpu.memory_space<hbm>>
        %dma_start3A_242 = tpu.memref_slice %arg3[%add3A_240] : memref<331776xi32, #tpu.memory_space<hbm>> -> memref<96xi32, #tpu.memory_space<hbm>>
        tpu.enqueue_dma source(%dma_start3A_242 : memref<96xi32, #tpu.memory_space<hbm>>) target(%arg8 : memref<96xi32, #tpu.memory_space<vmem>>) target_semaphore(%arg23 : memref<!tpu.dma_semaphore, #tpu.memory_space<semaphore_mem>>)
      } else {
      }
      %mul3A_126 = arith.constant 96 : i32
      %mul3A_127 = arith.muli %add3A_104, %mul3A_126 : i32
      %add3A_128 = arith.addi %mul3A_4, %mul3A_127 : i32
      %dma_wait3A_129 = tpu.memref_slice %arg4[%add3A_128] : memref<331776xi32, #tpu.memory_space<hbm>> -> memref<96xi32, #tpu.memory_space<hbm>>
      %dma_wait3A_130 = tpu.memref_slice %arg4[%add3A_128] : memref<331776xi32, #tpu.memory_space<hbm>> -> memref<96xi32, #tpu.memory_space<hbm>>
      tpu.wait_dma2 semaphore(%arg24 : memref<!tpu.dma_semaphore, #tpu.memory_space<semaphore_mem>>) src(%dma_wait3A_130 : memref<96xi32, #tpu.memory_space<hbm>>) dst(%arg12 : memref<96xi32, #tpu.memory_space<vmem>>)
      %dma_start3A_131 = arith.constant 0 : i32
      %dma_start3A_132 = arith.constant 0 : i32
      %dma_start3A_133 = tpu.memref_slice %arg20[%dma_start3A_131, %dma_start3A_132] : memref<10008x128xf32, #tpu.memory_space<vmem_shared>> -> memref<10008x128xf32, #tpu.memory_space<vmem_shared>>
      tpu.enqueue_indirect_dma source(%arg16 : memref<96x128xf32, #tpu.memory_space<vmem>>) target(%dma_start3A_133 : memref<10008x128xf32, #tpu.memory_space<vmem_shared>>) offsets(%arg12 : memref<96xi32, #tpu.memory_space<vmem>>) semaphore(%arg22 : memref<!tpu.dma_semaphore, #tpu.memory_space<semaphore_mem>>) {add = true}
      %mul3A_134 = arith.constant 4 : i32
      %mul3A_135 = arith.muli %mul3A_134, %scan3A_100 : i32
      %add3A_136 = arith.constant 1 : i32
      %add3A_137 = arith.addi %mul3A_135, %add3A_136 : i32
      %ge3A_138 = arith.constant 2 : i32
      %ge3A_139 = arith.cmpi sge, %add3A_137, %ge3A_138 : i32
      %convert_element_type3A_140 = arith.extui %ge3A_139 : i1 to i32
      %cond3A_141 = arith.constant 0 : i32
      %cond3A_142 = arith.cmpi ne, %convert_element_type3A_140, %cond3A_141 : i32
      scf.if %cond3A_142 {
        %dma_wait3A_236 = arith.constant 0 : i32
        %dma_wait3A_237 = arith.constant 0 : i32
        %dma_wait3A_238 = tpu.memref_slice %arg20[%dma_wait3A_236, %dma_wait3A_237] : memref<10008x128xf32, #tpu.memory_space<vmem_shared>> -> memref<10008x128xf32, #tpu.memory_space<vmem_shared>>
        tpu.wait_indirect_dma semaphore(%arg22 : memref<!tpu.dma_semaphore, #tpu.memory_space<semaphore_mem>>) src(%arg16 : memref<96x128xf32, #tpu.memory_space<vmem>>) dst(%dma_wait3A_238 : memref<10008x128xf32, #tpu.memory_space<vmem_shared>>)
      } else {
      }
      %add3A_143 = arith.constant 2 : i32
      %add3A_144 = arith.addi %add3A_137, %add3A_143 : i32
      %lt3A_145 = arith.constant 108 : i32
      %lt3A_146 = arith.cmpi slt, %add3A_144, %lt3A_145 : i32
      %convert_element_type3A_147 = arith.extui %lt3A_146 : i1 to i32
      %cond3A_148 = arith.constant 0 : i32
      %cond3A_149 = arith.cmpi ne, %convert_element_type3A_147, %cond3A_148 : i32
      scf.if %cond3A_149 {
        %add3A_236 = arith.constant 2 : i32
        %add3A_237 = arith.addi %add3A_137, %add3A_236 : i32
        %mul3A_238 = arith.constant 96 : i32
        %mul3A_239 = arith.muli %add3A_237, %mul3A_238 : i32
        %add3A_240 = arith.addi %mul3A_4, %mul3A_239 : i32
        %dma_wait3A_241 = tpu.memref_slice %arg3[%add3A_240] : memref<331776xi32, #tpu.memory_space<hbm>> -> memref<96xi32, #tpu.memory_space<hbm>>
        %dma_wait3A_242 = tpu.memref_slice %arg3[%add3A_240] : memref<331776xi32, #tpu.memory_space<hbm>> -> memref<96xi32, #tpu.memory_space<hbm>>
        tpu.wait_dma2 semaphore(%arg23 : memref<!tpu.dma_semaphore, #tpu.memory_space<semaphore_mem>>) src(%dma_wait3A_242 : memref<96xi32, #tpu.memory_space<hbm>>) dst(%arg11 : memref<96xi32, #tpu.memory_space<vmem>>)
        %dma_start3A_243 = arith.constant 0 : i32
        %dma_start3A_244 = arith.constant 0 : i32
        %dma_start3A_245 = tpu.memref_slice %arg2[%dma_start3A_243, %dma_start3A_244] : memref<10000x128xf32, #tpu.memory_space<hbm>> -> memref<10000x128xf32, #tpu.memory_space<hbm>>
        tpu.enqueue_indirect_dma source(%dma_start3A_245 : memref<10000x128xf32, #tpu.memory_space<hbm>>) target(%arg19 : memref<96x128xf32, #tpu.memory_space<vmem>>) offsets(%arg11 : memref<96xi32, #tpu.memory_space<vmem>>) semaphore(%arg21 : memref<!tpu.dma_semaphore, #tpu.memory_space<semaphore_mem>>)
        %add3A_246 = arith.constant 2 : i32
        %add3A_247 = arith.addi %add3A_137, %add3A_246 : i32
        %mul3A_248 = arith.constant 96 : i32
        %mul3A_249 = arith.muli %add3A_247, %mul3A_248 : i32
        %add3A_250 = arith.addi %mul3A_4, %mul3A_249 : i32
        %dma_start3A_251 = tpu.memref_slice %arg4[%add3A_250] : memref<331776xi32, #tpu.memory_space<hbm>> -> memref<96xi32, #tpu.memory_space<hbm>>
        %dma_start3A_252 = tpu.memref_slice %arg4[%add3A_250] : memref<331776xi32, #tpu.memory_space<hbm>> -> memref<96xi32, #tpu.memory_space<hbm>>
        tpu.enqueue_dma source(%dma_start3A_252 : memref<96xi32, #tpu.memory_space<hbm>>) target(%arg15 : memref<96xi32, #tpu.memory_space<vmem>>) target_semaphore(%arg24 : memref<!tpu.dma_semaphore, #tpu.memory_space<semaphore_mem>>)
      } else {
      }
      %dma_wait3A_150 = arith.constant 0 : i32
      %dma_wait3A_151 = arith.constant 0 : i32
      %dma_wait3A_152 = tpu.memref_slice %arg2[%dma_wait3A_150, %dma_wait3A_151] : memref<10000x128xf32, #tpu.memory_space<hbm>> -> memref<10000x128xf32, #tpu.memory_space<hbm>>
      tpu.wait_indirect_dma semaphore(%arg21 : memref<!tpu.dma_semaphore, #tpu.memory_space<semaphore_mem>>) src(%dma_wait3A_152 : memref<10000x128xf32, #tpu.memory_space<hbm>>) dst(%arg17 : memref<96x128xf32, #tpu.memory_space<vmem>>)
      %add3A_153 = arith.constant 4 : i32
      %add3A_154 = arith.addi %add3A_137, %add3A_153 : i32
      %lt3A_155 = arith.constant 108 : i32
      %lt3A_156 = arith.cmpi slt, %add3A_154, %lt3A_155 : i32
      %convert_element_type3A_157 = arith.extui %lt3A_156 : i1 to i32
      %cond3A_158 = arith.constant 0 : i32
      %cond3A_159 = arith.cmpi ne, %convert_element_type3A_157, %cond3A_158 : i32
      scf.if %cond3A_159 {
        %add3A_236 = arith.constant 4 : i32
        %add3A_237 = arith.addi %add3A_137, %add3A_236 : i32
        %mul3A_238 = arith.constant 96 : i32
        %mul3A_239 = arith.muli %add3A_237, %mul3A_238 : i32
        %add3A_240 = arith.addi %mul3A_4, %mul3A_239 : i32
        %dma_start3A_241 = tpu.memref_slice %arg3[%add3A_240] : memref<331776xi32, #tpu.memory_space<hbm>> -> memref<96xi32, #tpu.memory_space<hbm>>
        %dma_start3A_242 = tpu.memref_slice %arg3[%add3A_240] : memref<331776xi32, #tpu.memory_space<hbm>> -> memref<96xi32, #tpu.memory_space<hbm>>
        tpu.enqueue_dma source(%dma_start3A_242 : memref<96xi32, #tpu.memory_space<hbm>>) target(%arg9 : memref<96xi32, #tpu.memory_space<vmem>>) target_semaphore(%arg23 : memref<!tpu.dma_semaphore, #tpu.memory_space<semaphore_mem>>)
      } else {
      }
      %mul3A_160 = arith.constant 96 : i32
      %mul3A_161 = arith.muli %add3A_137, %mul3A_160 : i32
      %add3A_162 = arith.addi %mul3A_4, %mul3A_161 : i32
      %dma_wait3A_163 = tpu.memref_slice %arg4[%add3A_162] : memref<331776xi32, #tpu.memory_space<hbm>> -> memref<96xi32, #tpu.memory_space<hbm>>
      %dma_wait3A_164 = tpu.memref_slice %arg4[%add3A_162] : memref<331776xi32, #tpu.memory_space<hbm>> -> memref<96xi32, #tpu.memory_space<hbm>>
      tpu.wait_dma2 semaphore(%arg24 : memref<!tpu.dma_semaphore, #tpu.memory_space<semaphore_mem>>) src(%dma_wait3A_164 : memref<96xi32, #tpu.memory_space<hbm>>) dst(%arg13 : memref<96xi32, #tpu.memory_space<vmem>>)
      %dma_start3A_165 = arith.constant 0 : i32
      %dma_start3A_166 = arith.constant 0 : i32
      %dma_start3A_167 = tpu.memref_slice %arg20[%dma_start3A_165, %dma_start3A_166] : memref<10008x128xf32, #tpu.memory_space<vmem_shared>> -> memref<10008x128xf32, #tpu.memory_space<vmem_shared>>
      tpu.enqueue_indirect_dma source(%arg17 : memref<96x128xf32, #tpu.memory_space<vmem>>) target(%dma_start3A_167 : memref<10008x128xf32, #tpu.memory_space<vmem_shared>>) offsets(%arg13 : memref<96xi32, #tpu.memory_space<vmem>>) semaphore(%arg22 : memref<!tpu.dma_semaphore, #tpu.memory_space<semaphore_mem>>) {add = true}
      %mul3A_168 = arith.constant 4 : i32
      %mul3A_169 = arith.muli %mul3A_168, %scan3A_100 : i32
      %add3A_170 = arith.constant 2 : i32
      %add3A_171 = arith.addi %mul3A_169, %add3A_170 : i32
      %ge3A_172 = arith.constant 2 : i32
      %ge3A_173 = arith.cmpi sge, %add3A_171, %ge3A_172 : i32
      %convert_element_type3A_174 = arith.extui %ge3A_173 : i1 to i32
      %cond3A_175 = arith.constant 0 : i32
      %cond3A_176 = arith.cmpi ne, %convert_element_type3A_174, %cond3A_175 : i32
      scf.if %cond3A_176 {
        %dma_wait3A_236 = arith.constant 0 : i32
        %dma_wait3A_237 = arith.constant 0 : i32
        %dma_wait3A_238 = tpu.memref_slice %arg20[%dma_wait3A_236, %dma_wait3A_237] : memref<10008x128xf32, #tpu.memory_space<vmem_shared>> -> memref<10008x128xf32, #tpu.memory_space<vmem_shared>>
        tpu.wait_indirect_dma semaphore(%arg22 : memref<!tpu.dma_semaphore, #tpu.memory_space<semaphore_mem>>) src(%arg16 : memref<96x128xf32, #tpu.memory_space<vmem>>) dst(%dma_wait3A_238 : memref<10008x128xf32, #tpu.memory_space<vmem_shared>>)
      } else {
      }
      %add3A_177 = arith.constant 2 : i32
      %add3A_178 = arith.addi %add3A_171, %add3A_177 : i32
      %lt3A_179 = arith.constant 108 : i32
      %lt3A_180 = arith.cmpi slt, %add3A_178, %lt3A_179 : i32
      %convert_element_type3A_181 = arith.extui %lt3A_180 : i1 to i32
      %cond3A_182 = arith.constant 0 : i32
      %cond3A_183 = arith.cmpi ne, %convert_element_type3A_181, %cond3A_182 : i32
      scf.if %cond3A_183 {
        %add3A_236 = arith.constant 2 : i32
        %add3A_237 = arith.addi %add3A_171, %add3A_236 : i32
        %mul3A_238 = arith.constant 96 : i32
        %mul3A_239 = arith.muli %add3A_237, %mul3A_238 : i32
        %add3A_240 = arith.addi %mul3A_4, %mul3A_239 : i32
        %dma_wait3A_241 = tpu.memref_slice %arg3[%add3A_240] : memref<331776xi32, #tpu.memory_space<hbm>> -> memref<96xi32, #tpu.memory_space<hbm>>
        %dma_wait3A_242 = tpu.memref_slice %arg3[%add3A_240] : memref<331776xi32, #tpu.memory_space<hbm>> -> memref<96xi32, #tpu.memory_space<hbm>>
        tpu.wait_dma2 semaphore(%arg23 : memref<!tpu.dma_semaphore, #tpu.memory_space<semaphore_mem>>) src(%dma_wait3A_242 : memref<96xi32, #tpu.memory_space<hbm>>) dst(%arg8 : memref<96xi32, #tpu.memory_space<vmem>>)
        %dma_start3A_243 = arith.constant 0 : i32
        %dma_start3A_244 = arith.constant 0 : i32
        %dma_start3A_245 = tpu.memref_slice %arg2[%dma_start3A_243, %dma_start3A_244] : memref<10000x128xf32, #tpu.memory_space<hbm>> -> memref<10000x128xf32, #tpu.memory_space<hbm>>
        tpu.enqueue_indirect_dma source(%dma_start3A_245 : memref<10000x128xf32, #tpu.memory_space<hbm>>) target(%arg16 : memref<96x128xf32, #tpu.memory_space<vmem>>) offsets(%arg8 : memref<96xi32, #tpu.memory_space<vmem>>) semaphore(%arg21 : memref<!tpu.dma_semaphore, #tpu.memory_space<semaphore_mem>>)
        %add3A_246 = arith.constant 2 : i32
        %add3A_247 = arith.addi %add3A_171, %add3A_246 : i32
        %mul3A_248 = arith.constant 96 : i32
        %mul3A_249 = arith.muli %add3A_247, %mul3A_248 : i32
        %add3A_250 = arith.addi %mul3A_4, %mul3A_249 : i32
        %dma_start3A_251 = tpu.memref_slice %arg4[%add3A_250] : memref<331776xi32, #tpu.memory_space<hbm>> -> memref<96xi32, #tpu.memory_space<hbm>>
        %dma_start3A_252 = tpu.memref_slice %arg4[%add3A_250] : memref<331776xi32, #tpu.memory_space<hbm>> -> memref<96xi32, #tpu.memory_space<hbm>>
        tpu.enqueue_dma source(%dma_start3A_252 : memref<96xi32, #tpu.memory_space<hbm>>) target(%arg12 : memref<96xi32, #tpu.memory_space<vmem>>) target_semaphore(%arg24 : memref<!tpu.dma_semaphore, #tpu.memory_space<semaphore_mem>>)
      } else {
      }
      %dma_wait3A_184 = arith.constant 0 : i32
      %dma_wait3A_185 = arith.constant 0 : i32
      %dma_wait3A_186 = tpu.memref_slice %arg2[%dma_wait3A_184, %dma_wait3A_185] : memref<10000x128xf32, #tpu.memory_space<hbm>> -> memref<10000x128xf32, #tpu.memory_space<hbm>>
      tpu.wait_indirect_dma semaphore(%arg21 : memref<!tpu.dma_semaphore, #tpu.memory_space<semaphore_mem>>) src(%dma_wait3A_186 : memref<10000x128xf32, #tpu.memory_space<hbm>>) dst(%arg18 : memref<96x128xf32, #tpu.memory_space<vmem>>)
      %add3A_187 = arith.constant 4 : i32
      %add3A_188 = arith.addi %add3A_171, %add3A_187 : i32
      %lt3A_189 = arith.constant 108 : i32
      %lt3A_190 = arith.cmpi slt, %add3A_188, %lt3A_189 : i32
      %convert_element_type3A_191 = arith.extui %lt3A_190 : i1 to i32
      %cond3A_192 = arith.constant 0 : i32
      %cond3A_193 = arith.cmpi ne, %convert_element_type3A_191, %cond3A_192 : i32
      scf.if %cond3A_193 {
        %add3A_236 = arith.constant 4 : i32
        %add3A_237 = arith.addi %add3A_171, %add3A_236 : i32
        %mul3A_238 = arith.constant 96 : i32
        %mul3A_239 = arith.muli %add3A_237, %mul3A_238 : i32
        %add3A_240 = arith.addi %mul3A_4, %mul3A_239 : i32
        %dma_start3A_241 = tpu.memref_slice %arg3[%add3A_240] : memref<331776xi32, #tpu.memory_space<hbm>> -> memref<96xi32, #tpu.memory_space<hbm>>
        %dma_start3A_242 = tpu.memref_slice %arg3[%add3A_240] : memref<331776xi32, #tpu.memory_space<hbm>> -> memref<96xi32, #tpu.memory_space<hbm>>
        tpu.enqueue_dma source(%dma_start3A_242 : memref<96xi32, #tpu.memory_space<hbm>>) target(%arg10 : memref<96xi32, #tpu.memory_space<vmem>>) target_semaphore(%arg23 : memref<!tpu.dma_semaphore, #tpu.memory_space<semaphore_mem>>)
      } else {
      }
      %mul3A_194 = arith.constant 96 : i32
      %mul3A_195 = arith.muli %add3A_171, %mul3A_194 : i32
      %add3A_196 = arith.addi %mul3A_4, %mul3A_195 : i32
      %dma_wait3A_197 = tpu.memref_slice %arg4[%add3A_196] : memref<331776xi32, #tpu.memory_space<hbm>> -> memref<96xi32, #tpu.memory_space<hbm>>
      %dma_wait3A_198 = tpu.memref_slice %arg4[%add3A_196] : memref<331776xi32, #tpu.memory_space<hbm>> -> memref<96xi32, #tpu.memory_space<hbm>>
      tpu.wait_dma2 semaphore(%arg24 : memref<!tpu.dma_semaphore, #tpu.memory_space<semaphore_mem>>) src(%dma_wait3A_198 : memref<96xi32, #tpu.memory_space<hbm>>) dst(%arg14 : memref<96xi32, #tpu.memory_space<vmem>>)
      %dma_start3A_199 = arith.constant 0 : i32
      %dma_start3A_200 = arith.constant 0 : i32
      %dma_start3A_201 = tpu.memref_slice %arg20[%dma_start3A_199, %dma_start3A_200] : memref<10008x128xf32, #tpu.memory_space<vmem_shared>> -> memref<10008x128xf32, #tpu.memory_space<vmem_shared>>
      tpu.enqueue_indirect_dma source(%arg18 : memref<96x128xf32, #tpu.memory_space<vmem>>) target(%dma_start3A_201 : memref<10008x128xf32, #tpu.memory_space<vmem_shared>>) offsets(%arg14 : memref<96xi32, #tpu.memory_space<vmem>>) semaphore(%arg22 : memref<!tpu.dma_semaphore, #tpu.memory_space<semaphore_mem>>) {add = true}
      %mul3A_202 = arith.constant 4 : i32
      %mul3A_203 = arith.muli %mul3A_202, %scan3A_100 : i32
      %add3A_204 = arith.constant 3 : i32
      %add3A_205 = arith.addi %mul3A_203, %add3A_204 : i32
      %ge3A_206 = arith.constant 2 : i32
      %ge3A_207 = arith.cmpi sge, %add3A_205, %ge3A_206 : i32
      %convert_element_type3A_208 = arith.extui %ge3A_207 : i1 to i32
      %cond3A_209 = arith.constant 0 : i32
      %cond3A_210 = arith.cmpi ne, %convert_element_type3A_208, %cond3A_209 : i32
      scf.if %cond3A_210 {
        %dma_wait3A_236 = arith.constant 0 : i32
        %dma_wait3A_237 = arith.constant 0 : i32
        %dma_wait3A_238 = tpu.memref_slice %arg20[%dma_wait3A_236, %dma_wait3A_237] : memref<10008x128xf32, #tpu.memory_space<vmem_shared>> -> memref<10008x128xf32, #tpu.memory_space<vmem_shared>>
        tpu.wait_indirect_dma semaphore(%arg22 : memref<!tpu.dma_semaphore, #tpu.memory_space<semaphore_mem>>) src(%arg16 : memref<96x128xf32, #tpu.memory_space<vmem>>) dst(%dma_wait3A_238 : memref<10008x128xf32, #tpu.memory_space<vmem_shared>>)
      } else {
      }
      %add3A_211 = arith.constant 2 : i32
      %add3A_212 = arith.addi %add3A_205, %add3A_211 : i32
      %lt3A_213 = arith.constant 108 : i32
      %lt3A_214 = arith.cmpi slt, %add3A_212, %lt3A_213 : i32
      %convert_element_type3A_215 = arith.extui %lt3A_214 : i1 to i32
      %cond3A_216 = arith.constant 0 : i32
      %cond3A_217 = arith.cmpi ne, %convert_element_type3A_215, %cond3A_216 : i32
      scf.if %cond3A_217 {
        %add3A_236 = arith.constant 2 : i32
        %add3A_237 = arith.addi %add3A_205, %add3A_236 : i32
        %mul3A_238 = arith.constant 96 : i32
        %mul3A_239 = arith.muli %add3A_237, %mul3A_238 : i32
        %add3A_240 = arith.addi %mul3A_4, %mul3A_239 : i32
        %dma_wait3A_241 = tpu.memref_slice %arg3[%add3A_240] : memref<331776xi32, #tpu.memory_space<hbm>> -> memref<96xi32, #tpu.memory_space<hbm>>
        %dma_wait3A_242 = tpu.memref_slice %arg3[%add3A_240] : memref<331776xi32, #tpu.memory_space<hbm>> -> memref<96xi32, #tpu.memory_space<hbm>>
        tpu.wait_dma2 semaphore(%arg23 : memref<!tpu.dma_semaphore, #tpu.memory_space<semaphore_mem>>) src(%dma_wait3A_242 : memref<96xi32, #tpu.memory_space<hbm>>) dst(%arg9 : memref<96xi32, #tpu.memory_space<vmem>>)
        %dma_start3A_243 = arith.constant 0 : i32
        %dma_start3A_244 = arith.constant 0 : i32
        %dma_start3A_245 = tpu.memref_slice %arg2[%dma_start3A_243, %dma_start3A_244] : memref<10000x128xf32, #tpu.memory_space<hbm>> -> memref<10000x128xf32, #tpu.memory_space<hbm>>
        tpu.enqueue_indirect_dma source(%dma_start3A_245 : memref<10000x128xf32, #tpu.memory_space<hbm>>) target(%arg17 : memref<96x128xf32, #tpu.memory_space<vmem>>) offsets(%arg9 : memref<96xi32, #tpu.memory_space<vmem>>) semaphore(%arg21 : memref<!tpu.dma_semaphore, #tpu.memory_space<semaphore_mem>>)
        %add3A_246 = arith.constant 2 : i32
        %add3A_247 = arith.addi %add3A_205, %add3A_246 : i32
        %mul3A_248 = arith.constant 96 : i32
        %mul3A_249 = arith.muli %add3A_247, %mul3A_248 : i32
        %add3A_250 = arith.addi %mul3A_4, %mul3A_249 : i32
        %dma_start3A_251 = tpu.memref_slice %arg4[%add3A_250] : memref<331776xi32, #tpu.memory_space<hbm>> -> memref<96xi32, #tpu.memory_space<hbm>>
        %dma_start3A_252 = tpu.memref_slice %arg4[%add3A_250] : memref<331776xi32, #tpu.memory_space<hbm>> -> memref<96xi32, #tpu.memory_space<hbm>>
        tpu.enqueue_dma source(%dma_start3A_252 : memref<96xi32, #tpu.memory_space<hbm>>) target(%arg13 : memref<96xi32, #tpu.memory_space<vmem>>) target_semaphore(%arg24 : memref<!tpu.dma_semaphore, #tpu.memory_space<semaphore_mem>>)
      } else {
      }
      %dma_wait3A_218 = arith.constant 0 : i32
      %dma_wait3A_219 = arith.constant 0 : i32
      %dma_wait3A_220 = tpu.memref_slice %arg2[%dma_wait3A_218, %dma_wait3A_219] : memref<10000x128xf32, #tpu.memory_space<hbm>> -> memref<10000x128xf32, #tpu.memory_space<hbm>>
      tpu.wait_indirect_dma semaphore(%arg21 : memref<!tpu.dma_semaphore, #tpu.memory_space<semaphore_mem>>) src(%dma_wait3A_220 : memref<10000x128xf32, #tpu.memory_space<hbm>>) dst(%arg19 : memref<96x128xf32, #tpu.memory_space<vmem>>)
      %add3A_221 = arith.constant 4 : i32
      %add3A_222 = arith.addi %add3A_205, %add3A_221 : i32
      %lt3A_223 = arith.constant 108 : i32
      %lt3A_224 = arith.cmpi slt, %add3A_222, %lt3A_223 : i32
      %convert_element_type3A_225 = arith.extui %lt3A_224 : i1 to i32
      %cond3A_226 = arith.constant 0 : i32
      %cond3A_227 = arith.cmpi ne, %convert_element_type3A_225, %cond3A_226 : i32
      scf.if %cond3A_227 {
        %add3A_236 = arith.constant 4 : i32
        %add3A_237 = arith.addi %add3A_205, %add3A_236 : i32
        %mul3A_238 = arith.constant 96 : i32
        %mul3A_239 = arith.muli %add3A_237, %mul3A_238 : i32
        %add3A_240 = arith.addi %mul3A_4, %mul3A_239 : i32
        %dma_start3A_241 = tpu.memref_slice %arg3[%add3A_240] : memref<331776xi32, #tpu.memory_space<hbm>> -> memref<96xi32, #tpu.memory_space<hbm>>
        %dma_start3A_242 = tpu.memref_slice %arg3[%add3A_240] : memref<331776xi32, #tpu.memory_space<hbm>> -> memref<96xi32, #tpu.memory_space<hbm>>
        tpu.enqueue_dma source(%dma_start3A_242 : memref<96xi32, #tpu.memory_space<hbm>>) target(%arg11 : memref<96xi32, #tpu.memory_space<vmem>>) target_semaphore(%arg23 : memref<!tpu.dma_semaphore, #tpu.memory_space<semaphore_mem>>)
      } else {
      }
      %mul3A_228 = arith.constant 96 : i32
      %mul3A_229 = arith.muli %add3A_205, %mul3A_228 : i32
      %add3A_230 = arith.addi %mul3A_4, %mul3A_229 : i32
      %dma_wait3A_231 = tpu.memref_slice %arg4[%add3A_230] : memref<331776xi32, #tpu.memory_space<hbm>> -> memref<96xi32, #tpu.memory_space<hbm>>
      %dma_wait3A_232 = tpu.memref_slice %arg4[%add3A_230] : memref<331776xi32, #tpu.memory_space<hbm>> -> memref<96xi32, #tpu.memory_space<hbm>>
      tpu.wait_dma2 semaphore(%arg24 : memref<!tpu.dma_semaphore, #tpu.memory_space<semaphore_mem>>) src(%dma_wait3A_232 : memref<96xi32, #tpu.memory_space<hbm>>) dst(%arg15 : memref<96xi32, #tpu.memory_space<vmem>>)
      %dma_start3A_233 = arith.constant 0 : i32
      %dma_start3A_234 = arith.constant 0 : i32
      %dma_start3A_235 = tpu.memref_slice %arg20[%dma_start3A_233, %dma_start3A_234] : memref<10008x128xf32, #tpu.memory_space<vmem_shared>> -> memref<10008x128xf32, #tpu.memory_space<vmem_shared>>
      tpu.enqueue_indirect_dma source(%arg19 : memref<96x128xf32, #tpu.memory_space<vmem>>) target(%dma_start3A_235 : memref<10008x128xf32, #tpu.memory_space<vmem_shared>>) offsets(%arg15 : memref<96xi32, #tpu.memory_space<vmem>>) semaphore(%arg22 : memref<!tpu.dma_semaphore, #tpu.memory_space<semaphore_mem>>) {add = true}
    }
    %scan3A_61 = arith.constant 27 : i32
    %dma_wait3A_62 = arith.constant 0 : i32
    %dma_wait3A_63 = arith.constant 0 : i32
    %dma_wait3A_64 = tpu.memref_slice %arg20[%dma_wait3A_62, %dma_wait3A_63] : memref<10008x128xf32, #tpu.memory_space<vmem_shared>> -> memref<10008x128xf32, #tpu.memory_space<vmem_shared>>
    tpu.wait_indirect_dma semaphore(%arg22 : memref<!tpu.dma_semaphore, #tpu.memory_space<semaphore_mem>>) src(%arg16 : memref<96x128xf32, #tpu.memory_space<vmem>>) dst(%dma_wait3A_64 : memref<10008x128xf32, #tpu.memory_space<vmem_shared>>)
    %dma_wait3A_65 = arith.constant 0 : i32
    %dma_wait3A_66 = arith.constant 0 : i32
    %dma_wait3A_67 = tpu.memref_slice %arg20[%dma_wait3A_65, %dma_wait3A_66] : memref<10008x128xf32, #tpu.memory_space<vmem_shared>> -> memref<10008x128xf32, #tpu.memory_space<vmem_shared>>
    tpu.wait_indirect_dma semaphore(%arg22 : memref<!tpu.dma_semaphore, #tpu.memory_space<semaphore_mem>>) src(%arg16 : memref<96x128xf32, #tpu.memory_space<vmem>>) dst(%dma_wait3A_67 : memref<10008x128xf32, #tpu.memory_space<vmem_shared>>)
    %barrier3A_68 = arith.constant 0 : index
    tpu.barrier barrier_id(%barrier3A_68)
    %eq3A_69 = arith.constant 0 : i32
    %eq3A_70 = arith.cmpi eq, %arg0, %eq3A_69 : i32
    %lt3A_71 = arith.constant 15 : i32
    %lt3A_72 = arith.cmpi slt, %arg1, %lt3A_71 : i32
    %and3A = arith.andi %eq3A_70, %lt3A_72 : i1
    %convert_element_type3A_73 = arith.extui %and3A : i1 to i32
    %cond3A_74 = arith.constant 0 : i32
    %cond3A_75 = arith.cmpi ne, %convert_element_type3A_73, %cond3A_74 : i32
    scf.if %cond3A_75 {
      "tpu.region"() ({
        %run_scoped3A = tpu.sem_alloc : memref<!tpu.dma_semaphore, #tpu.memory_space<semaphore_mem>>
        %dma_start3A_100 = arith.constant 0 : i32
        %dma_start3A_101 = tpu.memref_slice %arg6[%mul3A_2, %dma_start3A_100] : memref<10000x128xf32, #tpu.memory_space<hbm>> -> memref<624x128xf32, #tpu.memory_space<hbm>>
        %dma_start3A_102 = arith.constant 0 : i32
        %dma_start3A_103 = tpu.memref_slice %arg20[%mul3A_2, %dma_start3A_102] : memref<10008x128xf32, #tpu.memory_space<vmem_shared>> -> memref<624x128xf32, #tpu.memory_space<vmem_shared>>
        tpu.enqueue_dma source(%dma_start3A_103 : memref<624x128xf32, #tpu.memory_space<vmem_shared>>) target(%dma_start3A_101 : memref<624x128xf32, #tpu.memory_space<hbm>>) target_semaphore(%run_scoped3A : memref<!tpu.dma_semaphore, #tpu.memory_space<semaphore_mem>>)
        %dma_wait3A_104 = arith.constant 0 : i32
        %dma_wait3A_105 = tpu.memref_slice %arg6[%mul3A_2, %dma_wait3A_104] : memref<10000x128xf32, #tpu.memory_space<hbm>> -> memref<624x128xf32, #tpu.memory_space<hbm>>
        %dma_wait3A_106 = arith.constant 0 : i32
        %dma_wait3A_107 = tpu.memref_slice %arg20[%mul3A_2, %dma_wait3A_106] : memref<10008x128xf32, #tpu.memory_space<vmem_shared>> -> memref<624x128xf32, #tpu.memory_space<vmem_shared>>
        tpu.wait_dma2 semaphore(%run_scoped3A : memref<!tpu.dma_semaphore, #tpu.memory_space<semaphore_mem>>) src(%dma_wait3A_107 : memref<624x128xf32, #tpu.memory_space<vmem_shared>>) dst(%dma_wait3A_105 : memref<624x128xf32, #tpu.memory_space<hbm>>)
        tpu.yield
      }) : () -> ()
    } else {
    }
    %eq3A_76 = arith.constant 0 : i32
    %eq3A_77 = arith.cmpi eq, %arg0, %eq3A_76 : i32
    %eq3A_78 = arith.constant 15 : i32
    %eq3A_79 = arith.cmpi eq, %arg1, %eq3A_78 : i32
    %and3A_80 = arith.andi %eq3A_77, %eq3A_79 : i1
    %convert_element_type3A_81 = arith.extui %and3A_80 : i1 to i32
    %cond3A_82 = arith.constant 0 : i32
    %cond3A_83 = arith.cmpi ne, %convert_element_type3A_81, %cond3A_82 : i32
    scf.if %cond3A_83 {
      "tpu.region"() ({
        %run_scoped3A = tpu.sem_alloc : memref<!tpu.dma_semaphore, #tpu.memory_space<semaphore_mem>>
        %dma_start3A_100 = arith.constant 0 : i32
        %dma_start3A_101 = tpu.memref_slice %arg6[%mul3A_2, %dma_start3A_100] : memref<10000x128xf32, #tpu.memory_space<hbm>> -> memref<640x128xf32, #tpu.memory_space<hbm>>
        %dma_start3A_102 = arith.constant 0 : i32
        %dma_start3A_103 = tpu.memref_slice %arg20[%mul3A_2, %dma_start3A_102] : memref<10008x128xf32, #tpu.memory_space<vmem_shared>> -> memref<640x128xf32, #tpu.memory_space<vmem_shared>>
        tpu.enqueue_dma source(%dma_start3A_103 : memref<640x128xf32, #tpu.memory_space<vmem_shared>>) target(%dma_start3A_101 : memref<640x128xf32, #tpu.memory_space<hbm>>) target_semaphore(%run_scoped3A : memref<!tpu.dma_semaphore, #tpu.memory_space<semaphore_mem>>)
        %dma_wait3A_104 = arith.constant 0 : i32
        %dma_wait3A_105 = tpu.memref_slice %arg6[%mul3A_2, %dma_wait3A_104] : memref<10000x128xf32, #tpu.memory_space<hbm>> -> memref<640x128xf32, #tpu.memory_space<hbm>>
        %dma_wait3A_106 = arith.constant 0 : i32
        %dma_wait3A_107 = tpu.memref_slice %arg20[%mul3A_2, %dma_wait3A_106] : memref<10008x128xf32, #tpu.memory_space<vmem_shared>> -> memref<640x128xf32, #tpu.memory_space<vmem_shared>>
        tpu.wait_dma2 semaphore(%run_scoped3A : memref<!tpu.dma_semaphore, #tpu.memory_space<semaphore_mem>>) src(%dma_wait3A_107 : memref<640x128xf32, #tpu.memory_space<vmem_shared>>) dst(%dma_wait3A_105 : memref<640x128xf32, #tpu.memory_space<hbm>>)
        tpu.yield
      }) : () -> ()
    } else {
    }
    %eq3A_84 = arith.constant 1 : i32
    %eq3A_85 = arith.cmpi eq, %arg0, %eq3A_84 : i32
    %lt3A_86 = arith.constant 15 : i32
    %lt3A_87 = arith.cmpi slt, %arg1, %lt3A_86 : i32
    %and3A_88 = arith.andi %eq3A_85, %lt3A_87 : i1
    %convert_element_type3A_89 = arith.extui %and3A_88 : i1 to i32
    %cond3A_90 = arith.constant 0 : i32
    %cond3A_91 = arith.cmpi ne, %convert_element_type3A_89, %cond3A_90 : i32
    scf.if %cond3A_91 {
      "tpu.region"() ({
        %run_scoped3A = tpu.sem_alloc : memref<!tpu.dma_semaphore, #tpu.memory_space<semaphore_mem>>
        %dma_start3A_100 = arith.constant 0 : i32
        %dma_start3A_101 = tpu.memref_slice %arg7[%mul3A_2, %dma_start3A_100] : memref<10000x128xf32, #tpu.memory_space<hbm>> -> memref<624x128xf32, #tpu.memory_space<hbm>>
        %dma_start3A_102 = arith.constant 0 : i32
        %dma_start3A_103 = tpu.memref_slice %arg20[%mul3A_2, %dma_start3A_102] : memref<10008x128xf32, #tpu.memory_space<vmem_shared>> -> memref<624x128xf32, #tpu.memory_space<vmem_shared>>
        tpu.enqueue_dma source(%dma_start3A_103 : memref<624x128xf32, #tpu.memory_space<vmem_shared>>) target(%dma_start3A_101 : memref<624x128xf32, #tpu.memory_space<hbm>>) target_semaphore(%run_scoped3A : memref<!tpu.dma_semaphore, #tpu.memory_space<semaphore_mem>>)
        %dma_wait3A_104 = arith.constant 0 : i32
        %dma_wait3A_105 = tpu.memref_slice %arg7[%mul3A_2, %dma_wait3A_104] : memref<10000x128xf32, #tpu.memory_space<hbm>> -> memref<624x128xf32, #tpu.memory_space<hbm>>
        %dma_wait3A_106 = arith.constant 0 : i32
        %dma_wait3A_107 = tpu.memref_slice %arg20[%mul3A_2, %dma_wait3A_106] : memref<10008x128xf32, #tpu.memory_space<vmem_shared>> -> memref<624x128xf32, #tpu.memory_space<vmem_shared>>
        tpu.wait_dma2 semaphore(%run_scoped3A : memref<!tpu.dma_semaphore, #tpu.memory_space<semaphore_mem>>) src(%dma_wait3A_107 : memref<624x128xf32, #tpu.memory_space<vmem_shared>>) dst(%dma_wait3A_105 : memref<624x128xf32, #tpu.memory_space<hbm>>)
        tpu.yield
      }) : () -> ()
    } else {
    }
    %eq3A_92 = arith.constant 1 : i32
    %eq3A_93 = arith.cmpi eq, %arg0, %eq3A_92 : i32
    %eq3A_94 = arith.constant 15 : i32
    %eq3A_95 = arith.cmpi eq, %arg1, %eq3A_94 : i32
    %and3A_96 = arith.andi %eq3A_93, %eq3A_95 : i1
    %convert_element_type3A_97 = arith.extui %and3A_96 : i1 to i32
    %cond3A_98 = arith.constant 0 : i32
    %cond3A_99 = arith.cmpi ne, %convert_element_type3A_97, %cond3A_98 : i32
    scf.if %cond3A_99 {
      "tpu.region"() ({
        %run_scoped3A = tpu.sem_alloc : memref<!tpu.dma_semaphore, #tpu.memory_space<semaphore_mem>>
        %dma_start3A_100 = arith.constant 0 : i32
        %dma_start3A_101 = tpu.memref_slice %arg7[%mul3A_2, %dma_start3A_100] : memref<10000x128xf32, #tpu.memory_space<hbm>> -> memref<640x128xf32, #tpu.memory_space<hbm>>
        %dma_start3A_102 = arith.constant 0 : i32
        %dma_start3A_103 = tpu.memref_slice %arg20[%mul3A_2, %dma_start3A_102] : memref<10008x128xf32, #tpu.memory_space<vmem_shared>> -> memref<640x128xf32, #tpu.memory_space<vmem_shared>>
        tpu.enqueue_dma source(%dma_start3A_103 : memref<640x128xf32, #tpu.memory_space<vmem_shared>>) target(%dma_start3A_101 : memref<640x128xf32, #tpu.memory_space<hbm>>) target_semaphore(%run_scoped3A : memref<!tpu.dma_semaphore, #tpu.memory_space<semaphore_mem>>)
        %dma_wait3A_104 = arith.constant 0 : i32
        %dma_wait3A_105 = tpu.memref_slice %arg7[%mul3A_2, %dma_wait3A_104] : memref<10000x128xf32, #tpu.memory_space<hbm>> -> memref<640x128xf32, #tpu.memory_space<hbm>>
        %dma_wait3A_106 = arith.constant 0 : i32
        %dma_wait3A_107 = tpu.memref_slice %arg20[%mul3A_2, %dma_wait3A_106] : memref<10008x128xf32, #tpu.memory_space<vmem_shared>> -> memref<640x128xf32, #tpu.memory_space<vmem_shared>>
        tpu.wait_dma2 semaphore(%run_scoped3A : memref<!tpu.dma_semaphore, #tpu.memory_space<semaphore_mem>>) src(%dma_wait3A_107 : memref<640x128xf32, #tpu.memory_space<vmem_shared>>) dst(%dma_wait3A_105 : memref<640x128xf32, #tpu.memory_space<hbm>>)
        tpu.yield
      }) : () -> ()
    } else {
    }
    return
  }
}

#map = affine_map<(d0, d1) -> (0, 0)>
#map1 = affine_map<(d0, d1) -> (0)>
module attributes {stable_mosaic.version = 14 : i64} {
  func.func @_sc_agg(%arg0: i32, %arg1: i32, %arg2: memref<10000x128xf32, #tpu.memory_space<hbm>>, %arg3: memref<331776xi32, #tpu.memory_space<hbm>>, %arg4: memref<331776xi32, #tpu.memory_space<hbm>>, %arg5: memref<10000x128xf32, #tpu.memory_space<hbm>>, %arg6: memref<10000x128xf32, #tpu.memory_space<hbm>>, %arg7: memref<10000x128xf32, #tpu.memory_space<hbm>>, %arg8: memref<96xi32, #tpu.memory_space<vmem>>, %arg9: memref<96xi32, #tpu.memory_space<vmem>>, %arg10: memref<96xi32, #tpu.memory_space<vmem>>, %arg11: memref<96xi32, #tpu.memory_space<vmem>>, %arg12: memref<96xi32, #tpu.memory_space<vmem>>, %arg13: memref<96xi32, #tpu.memory_space<vmem>>, %arg14: memref<96xi32, #tpu.memory_space<vmem>>, %arg15: memref<96xi32, #tpu.memory_space<vmem>>, %arg16: memref<96x128xf32, #tpu.memory_space<vmem>>, %arg17: memref<96x128xf32, #tpu.memory_space<vmem>>, %arg18: memref<96x128xf32, #tpu.memory_space<vmem>>, %arg19: memref<96x128xf32, #tpu.memory_space<vmem>>, %arg20: memref<10008x128xf32, #tpu.memory_space<vmem_shared>>, %arg21: memref<!tpu.dma_semaphore, #tpu.memory_space<semaphore_mem>>, %arg22: memref<!tpu.dma_semaphore, #tpu.memory_space<semaphore_mem>>, %arg23: memref<!tpu.dma_semaphore, #tpu.memory_space<semaphore_mem>>, %arg24: memref<!tpu.dma_semaphore, #tpu.memory_space<semaphore_mem>>) attributes {dimension_semantics = [#tpu.dimension_semantics<core_parallel>, #tpu.dimension_semantics<subcore_parallel>], iteration_bounds = array<i64: 2, 16>, scalar_prefetch = 0 : i64, scratch_operands = 17 : i64, tpu.core_type = #tpu.core_type<sc_vector_subcore>, window_params = [{transform_indices = #map}, {transform_indices = #map1}, {transform_indices = #map1}, {transform_indices = #map}, {transform_indices = #map}, {transform_indices = #map}]} {
    %mul3A = arith.constant 16 : i32
    %mul3A_0 = arith.muli %arg0, %mul3A : i32
    %add3A = arith.addi %mul3A_0, %arg1 : i32
    %mul3A_1 = arith.constant 624 : i32
    %mul3A_2 = arith.muli %arg1, %mul3A_1 : i32
    %mul3A_3 = arith.constant 10368 : i32
    %mul3A_4 = arith.muli %add3A, %mul3A_3 : i32
    %lt3A = arith.constant 15 : i32
    %lt3A_5 = arith.cmpi slt, %arg1, %lt3A : i32
    %convert_element_type3A = arith.extui %lt3A_5 : i1 to i32
    %cond3A = arith.constant 0 : i32
    %cond3A_6 = arith.cmpi ne, %convert_element_type3A, %cond3A : i32
    scf.if %cond3A_6 {
      %dma_start3A_100 = arith.constant 0 : i32
      %dma_start3A_101 = tpu.memref_slice %arg20[%mul3A_2, %dma_start3A_100] : memref<10008x128xf32, #tpu.memory_space<vmem_shared>> -> memref<624x128xf32, #tpu.memory_space<vmem_shared>>
      %dma_start3A_102 = arith.constant 0 : i32
      %dma_start3A_103 = tpu.memref_slice %arg5[%mul3A_2, %dma_start3A_102] : memref<10000x128xf32, #tpu.memory_space<hbm>> -> memref<624x128xf32, #tpu.memory_space<hbm>>
      tpu.enqueue_dma source(%dma_start3A_103 : memref<624x128xf32, #tpu.memory_space<hbm>>) target(%dma_start3A_101 : memref<624x128xf32, #tpu.memory_space<vmem_shared>>) target_semaphore(%arg22 : memref<!tpu.dma_semaphore, #tpu.memory_space<semaphore_mem>>)
    } else {
    }
    %eq3A = arith.constant 15 : i32
    %eq3A_7 = arith.cmpi eq, %arg1, %eq3A : i32
    %convert_element_type3A_8 = arith.extui %eq3A_7 : i1 to i32
    %cond3A_9 = arith.constant 0 : i32
    %cond3A_10 = arith.cmpi ne, %convert_element_type3A_8, %cond3A_9 : i32
    scf.if %cond3A_10 {
      %dma_start3A_100 = arith.constant 0 : i32
      %dma_start3A_101 = tpu.memref_slice %arg20[%mul3A_2, %dma_start3A_100] : memref<10008x128xf32, #tpu.memory_space<vmem_shared>> -> memref<640x128xf32, #tpu.memory_space<vmem_shared>>
      %dma_start3A_102 = arith.constant 0 : i32
      %dma_start3A_103 = tpu.memref_slice %arg5[%mul3A_2, %dma_start3A_102] : memref<10000x128xf32, #tpu.memory_space<hbm>> -> memref<640x128xf32, #tpu.memory_space<hbm>>
      tpu.enqueue_dma source(%dma_start3A_103 : memref<640x128xf32, #tpu.memory_space<hbm>>) target(%dma_start3A_101 : memref<640x128xf32, #tpu.memory_space<vmem_shared>>) target_semaphore(%arg22 : memref<!tpu.dma_semaphore, #tpu.memory_space<semaphore_mem>>)
    } else {
    }
    %add3A_11 = arith.constant 0 : i32
    %add3A_12 = arith.addi %mul3A_4, %add3A_11 : i32
    %dma_start3A = tpu.memref_slice %arg3[%add3A_12] : memref<331776xi32, #tpu.memory_space<hbm>> -> memref<96xi32, #tpu.memory_space<hbm>>
    %dma_start3A_13 = tpu.memref_slice %arg3[%add3A_12] : memref<331776xi32, #tpu.memory_space<hbm>> -> memref<96xi32, #tpu.memory_space<hbm>>
    tpu.enqueue_dma source(%dma_start3A_13 : memref<96xi32, #tpu.memory_space<hbm>>) target(%arg8 : memref<96xi32, #tpu.memory_space<vmem>>) target_semaphore(%arg23 : memref<!tpu.dma_semaphore, #tpu.memory_space<semaphore_mem>>)
    %add3A_14 = arith.constant 96 : i32
    %add3A_15 = arith.addi %mul3A_4, %add3A_14 : i32
    %dma_start3A_16 = tpu.memref_slice %arg3[%add3A_15] : memref<331776xi32, #tpu.memory_space<hbm>> -> memref<96xi32, #tpu.memory_space<hbm>>
    %dma_start3A_17 = tpu.memref_slice %arg3[%add3A_15] : memref<331776xi32, #tpu.memory_space<hbm>> -> memref<96xi32, #tpu.memory_space<hbm>>
    tpu.enqueue_dma source(%dma_start3A_17 : memref<96xi32, #tpu.memory_space<hbm>>) target(%arg9 : memref<96xi32, #tpu.memory_space<vmem>>) target_semaphore(%arg23 : memref<!tpu.dma_semaphore, #tpu.memory_space<semaphore_mem>>)
    %add3A_18 = arith.constant 192 : i32
    %add3A_19 = arith.addi %mul3A_4, %add3A_18 : i32
    %dma_start3A_20 = tpu.memref_slice %arg3[%add3A_19] : memref<331776xi32, #tpu.memory_space<hbm>> -> memref<96xi32, #tpu.memory_space<hbm>>
    %dma_start3A_21 = tpu.memref_slice %arg3[%add3A_19] : memref<331776xi32, #tpu.memory_space<hbm>> -> memref<96xi32, #tpu.memory_space<hbm>>
    tpu.enqueue_dma source(%dma_start3A_21 : memref<96xi32, #tpu.memory_space<hbm>>) target(%arg10 : memref<96xi32, #tpu.memory_space<vmem>>) target_semaphore(%arg23 : memref<!tpu.dma_semaphore, #tpu.memory_space<semaphore_mem>>)
    %add3A_22 = arith.constant 288 : i32
    %add3A_23 = arith.addi %mul3A_4, %add3A_22 : i32
    %dma_start3A_24 = tpu.memref_slice %arg3[%add3A_23] : memref<331776xi32, #tpu.memory_space<hbm>> -> memref<96xi32, #tpu.memory_space<hbm>>
    %dma_start3A_25 = tpu.memref_slice %arg3[%add3A_23] : memref<331776xi32, #tpu.memory_space<hbm>> -> memref<96xi32, #tpu.memory_space<hbm>>
    tpu.enqueue_dma source(%dma_start3A_25 : memref<96xi32, #tpu.memory_space<hbm>>) target(%arg11 : memref<96xi32, #tpu.memory_space<vmem>>) target_semaphore(%arg23 : memref<!tpu.dma_semaphore, #tpu.memory_space<semaphore_mem>>)
    %add3A_26 = arith.constant 0 : i32
    %add3A_27 = arith.addi %mul3A_4, %add3A_26 : i32
    %dma_start3A_28 = tpu.memref_slice %arg4[%add3A_27] : memref<331776xi32, #tpu.memory_space<hbm>> -> memref<96xi32, #tpu.memory_space<hbm>>
    %dma_start3A_29 = tpu.memref_slice %arg4[%add3A_27] : memref<331776xi32, #tpu.memory_space<hbm>> -> memref<96xi32, #tpu.memory_space<hbm>>
    tpu.enqueue_dma source(%dma_start3A_29 : memref<96xi32, #tpu.memory_space<hbm>>) target(%arg12 : memref<96xi32, #tpu.memory_space<vmem>>) target_semaphore(%arg24 : memref<!tpu.dma_semaphore, #tpu.memory_space<semaphore_mem>>)
    %add3A_30 = arith.constant 96 : i32
    %add3A_31 = arith.addi %mul3A_4, %add3A_30 : i32
    %dma_start3A_32 = tpu.memref_slice %arg4[%add3A_31] : memref<331776xi32, #tpu.memory_space<hbm>> -> memref<96xi32, #tpu.memory_space<hbm>>
    %dma_start3A_33 = tpu.memref_slice %arg4[%add3A_31] : memref<331776xi32, #tpu.memory_space<hbm>> -> memref<96xi32, #tpu.memory_space<hbm>>
    tpu.enqueue_dma source(%dma_start3A_33 : memref<96xi32, #tpu.memory_space<hbm>>) target(%arg13 : memref<96xi32, #tpu.memory_space<vmem>>) target_semaphore(%arg24 : memref<!tpu.dma_semaphore, #tpu.memory_space<semaphore_mem>>)
    %add3A_34 = arith.constant 0 : i32
    %add3A_35 = arith.addi %mul3A_4, %add3A_34 : i32
    %dma_wait3A = tpu.memref_slice %arg3[%add3A_35] : memref<331776xi32, #tpu.memory_space<hbm>> -> memref<96xi32, #tpu.memory_space<hbm>>
    %dma_wait3A_36 = tpu.memref_slice %arg3[%add3A_35] : memref<331776xi32, #tpu.memory_space<hbm>> -> memref<96xi32, #tpu.memory_space<hbm>>
    tpu.wait_dma2 semaphore(%arg23 : memref<!tpu.dma_semaphore, #tpu.memory_space<semaphore_mem>>) src(%dma_wait3A_36 : memref<96xi32, #tpu.memory_space<hbm>>) dst(%arg8 : memref<96xi32, #tpu.memory_space<vmem>>)
    %dma_start3A_37 = arith.constant 0 : i32
    %dma_start3A_38 = arith.constant 0 : i32
    %dma_start3A_39 = tpu.memref_slice %arg2[%dma_start3A_37, %dma_start3A_38] : memref<10000x128xf32, #tpu.memory_space<hbm>> -> memref<10000x128xf32, #tpu.memory_space<hbm>>
    tpu.enqueue_indirect_dma source(%dma_start3A_39 : memref<10000x128xf32, #tpu.memory_space<hbm>>) target(%arg16 : memref<96x128xf32, #tpu.memory_space<vmem>>) offsets(%arg8 : memref<96xi32, #tpu.memory_space<vmem>>) semaphore(%arg21 : memref<!tpu.dma_semaphore, #tpu.memory_space<semaphore_mem>>)
    %add3A_40 = arith.constant 96 : i32
    %add3A_41 = arith.addi %mul3A_4, %add3A_40 : i32
    %dma_wait3A_42 = tpu.memref_slice %arg3[%add3A_41] : memref<331776xi32, #tpu.memory_space<hbm>> -> memref<96xi32, #tpu.memory_space<hbm>>
    %dma_wait3A_43 = tpu.memref_slice %arg3[%add3A_41] : memref<331776xi32, #tpu.memory_space<hbm>> -> memref<96xi32, #tpu.memory_space<hbm>>
    tpu.wait_dma2 semaphore(%arg23 : memref<!tpu.dma_semaphore, #tpu.memory_space<semaphore_mem>>) src(%dma_wait3A_43 : memref<96xi32, #tpu.memory_space<hbm>>) dst(%arg9 : memref<96xi32, #tpu.memory_space<vmem>>)
    %dma_start3A_44 = arith.constant 0 : i32
    %dma_start3A_45 = arith.constant 0 : i32
    %dma_start3A_46 = tpu.memref_slice %arg2[%dma_start3A_44, %dma_start3A_45] : memref<10000x128xf32, #tpu.memory_space<hbm>> -> memref<10000x128xf32, #tpu.memory_space<hbm>>
    tpu.enqueue_indirect_dma source(%dma_start3A_46 : memref<10000x128xf32, #tpu.memory_space<hbm>>) target(%arg17 : memref<96x128xf32, #tpu.memory_space<vmem>>) offsets(%arg9 : memref<96xi32, #tpu.memory_space<vmem>>) semaphore(%arg21 : memref<!tpu.dma_semaphore, #tpu.memory_space<semaphore_mem>>)
    %lt3A_47 = arith.constant 15 : i32
    %lt3A_48 = arith.cmpi slt, %arg1, %lt3A_47 : i32
    %convert_element_type3A_49 = arith.extui %lt3A_48 : i1 to i32
    %cond3A_50 = arith.constant 0 : i32
    %cond3A_51 = arith.cmpi ne, %convert_element_type3A_49, %cond3A_50 : i32
    scf.if %cond3A_51 {
      %dma_wait3A_100 = arith.constant 0 : i32
      %dma_wait3A_101 = tpu.memref_slice %arg20[%mul3A_2, %dma_wait3A_100] : memref<10008x128xf32, #tpu.memory_space<vmem_shared>> -> memref<624x128xf32, #tpu.memory_space<vmem_shared>>
      %dma_wait3A_102 = arith.constant 0 : i32
      %dma_wait3A_103 = tpu.memref_slice %arg5[%mul3A_2, %dma_wait3A_102] : memref<10000x128xf32, #tpu.memory_space<hbm>> -> memref<624x128xf32, #tpu.memory_space<hbm>>
      tpu.wait_dma2 semaphore(%arg22 : memref<!tpu.dma_semaphore, #tpu.memory_space<semaphore_mem>>) src(%dma_wait3A_103 : memref<624x128xf32, #tpu.memory_space<hbm>>) dst(%dma_wait3A_101 : memref<624x128xf32, #tpu.memory_space<vmem_shared>>)
    } else {
    }
    %eq3A_52 = arith.constant 15 : i32
    %eq3A_53 = arith.cmpi eq, %arg1, %eq3A_52 : i32
    %convert_element_type3A_54 = arith.extui %eq3A_53 : i1 to i32
    %cond3A_55 = arith.constant 0 : i32
    %cond3A_56 = arith.cmpi ne, %convert_element_type3A_54, %cond3A_55 : i32
    scf.if %cond3A_56 {
      %dma_wait3A_100 = arith.constant 0 : i32
      %dma_wait3A_101 = tpu.memref_slice %arg20[%mul3A_2, %dma_wait3A_100] : memref<10008x128xf32, #tpu.memory_space<vmem_shared>> -> memref<640x128xf32, #tpu.memory_space<vmem_shared>>
      %dma_wait3A_102 = arith.constant 0 : i32
      %dma_wait3A_103 = tpu.memref_slice %arg5[%mul3A_2, %dma_wait3A_102] : memref<10000x128xf32, #tpu.memory_space<hbm>> -> memref<640x128xf32, #tpu.memory_space<hbm>>
      tpu.wait_dma2 semaphore(%arg22 : memref<!tpu.dma_semaphore, #tpu.memory_space<semaphore_mem>>) src(%dma_wait3A_103 : memref<640x128xf32, #tpu.memory_space<hbm>>) dst(%dma_wait3A_101 : memref<640x128xf32, #tpu.memory_space<vmem_shared>>)
    } else {
    }
    %barrier3A = arith.constant 0 : index
    tpu.barrier barrier_id(%barrier3A)
    %scan3A = arith.constant 0 : i32
    %scan3A_57 = arith.constant 0 : i32
    %scan3A_58 = arith.constant 27 : i32
    %scan3A_59 = arith.addi %scan3A_57, %scan3A_58 : i32
    %scan3A_60 = arith.constant 1 : i32
    scf.for %scan3A_100 = %scan3A_57 to %scan3A_59 step %scan3A_60  : i32 {
      %mul3A_101 = arith.constant 4 : i32
      %mul3A_102 = arith.muli %mul3A_101, %scan3A_100 : i32
      %add3A_103 = arith.constant 0 : i32
      %add3A_104 = arith.addi %mul3A_102, %add3A_103 : i32
      %ge3A = arith.constant 2 : i32
      %ge3A_105 = arith.cmpi sge, %add3A_104, %ge3A : i32
      %convert_element_type3A_106 = arith.extui %ge3A_105 : i1 to i32
      %cond3A_107 = arith.constant 0 : i32
      %cond3A_108 = arith.cmpi ne, %convert_element_type3A_106, %cond3A_107 : i32
      scf.if %cond3A_108 {
        %dma_wait3A_236 = arith.constant 0 : i32
        %dma_wait3A_237 = arith.constant 0 : i32
        %dma_wait3A_238 = tpu.memref_slice %arg20[%dma_wait3A_236, %dma_wait3A_237] : memref<10008x128xf32, #tpu.memory_space<vmem_shared>> -> memref<10008x128xf32, #tpu.memory_space<vmem_shared>>
        tpu.wait_indirect_dma semaphore(%arg22 : memref<!tpu.dma_semaphore, #tpu.memory_space<semaphore_mem>>) src(%arg16 : memref<96x128xf32, #tpu.memory_space<vmem>>) dst(%dma_wait3A_238 : memref<10008x128xf32, #tpu.memory_space<vmem_shared>>)
      } else {
      }
      %add3A_109 = arith.constant 2 : i32
      %add3A_110 = arith.addi %add3A_104, %add3A_109 : i32
      %lt3A_111 = arith.constant 108 : i32
      %lt3A_112 = arith.cmpi slt, %add3A_110, %lt3A_111 : i32
      %convert_element_type3A_113 = arith.extui %lt3A_112 : i1 to i32
      %cond3A_114 = arith.constant 0 : i32
      %cond3A_115 = arith.cmpi ne, %convert_element_type3A_113, %cond3A_114 : i32
      scf.if %cond3A_115 {
        %add3A_236 = arith.constant 2 : i32
        %add3A_237 = arith.addi %add3A_104, %add3A_236 : i32
        %mul3A_238 = arith.constant 96 : i32
        %mul3A_239 = arith.muli %add3A_237, %mul3A_238 : i32
        %add3A_240 = arith.addi %mul3A_4, %mul3A_239 : i32
        %dma_wait3A_241 = tpu.memref_slice %arg3[%add3A_240] : memref<331776xi32, #tpu.memory_space<hbm>> -> memref<96xi32, #tpu.memory_space<hbm>>
        %dma_wait3A_242 = tpu.memref_slice %arg3[%add3A_240] : memref<331776xi32, #tpu.memory_space<hbm>> -> memref<96xi32, #tpu.memory_space<hbm>>
        tpu.wait_dma2 semaphore(%arg23 : memref<!tpu.dma_semaphore, #tpu.memory_space<semaphore_mem>>) src(%dma_wait3A_242 : memref<96xi32, #tpu.memory_space<hbm>>) dst(%arg10 : memref<96xi32, #tpu.memory_space<vmem>>)
        %dma_start3A_243 = arith.constant 0 : i32
        %dma_start3A_244 = arith.constant 0 : i32
        %dma_start3A_245 = tpu.memref_slice %arg2[%dma_start3A_243, %dma_start3A_244] : memref<10000x128xf32, #tpu.memory_space<hbm>> -> memref<10000x128xf32, #tpu.memory_space<hbm>>
        tpu.enqueue_indirect_dma source(%dma_start3A_245 : memref<10000x128xf32, #tpu.memory_space<hbm>>) target(%arg18 : memref<96x128xf32, #tpu.memory_space<vmem>>) offsets(%arg10 : memref<96xi32, #tpu.memory_space<vmem>>) semaphore(%arg21 : memref<!tpu.dma_semaphore, #tpu.memory_space<semaphore_mem>>)
        %add3A_246 = arith.constant 2 : i32
        %add3A_247 = arith.addi %add3A_104, %add3A_246 : i32
        %mul3A_248 = arith.constant 96 : i32
        %mul3A_249 = arith.muli %add3A_247, %mul3A_248 : i32
        %add3A_250 = arith.addi %mul3A_4, %mul3A_249 : i32
        %dma_start3A_251 = tpu.memref_slice %arg4[%add3A_250] : memref<331776xi32, #tpu.memory_space<hbm>> -> memref<96xi32, #tpu.memory_space<hbm>>
        %dma_start3A_252 = tpu.memref_slice %arg4[%add3A_250] : memref<331776xi32, #tpu.memory_space<hbm>> -> memref<96xi32, #tpu.memory_space<hbm>>
        tpu.enqueue_dma source(%dma_start3A_252 : memref<96xi32, #tpu.memory_space<hbm>>) target(%arg14 : memref<96xi32, #tpu.memory_space<vmem>>) target_semaphore(%arg24 : memref<!tpu.dma_semaphore, #tpu.memory_space<semaphore_mem>>)
      } else {
      }
      %dma_wait3A_116 = arith.constant 0 : i32
      %dma_wait3A_117 = arith.constant 0 : i32
      %dma_wait3A_118 = tpu.memref_slice %arg2[%dma_wait3A_116, %dma_wait3A_117] : memref<10000x128xf32, #tpu.memory_space<hbm>> -> memref<10000x128xf32, #tpu.memory_space<hbm>>
      tpu.wait_indirect_dma semaphore(%arg21 : memref<!tpu.dma_semaphore, #tpu.memory_space<semaphore_mem>>) src(%dma_wait3A_118 : memref<10000x128xf32, #tpu.memory_space<hbm>>) dst(%arg16 : memref<96x128xf32, #tpu.memory_space<vmem>>)
      %add3A_119 = arith.constant 4 : i32
      %add3A_120 = arith.addi %add3A_104, %add3A_119 : i32
      %lt3A_121 = arith.constant 108 : i32
      %lt3A_122 = arith.cmpi slt, %add3A_120, %lt3A_121 : i32
      %convert_element_type3A_123 = arith.extui %lt3A_122 : i1 to i32
      %cond3A_124 = arith.constant 0 : i32
      %cond3A_125 = arith.cmpi ne, %convert_element_type3A_123, %cond3A_124 : i32
      scf.if %cond3A_125 {
        %add3A_236 = arith.constant 4 : i32
        %add3A_237 = arith.addi %add3A_104, %add3A_236 : i32
        %mul3A_238 = arith.constant 96 : i32
        %mul3A_239 = arith.muli %add3A_237, %mul3A_238 : i32
        %add3A_240 = arith.addi %mul3A_4, %mul3A_239 : i32
        %dma_start3A_241 = tpu.memref_slice %arg3[%add3A_240] : memref<331776xi32, #tpu.memory_space<hbm>> -> memref<96xi32, #tpu.memory_space<hbm>>
        %dma_start3A_242 = tpu.memref_slice %arg3[%add3A_240] : memref<331776xi32, #tpu.memory_space<hbm>> -> memref<96xi32, #tpu.memory_space<hbm>>
        tpu.enqueue_dma source(%dma_start3A_242 : memref<96xi32, #tpu.memory_space<hbm>>) target(%arg8 : memref<96xi32, #tpu.memory_space<vmem>>) target_semaphore(%arg23 : memref<!tpu.dma_semaphore, #tpu.memory_space<semaphore_mem>>)
      } else {
      }
      %mul3A_126 = arith.constant 96 : i32
      %mul3A_127 = arith.muli %add3A_104, %mul3A_126 : i32
      %add3A_128 = arith.addi %mul3A_4, %mul3A_127 : i32
      %dma_wait3A_129 = tpu.memref_slice %arg4[%add3A_128] : memref<331776xi32, #tpu.memory_space<hbm>> -> memref<96xi32, #tpu.memory_space<hbm>>
      %dma_wait3A_130 = tpu.memref_slice %arg4[%add3A_128] : memref<331776xi32, #tpu.memory_space<hbm>> -> memref<96xi32, #tpu.memory_space<hbm>>
      tpu.wait_dma2 semaphore(%arg24 : memref<!tpu.dma_semaphore, #tpu.memory_space<semaphore_mem>>) src(%dma_wait3A_130 : memref<96xi32, #tpu.memory_space<hbm>>) dst(%arg12 : memref<96xi32, #tpu.memory_space<vmem>>)
      %dma_start3A_131 = arith.constant 0 : i32
      %dma_start3A_132 = arith.constant 0 : i32
      %dma_start3A_133 = tpu.memref_slice %arg20[%dma_start3A_131, %dma_start3A_132] : memref<10008x128xf32, #tpu.memory_space<vmem_shared>> -> memref<10008x128xf32, #tpu.memory_space<vmem_shared>>
      tpu.enqueue_indirect_dma source(%arg16 : memref<96x128xf32, #tpu.memory_space<vmem>>) target(%dma_start3A_133 : memref<10008x128xf32, #tpu.memory_space<vmem_shared>>) offsets(%arg12 : memref<96xi32, #tpu.memory_space<vmem>>) semaphore(%arg22 : memref<!tpu.dma_semaphore, #tpu.memory_space<semaphore_mem>>) {add = true}
      %mul3A_134 = arith.constant 4 : i32
      %mul3A_135 = arith.muli %mul3A_134, %scan3A_100 : i32
      %add3A_136 = arith.constant 1 : i32
      %add3A_137 = arith.addi %mul3A_135, %add3A_136 : i32
      %ge3A_138 = arith.constant 2 : i32
      %ge3A_139 = arith.cmpi sge, %add3A_137, %ge3A_138 : i32
      %convert_element_type3A_140 = arith.extui %ge3A_139 : i1 to i32
      %cond3A_141 = arith.constant 0 : i32
      %cond3A_142 = arith.cmpi ne, %convert_element_type3A_140, %cond3A_141 : i32
      scf.if %cond3A_142 {
        %dma_wait3A_236 = arith.constant 0 : i32
        %dma_wait3A_237 = arith.constant 0 : i32
        %dma_wait3A_238 = tpu.memref_slice %arg20[%dma_wait3A_236, %dma_wait3A_237] : memref<10008x128xf32, #tpu.memory_space<vmem_shared>> -> memref<10008x128xf32, #tpu.memory_space<vmem_shared>>
        tpu.wait_indirect_dma semaphore(%arg22 : memref<!tpu.dma_semaphore, #tpu.memory_space<semaphore_mem>>) src(%arg16 : memref<96x128xf32, #tpu.memory_space<vmem>>) dst(%dma_wait3A_238 : memref<10008x128xf32, #tpu.memory_space<vmem_shared>>)
      } else {
      }
      %add3A_143 = arith.constant 2 : i32
      %add3A_144 = arith.addi %add3A_137, %add3A_143 : i32
      %lt3A_145 = arith.constant 108 : i32
      %lt3A_146 = arith.cmpi slt, %add3A_144, %lt3A_145 : i32
      %convert_element_type3A_147 = arith.extui %lt3A_146 : i1 to i32
      %cond3A_148 = arith.constant 0 : i32
      %cond3A_149 = arith.cmpi ne, %convert_element_type3A_147, %cond3A_148 : i32
      scf.if %cond3A_149 {
        %add3A_236 = arith.constant 2 : i32
        %add3A_237 = arith.addi %add3A_137, %add3A_236 : i32
        %mul3A_238 = arith.constant 96 : i32
        %mul3A_239 = arith.muli %add3A_237, %mul3A_238 : i32
        %add3A_240 = arith.addi %mul3A_4, %mul3A_239 : i32
        %dma_wait3A_241 = tpu.memref_slice %arg3[%add3A_240] : memref<331776xi32, #tpu.memory_space<hbm>> -> memref<96xi32, #tpu.memory_space<hbm>>
        %dma_wait3A_242 = tpu.memref_slice %arg3[%add3A_240] : memref<331776xi32, #tpu.memory_space<hbm>> -> memref<96xi32, #tpu.memory_space<hbm>>
        tpu.wait_dma2 semaphore(%arg23 : memref<!tpu.dma_semaphore, #tpu.memory_space<semaphore_mem>>) src(%dma_wait3A_242 : memref<96xi32, #tpu.memory_space<hbm>>) dst(%arg11 : memref<96xi32, #tpu.memory_space<vmem>>)
        %dma_start3A_243 = arith.constant 0 : i32
        %dma_start3A_244 = arith.constant 0 : i32
        %dma_start3A_245 = tpu.memref_slice %arg2[%dma_start3A_243, %dma_start3A_244] : memref<10000x128xf32, #tpu.memory_space<hbm>> -> memref<10000x128xf32, #tpu.memory_space<hbm>>
        tpu.enqueue_indirect_dma source(%dma_start3A_245 : memref<10000x128xf32, #tpu.memory_space<hbm>>) target(%arg19 : memref<96x128xf32, #tpu.memory_space<vmem>>) offsets(%arg11 : memref<96xi32, #tpu.memory_space<vmem>>) semaphore(%arg21 : memref<!tpu.dma_semaphore, #tpu.memory_space<semaphore_mem>>)
        %add3A_246 = arith.constant 2 : i32
        %add3A_247 = arith.addi %add3A_137, %add3A_246 : i32
        %mul3A_248 = arith.constant 96 : i32
        %mul3A_249 = arith.muli %add3A_247, %mul3A_248 : i32
        %add3A_250 = arith.addi %mul3A_4, %mul3A_249 : i32
        %dma_start3A_251 = tpu.memref_slice %arg4[%add3A_250] : memref<331776xi32, #tpu.memory_space<hbm>> -> memref<96xi32, #tpu.memory_space<hbm>>
        %dma_start3A_252 = tpu.memref_slice %arg4[%add3A_250] : memref<331776xi32, #tpu.memory_space<hbm>> -> memref<96xi32, #tpu.memory_space<hbm>>
        tpu.enqueue_dma source(%dma_start3A_252 : memref<96xi32, #tpu.memory_space<hbm>>) target(%arg15 : memref<96xi32, #tpu.memory_space<vmem>>) target_semaphore(%arg24 : memref<!tpu.dma_semaphore, #tpu.memory_space<semaphore_mem>>)
      } else {
      }
      %dma_wait3A_150 = arith.constant 0 : i32
      %dma_wait3A_151 = arith.constant 0 : i32
      %dma_wait3A_152 = tpu.memref_slice %arg2[%dma_wait3A_150, %dma_wait3A_151] : memref<10000x128xf32, #tpu.memory_space<hbm>> -> memref<10000x128xf32, #tpu.memory_space<hbm>>
      tpu.wait_indirect_dma semaphore(%arg21 : memref<!tpu.dma_semaphore, #tpu.memory_space<semaphore_mem>>) src(%dma_wait3A_152 : memref<10000x128xf32, #tpu.memory_space<hbm>>) dst(%arg17 : memref<96x128xf32, #tpu.memory_space<vmem>>)
      %add3A_153 = arith.constant 4 : i32
      %add3A_154 = arith.addi %add3A_137, %add3A_153 : i32
      %lt3A_155 = arith.constant 108 : i32
      %lt3A_156 = arith.cmpi slt, %add3A_154, %lt3A_155 : i32
      %convert_element_type3A_157 = arith.extui %lt3A_156 : i1 to i32
      %cond3A_158 = arith.constant 0 : i32
      %cond3A_159 = arith.cmpi ne, %convert_element_type3A_157, %cond3A_158 : i32
      scf.if %cond3A_159 {
        %add3A_236 = arith.constant 4 : i32
        %add3A_237 = arith.addi %add3A_137, %add3A_236 : i32
        %mul3A_238 = arith.constant 96 : i32
        %mul3A_239 = arith.muli %add3A_237, %mul3A_238 : i32
        %add3A_240 = arith.addi %mul3A_4, %mul3A_239 : i32
        %dma_start3A_241 = tpu.memref_slice %arg3[%add3A_240] : memref<331776xi32, #tpu.memory_space<hbm>> -> memref<96xi32, #tpu.memory_space<hbm>>
        %dma_start3A_242 = tpu.memref_slice %arg3[%add3A_240] : memref<331776xi32, #tpu.memory_space<hbm>> -> memref<96xi32, #tpu.memory_space<hbm>>
        tpu.enqueue_dma source(%dma_start3A_242 : memref<96xi32, #tpu.memory_space<hbm>>) target(%arg9 : memref<96xi32, #tpu.memory_space<vmem>>) target_semaphore(%arg23 : memref<!tpu.dma_semaphore, #tpu.memory_space<semaphore_mem>>)
      } else {
      }
      %mul3A_160 = arith.constant 96 : i32
      %mul3A_161 = arith.muli %add3A_137, %mul3A_160 : i32
      %add3A_162 = arith.addi %mul3A_4, %mul3A_161 : i32
      %dma_wait3A_163 = tpu.memref_slice %arg4[%add3A_162] : memref<331776xi32, #tpu.memory_space<hbm>> -> memref<96xi32, #tpu.memory_space<hbm>>
      %dma_wait3A_164 = tpu.memref_slice %arg4[%add3A_162] : memref<331776xi32, #tpu.memory_space<hbm>> -> memref<96xi32, #tpu.memory_space<hbm>>
      tpu.wait_dma2 semaphore(%arg24 : memref<!tpu.dma_semaphore, #tpu.memory_space<semaphore_mem>>) src(%dma_wait3A_164 : memref<96xi32, #tpu.memory_space<hbm>>) dst(%arg13 : memref<96xi32, #tpu.memory_space<vmem>>)
      %dma_start3A_165 = arith.constant 0 : i32
      %dma_start3A_166 = arith.constant 0 : i32
      %dma_start3A_167 = tpu.memref_slice %arg20[%dma_start3A_165, %dma_start3A_166] : memref<10008x128xf32, #tpu.memory_space<vmem_shared>> -> memref<10008x128xf32, #tpu.memory_space<vmem_shared>>
      tpu.enqueue_indirect_dma source(%arg17 : memref<96x128xf32, #tpu.memory_space<vmem>>) target(%dma_start3A_167 : memref<10008x128xf32, #tpu.memory_space<vmem_shared>>) offsets(%arg13 : memref<96xi32, #tpu.memory_space<vmem>>) semaphore(%arg22 : memref<!tpu.dma_semaphore, #tpu.memory_space<semaphore_mem>>) {add = true}
      %mul3A_168 = arith.constant 4 : i32
      %mul3A_169 = arith.muli %mul3A_168, %scan3A_100 : i32
      %add3A_170 = arith.constant 2 : i32
      %add3A_171 = arith.addi %mul3A_169, %add3A_170 : i32
      %ge3A_172 = arith.constant 2 : i32
      %ge3A_173 = arith.cmpi sge, %add3A_171, %ge3A_172 : i32
      %convert_element_type3A_174 = arith.extui %ge3A_173 : i1 to i32
      %cond3A_175 = arith.constant 0 : i32
      %cond3A_176 = arith.cmpi ne, %convert_element_type3A_174, %cond3A_175 : i32
      scf.if %cond3A_176 {
        %dma_wait3A_236 = arith.constant 0 : i32
        %dma_wait3A_237 = arith.constant 0 : i32
        %dma_wait3A_238 = tpu.memref_slice %arg20[%dma_wait3A_236, %dma_wait3A_237] : memref<10008x128xf32, #tpu.memory_space<vmem_shared>> -> memref<10008x128xf32, #tpu.memory_space<vmem_shared>>
        tpu.wait_indirect_dma semaphore(%arg22 : memref<!tpu.dma_semaphore, #tpu.memory_space<semaphore_mem>>) src(%arg16 : memref<96x128xf32, #tpu.memory_space<vmem>>) dst(%dma_wait3A_238 : memref<10008x128xf32, #tpu.memory_space<vmem_shared>>)
      } else {
      }
      %add3A_177 = arith.constant 2 : i32
      %add3A_178 = arith.addi %add3A_171, %add3A_177 : i32
      %lt3A_179 = arith.constant 108 : i32
      %lt3A_180 = arith.cmpi slt, %add3A_178, %lt3A_179 : i32
      %convert_element_type3A_181 = arith.extui %lt3A_180 : i1 to i32
      %cond3A_182 = arith.constant 0 : i32
      %cond3A_183 = arith.cmpi ne, %convert_element_type3A_181, %cond3A_182 : i32
      scf.if %cond3A_183 {
        %add3A_236 = arith.constant 2 : i32
        %add3A_237 = arith.addi %add3A_171, %add3A_236 : i32
        %mul3A_238 = arith.constant 96 : i32
        %mul3A_239 = arith.muli %add3A_237, %mul3A_238 : i32
        %add3A_240 = arith.addi %mul3A_4, %mul3A_239 : i32
        %dma_wait3A_241 = tpu.memref_slice %arg3[%add3A_240] : memref<331776xi32, #tpu.memory_space<hbm>> -> memref<96xi32, #tpu.memory_space<hbm>>
        %dma_wait3A_242 = tpu.memref_slice %arg3[%add3A_240] : memref<331776xi32, #tpu.memory_space<hbm>> -> memref<96xi32, #tpu.memory_space<hbm>>
        tpu.wait_dma2 semaphore(%arg23 : memref<!tpu.dma_semaphore, #tpu.memory_space<semaphore_mem>>) src(%dma_wait3A_242 : memref<96xi32, #tpu.memory_space<hbm>>) dst(%arg8 : memref<96xi32, #tpu.memory_space<vmem>>)
        %dma_start3A_243 = arith.constant 0 : i32
        %dma_start3A_244 = arith.constant 0 : i32
        %dma_start3A_245 = tpu.memref_slice %arg2[%dma_start3A_243, %dma_start3A_244] : memref<10000x128xf32, #tpu.memory_space<hbm>> -> memref<10000x128xf32, #tpu.memory_space<hbm>>
        tpu.enqueue_indirect_dma source(%dma_start3A_245 : memref<10000x128xf32, #tpu.memory_space<hbm>>) target(%arg16 : memref<96x128xf32, #tpu.memory_space<vmem>>) offsets(%arg8 : memref<96xi32, #tpu.memory_space<vmem>>) semaphore(%arg21 : memref<!tpu.dma_semaphore, #tpu.memory_space<semaphore_mem>>)
        %add3A_246 = arith.constant 2 : i32
        %add3A_247 = arith.addi %add3A_171, %add3A_246 : i32
        %mul3A_248 = arith.constant 96 : i32
        %mul3A_249 = arith.muli %add3A_247, %mul3A_248 : i32
        %add3A_250 = arith.addi %mul3A_4, %mul3A_249 : i32
        %dma_start3A_251 = tpu.memref_slice %arg4[%add3A_250] : memref<331776xi32, #tpu.memory_space<hbm>> -> memref<96xi32, #tpu.memory_space<hbm>>
        %dma_start3A_252 = tpu.memref_slice %arg4[%add3A_250] : memref<331776xi32, #tpu.memory_space<hbm>> -> memref<96xi32, #tpu.memory_space<hbm>>
        tpu.enqueue_dma source(%dma_start3A_252 : memref<96xi32, #tpu.memory_space<hbm>>) target(%arg12 : memref<96xi32, #tpu.memory_space<vmem>>) target_semaphore(%arg24 : memref<!tpu.dma_semaphore, #tpu.memory_space<semaphore_mem>>)
      } else {
      }
      %dma_wait3A_184 = arith.constant 0 : i32
      %dma_wait3A_185 = arith.constant 0 : i32
      %dma_wait3A_186 = tpu.memref_slice %arg2[%dma_wait3A_184, %dma_wait3A_185] : memref<10000x128xf32, #tpu.memory_space<hbm>> -> memref<10000x128xf32, #tpu.memory_space<hbm>>
      tpu.wait_indirect_dma semaphore(%arg21 : memref<!tpu.dma_semaphore, #tpu.memory_space<semaphore_mem>>) src(%dma_wait3A_186 : memref<10000x128xf32, #tpu.memory_space<hbm>>) dst(%arg18 : memref<96x128xf32, #tpu.memory_space<vmem>>)
      %add3A_187 = arith.constant 4 : i32
      %add3A_188 = arith.addi %add3A_171, %add3A_187 : i32
      %lt3A_189 = arith.constant 108 : i32
      %lt3A_190 = arith.cmpi slt, %add3A_188, %lt3A_189 : i32
      %convert_element_type3A_191 = arith.extui %lt3A_190 : i1 to i32
      %cond3A_192 = arith.constant 0 : i32
      %cond3A_193 = arith.cmpi ne, %convert_element_type3A_191, %cond3A_192 : i32
      scf.if %cond3A_193 {
        %add3A_236 = arith.constant 4 : i32
        %add3A_237 = arith.addi %add3A_171, %add3A_236 : i32
        %mul3A_238 = arith.constant 96 : i32
        %mul3A_239 = arith.muli %add3A_237, %mul3A_238 : i32
        %add3A_240 = arith.addi %mul3A_4, %mul3A_239 : i32
        %dma_start3A_241 = tpu.memref_slice %arg3[%add3A_240] : memref<331776xi32, #tpu.memory_space<hbm>> -> memref<96xi32, #tpu.memory_space<hbm>>
        %dma_start3A_242 = tpu.memref_slice %arg3[%add3A_240] : memref<331776xi32, #tpu.memory_space<hbm>> -> memref<96xi32, #tpu.memory_space<hbm>>
        tpu.enqueue_dma source(%dma_start3A_242 : memref<96xi32, #tpu.memory_space<hbm>>) target(%arg10 : memref<96xi32, #tpu.memory_space<vmem>>) target_semaphore(%arg23 : memref<!tpu.dma_semaphore, #tpu.memory_space<semaphore_mem>>)
      } else {
      }
      %mul3A_194 = arith.constant 96 : i32
      %mul3A_195 = arith.muli %add3A_171, %mul3A_194 : i32
      %add3A_196 = arith.addi %mul3A_4, %mul3A_195 : i32
      %dma_wait3A_197 = tpu.memref_slice %arg4[%add3A_196] : memref<331776xi32, #tpu.memory_space<hbm>> -> memref<96xi32, #tpu.memory_space<hbm>>
      %dma_wait3A_198 = tpu.memref_slice %arg4[%add3A_196] : memref<331776xi32, #tpu.memory_space<hbm>> -> memref<96xi32, #tpu.memory_space<hbm>>
      tpu.wait_dma2 semaphore(%arg24 : memref<!tpu.dma_semaphore, #tpu.memory_space<semaphore_mem>>) src(%dma_wait3A_198 : memref<96xi32, #tpu.memory_space<hbm>>) dst(%arg14 : memref<96xi32, #tpu.memory_space<vmem>>)
      %dma_start3A_199 = arith.constant 0 : i32
      %dma_start3A_200 = arith.constant 0 : i32
      %dma_start3A_201 = tpu.memref_slice %arg20[%dma_start3A_199, %dma_start3A_200] : memref<10008x128xf32, #tpu.memory_space<vmem_shared>> -> memref<10008x128xf32, #tpu.memory_space<vmem_shared>>
      tpu.enqueue_indirect_dma source(%arg18 : memref<96x128xf32, #tpu.memory_space<vmem>>) target(%dma_start3A_201 : memref<10008x128xf32, #tpu.memory_space<vmem_shared>>) offsets(%arg14 : memref<96xi32, #tpu.memory_space<vmem>>) semaphore(%arg22 : memref<!tpu.dma_semaphore, #tpu.memory_space<semaphore_mem>>) {add = true}
      %mul3A_202 = arith.constant 4 : i32
      %mul3A_203 = arith.muli %mul3A_202, %scan3A_100 : i32
      %add3A_204 = arith.constant 3 : i32
      %add3A_205 = arith.addi %mul3A_203, %add3A_204 : i32
      %ge3A_206 = arith.constant 2 : i32
      %ge3A_207 = arith.cmpi sge, %add3A_205, %ge3A_206 : i32
      %convert_element_type3A_208 = arith.extui %ge3A_207 : i1 to i32
      %cond3A_209 = arith.constant 0 : i32
      %cond3A_210 = arith.cmpi ne, %convert_element_type3A_208, %cond3A_209 : i32
      scf.if %cond3A_210 {
        %dma_wait3A_236 = arith.constant 0 : i32
        %dma_wait3A_237 = arith.constant 0 : i32
        %dma_wait3A_238 = tpu.memref_slice %arg20[%dma_wait3A_236, %dma_wait3A_237] : memref<10008x128xf32, #tpu.memory_space<vmem_shared>> -> memref<10008x128xf32, #tpu.memory_space<vmem_shared>>
        tpu.wait_indirect_dma semaphore(%arg22 : memref<!tpu.dma_semaphore, #tpu.memory_space<semaphore_mem>>) src(%arg16 : memref<96x128xf32, #tpu.memory_space<vmem>>) dst(%dma_wait3A_238 : memref<10008x128xf32, #tpu.memory_space<vmem_shared>>)
      } else {
      }
      %add3A_211 = arith.constant 2 : i32
      %add3A_212 = arith.addi %add3A_205, %add3A_211 : i32
      %lt3A_213 = arith.constant 108 : i32
      %lt3A_214 = arith.cmpi slt, %add3A_212, %lt3A_213 : i32
      %convert_element_type3A_215 = arith.extui %lt3A_214 : i1 to i32
      %cond3A_216 = arith.constant 0 : i32
      %cond3A_217 = arith.cmpi ne, %convert_element_type3A_215, %cond3A_216 : i32
      scf.if %cond3A_217 {
        %add3A_236 = arith.constant 2 : i32
        %add3A_237 = arith.addi %add3A_205, %add3A_236 : i32
        %mul3A_238 = arith.constant 96 : i32
        %mul3A_239 = arith.muli %add3A_237, %mul3A_238 : i32
        %add3A_240 = arith.addi %mul3A_4, %mul3A_239 : i32
        %dma_wait3A_241 = tpu.memref_slice %arg3[%add3A_240] : memref<331776xi32, #tpu.memory_space<hbm>> -> memref<96xi32, #tpu.memory_space<hbm>>
        %dma_wait3A_242 = tpu.memref_slice %arg3[%add3A_240] : memref<331776xi32, #tpu.memory_space<hbm>> -> memref<96xi32, #tpu.memory_space<hbm>>
        tpu.wait_dma2 semaphore(%arg23 : memref<!tpu.dma_semaphore, #tpu.memory_space<semaphore_mem>>) src(%dma_wait3A_242 : memref<96xi32, #tpu.memory_space<hbm>>) dst(%arg9 : memref<96xi32, #tpu.memory_space<vmem>>)
        %dma_start3A_243 = arith.constant 0 : i32
        %dma_start3A_244 = arith.constant 0 : i32
        %dma_start3A_245 = tpu.memref_slice %arg2[%dma_start3A_243, %dma_start3A_244] : memref<10000x128xf32, #tpu.memory_space<hbm>> -> memref<10000x128xf32, #tpu.memory_space<hbm>>
        tpu.enqueue_indirect_dma source(%dma_start3A_245 : memref<10000x128xf32, #tpu.memory_space<hbm>>) target(%arg17 : memref<96x128xf32, #tpu.memory_space<vmem>>) offsets(%arg9 : memref<96xi32, #tpu.memory_space<vmem>>) semaphore(%arg21 : memref<!tpu.dma_semaphore, #tpu.memory_space<semaphore_mem>>)
        %add3A_246 = arith.constant 2 : i32
        %add3A_247 = arith.addi %add3A_205, %add3A_246 : i32
        %mul3A_248 = arith.constant 96 : i32
        %mul3A_249 = arith.muli %add3A_247, %mul3A_248 : i32
        %add3A_250 = arith.addi %mul3A_4, %mul3A_249 : i32
        %dma_start3A_251 = tpu.memref_slice %arg4[%add3A_250] : memref<331776xi32, #tpu.memory_space<hbm>> -> memref<96xi32, #tpu.memory_space<hbm>>
        %dma_start3A_252 = tpu.memref_slice %arg4[%add3A_250] : memref<331776xi32, #tpu.memory_space<hbm>> -> memref<96xi32, #tpu.memory_space<hbm>>
        tpu.enqueue_dma source(%dma_start3A_252 : memref<96xi32, #tpu.memory_space<hbm>>) target(%arg13 : memref<96xi32, #tpu.memory_space<vmem>>) target_semaphore(%arg24 : memref<!tpu.dma_semaphore, #tpu.memory_space<semaphore_mem>>)
      } else {
      }
      %dma_wait3A_218 = arith.constant 0 : i32
      %dma_wait3A_219 = arith.constant 0 : i32
      %dma_wait3A_220 = tpu.memref_slice %arg2[%dma_wait3A_218, %dma_wait3A_219] : memref<10000x128xf32, #tpu.memory_space<hbm>> -> memref<10000x128xf32, #tpu.memory_space<hbm>>
      tpu.wait_indirect_dma semaphore(%arg21 : memref<!tpu.dma_semaphore, #tpu.memory_space<semaphore_mem>>) src(%dma_wait3A_220 : memref<10000x128xf32, #tpu.memory_space<hbm>>) dst(%arg19 : memref<96x128xf32, #tpu.memory_space<vmem>>)
      %add3A_221 = arith.constant 4 : i32
      %add3A_222 = arith.addi %add3A_205, %add3A_221 : i32
      %lt3A_223 = arith.constant 108 : i32
      %lt3A_224 = arith.cmpi slt, %add3A_222, %lt3A_223 : i32
      %convert_element_type3A_225 = arith.extui %lt3A_224 : i1 to i32
      %cond3A_226 = arith.constant 0 : i32
      %cond3A_227 = arith.cmpi ne, %convert_element_type3A_225, %cond3A_226 : i32
      scf.if %cond3A_227 {
        %add3A_236 = arith.constant 4 : i32
        %add3A_237 = arith.addi %add3A_205, %add3A_236 : i32
        %mul3A_238 = arith.constant 96 : i32
        %mul3A_239 = arith.muli %add3A_237, %mul3A_238 : i32
        %add3A_240 = arith.addi %mul3A_4, %mul3A_239 : i32
        %dma_start3A_241 = tpu.memref_slice %arg3[%add3A_240] : memref<331776xi32, #tpu.memory_space<hbm>> -> memref<96xi32, #tpu.memory_space<hbm>>
        %dma_start3A_242 = tpu.memref_slice %arg3[%add3A_240] : memref<331776xi32, #tpu.memory_space<hbm>> -> memref<96xi32, #tpu.memory_space<hbm>>
        tpu.enqueue_dma source(%dma_start3A_242 : memref<96xi32, #tpu.memory_space<hbm>>) target(%arg11 : memref<96xi32, #tpu.memory_space<vmem>>) target_semaphore(%arg23 : memref<!tpu.dma_semaphore, #tpu.memory_space<semaphore_mem>>)
      } else {
      }
      %mul3A_228 = arith.constant 96 : i32
      %mul3A_229 = arith.muli %add3A_205, %mul3A_228 : i32
      %add3A_230 = arith.addi %mul3A_4, %mul3A_229 : i32
      %dma_wait3A_231 = tpu.memref_slice %arg4[%add3A_230] : memref<331776xi32, #tpu.memory_space<hbm>> -> memref<96xi32, #tpu.memory_space<hbm>>
      %dma_wait3A_232 = tpu.memref_slice %arg4[%add3A_230] : memref<331776xi32, #tpu.memory_space<hbm>> -> memref<96xi32, #tpu.memory_space<hbm>>
      tpu.wait_dma2 semaphore(%arg24 : memref<!tpu.dma_semaphore, #tpu.memory_space<semaphore_mem>>) src(%dma_wait3A_232 : memref<96xi32, #tpu.memory_space<hbm>>) dst(%arg15 : memref<96xi32, #tpu.memory_space<vmem>>)
      %dma_start3A_233 = arith.constant 0 : i32
      %dma_start3A_234 = arith.constant 0 : i32
      %dma_start3A_235 = tpu.memref_slice %arg20[%dma_start3A_233, %dma_start3A_234] : memref<10008x128xf32, #tpu.memory_space<vmem_shared>> -> memref<10008x128xf32, #tpu.memory_space<vmem_shared>>
      tpu.enqueue_indirect_dma source(%arg19 : memref<96x128xf32, #tpu.memory_space<vmem>>) target(%dma_start3A_235 : memref<10008x128xf32, #tpu.memory_space<vmem_shared>>) offsets(%arg15 : memref<96xi32, #tpu.memory_space<vmem>>) semaphore(%arg22 : memref<!tpu.dma_semaphore, #tpu.memory_space<semaphore_mem>>) {add = true}
    }
    %scan3A_61 = arith.constant 27 : i32
    %dma_wait3A_62 = arith.constant 0 : i32
    %dma_wait3A_63 = arith.constant 0 : i32
    %dma_wait3A_64 = tpu.memref_slice %arg20[%dma_wait3A_62, %dma_wait3A_63] : memref<10008x128xf32, #tpu.memory_space<vmem_shared>> -> memref<10008x128xf32, #tpu.memory_space<vmem_shared>>
    tpu.wait_indirect_dma semaphore(%arg22 : memref<!tpu.dma_semaphore, #tpu.memory_space<semaphore_mem>>) src(%arg16 : memref<96x128xf32, #tpu.memory_space<vmem>>) dst(%dma_wait3A_64 : memref<10008x128xf32, #tpu.memory_space<vmem_shared>>)
    %dma_wait3A_65 = arith.constant 0 : i32
    %dma_wait3A_66 = arith.constant 0 : i32
    %dma_wait3A_67 = tpu.memref_slice %arg20[%dma_wait3A_65, %dma_wait3A_66] : memref<10008x128xf32, #tpu.memory_space<vmem_shared>> -> memref<10008x128xf32, #tpu.memory_space<vmem_shared>>
    tpu.wait_indirect_dma semaphore(%arg22 : memref<!tpu.dma_semaphore, #tpu.memory_space<semaphore_mem>>) src(%arg16 : memref<96x128xf32, #tpu.memory_space<vmem>>) dst(%dma_wait3A_67 : memref<10008x128xf32, #tpu.memory_space<vmem_shared>>)
    %barrier3A_68 = arith.constant 0 : index
    tpu.barrier barrier_id(%barrier3A_68)
    %eq3A_69 = arith.constant 0 : i32
    %eq3A_70 = arith.cmpi eq, %arg0, %eq3A_69 : i32
    %lt3A_71 = arith.constant 15 : i32
    %lt3A_72 = arith.cmpi slt, %arg1, %lt3A_71 : i32
    %and3A = arith.andi %eq3A_70, %lt3A_72 : i1
    %convert_element_type3A_73 = arith.extui %and3A : i1 to i32
    %cond3A_74 = arith.constant 0 : i32
    %cond3A_75 = arith.cmpi ne, %convert_element_type3A_73, %cond3A_74 : i32
    scf.if %cond3A_75 {
      "tpu.region"() ({
        %run_scoped3A = tpu.sem_alloc : memref<!tpu.dma_semaphore, #tpu.memory_space<semaphore_mem>>
        %dma_start3A_100 = arith.constant 0 : i32
        %dma_start3A_101 = tpu.memref_slice %arg6[%mul3A_2, %dma_start3A_100] : memref<10000x128xf32, #tpu.memory_space<hbm>> -> memref<624x128xf32, #tpu.memory_space<hbm>>
        %dma_start3A_102 = arith.constant 0 : i32
        %dma_start3A_103 = tpu.memref_slice %arg20[%mul3A_2, %dma_start3A_102] : memref<10008x128xf32, #tpu.memory_space<vmem_shared>> -> memref<624x128xf32, #tpu.memory_space<vmem_shared>>
        tpu.enqueue_dma source(%dma_start3A_103 : memref<624x128xf32, #tpu.memory_space<vmem_shared>>) target(%dma_start3A_101 : memref<624x128xf32, #tpu.memory_space<hbm>>) target_semaphore(%run_scoped3A : memref<!tpu.dma_semaphore, #tpu.memory_space<semaphore_mem>>)
        %dma_wait3A_104 = arith.constant 0 : i32
        %dma_wait3A_105 = tpu.memref_slice %arg6[%mul3A_2, %dma_wait3A_104] : memref<10000x128xf32, #tpu.memory_space<hbm>> -> memref<624x128xf32, #tpu.memory_space<hbm>>
        %dma_wait3A_106 = arith.constant 0 : i32
        %dma_wait3A_107 = tpu.memref_slice %arg20[%mul3A_2, %dma_wait3A_106] : memref<10008x128xf32, #tpu.memory_space<vmem_shared>> -> memref<624x128xf32, #tpu.memory_space<vmem_shared>>
        tpu.wait_dma2 semaphore(%run_scoped3A : memref<!tpu.dma_semaphore, #tpu.memory_space<semaphore_mem>>) src(%dma_wait3A_107 : memref<624x128xf32, #tpu.memory_space<vmem_shared>>) dst(%dma_wait3A_105 : memref<624x128xf32, #tpu.memory_space<hbm>>)
        tpu.yield
      }) : () -> ()
    } else {
    }
    %eq3A_76 = arith.constant 0 : i32
    %eq3A_77 = arith.cmpi eq, %arg0, %eq3A_76 : i32
    %eq3A_78 = arith.constant 15 : i32
    %eq3A_79 = arith.cmpi eq, %arg1, %eq3A_78 : i32
    %and3A_80 = arith.andi %eq3A_77, %eq3A_79 : i1
    %convert_element_type3A_81 = arith.extui %and3A_80 : i1 to i32
    %cond3A_82 = arith.constant 0 : i32
    %cond3A_83 = arith.cmpi ne, %convert_element_type3A_81, %cond3A_82 : i32
    scf.if %cond3A_83 {
      "tpu.region"() ({
        %run_scoped3A = tpu.sem_alloc : memref<!tpu.dma_semaphore, #tpu.memory_space<semaphore_mem>>
        %dma_start3A_100 = arith.constant 0 : i32
        %dma_start3A_101 = tpu.memref_slice %arg6[%mul3A_2, %dma_start3A_100] : memref<10000x128xf32, #tpu.memory_space<hbm>> -> memref<640x128xf32, #tpu.memory_space<hbm>>
        %dma_start3A_102 = arith.constant 0 : i32
        %dma_start3A_103 = tpu.memref_slice %arg20[%mul3A_2, %dma_start3A_102] : memref<10008x128xf32, #tpu.memory_space<vmem_shared>> -> memref<640x128xf32, #tpu.memory_space<vmem_shared>>
        tpu.enqueue_dma source(%dma_start3A_103 : memref<640x128xf32, #tpu.memory_space<vmem_shared>>) target(%dma_start3A_101 : memref<640x128xf32, #tpu.memory_space<hbm>>) target_semaphore(%run_scoped3A : memref<!tpu.dma_semaphore, #tpu.memory_space<semaphore_mem>>)
        %dma_wait3A_104 = arith.constant 0 : i32
        %dma_wait3A_105 = tpu.memref_slice %arg6[%mul3A_2, %dma_wait3A_104] : memref<10000x128xf32, #tpu.memory_space<hbm>> -> memref<640x128xf32, #tpu.memory_space<hbm>>
        %dma_wait3A_106 = arith.constant 0 : i32
        %dma_wait3A_107 = tpu.memref_slice %arg20[%mul3A_2, %dma_wait3A_106] : memref<10008x128xf32, #tpu.memory_space<vmem_shared>> -> memref<640x128xf32, #tpu.memory_space<vmem_shared>>
        tpu.wait_dma2 semaphore(%run_scoped3A : memref<!tpu.dma_semaphore, #tpu.memory_space<semaphore_mem>>) src(%dma_wait3A_107 : memref<640x128xf32, #tpu.memory_space<vmem_shared>>) dst(%dma_wait3A_105 : memref<640x128xf32, #tpu.memory_space<hbm>>)
        tpu.yield
      }) : () -> ()
    } else {
    }
    %eq3A_84 = arith.constant 1 : i32
    %eq3A_85 = arith.cmpi eq, %arg0, %eq3A_84 : i32
    %lt3A_86 = arith.constant 15 : i32
    %lt3A_87 = arith.cmpi slt, %arg1, %lt3A_86 : i32
    %and3A_88 = arith.andi %eq3A_85, %lt3A_87 : i1
    %convert_element_type3A_89 = arith.extui %and3A_88 : i1 to i32
    %cond3A_90 = arith.constant 0 : i32
    %cond3A_91 = arith.cmpi ne, %convert_element_type3A_89, %cond3A_90 : i32
    scf.if %cond3A_91 {
      "tpu.region"() ({
        %run_scoped3A = tpu.sem_alloc : memref<!tpu.dma_semaphore, #tpu.memory_space<semaphore_mem>>
        %dma_start3A_100 = arith.constant 0 : i32
        %dma_start3A_101 = tpu.memref_slice %arg7[%mul3A_2, %dma_start3A_100] : memref<10000x128xf32, #tpu.memory_space<hbm>> -> memref<624x128xf32, #tpu.memory_space<hbm>>
        %dma_start3A_102 = arith.constant 0 : i32
        %dma_start3A_103 = tpu.memref_slice %arg20[%mul3A_2, %dma_start3A_102] : memref<10008x128xf32, #tpu.memory_space<vmem_shared>> -> memref<624x128xf32, #tpu.memory_space<vmem_shared>>
        tpu.enqueue_dma source(%dma_start3A_103 : memref<624x128xf32, #tpu.memory_space<vmem_shared>>) target(%dma_start3A_101 : memref<624x128xf32, #tpu.memory_space<hbm>>) target_semaphore(%run_scoped3A : memref<!tpu.dma_semaphore, #tpu.memory_space<semaphore_mem>>)
        %dma_wait3A_104 = arith.constant 0 : i32
        %dma_wait3A_105 = tpu.memref_slice %arg7[%mul3A_2, %dma_wait3A_104] : memref<10000x128xf32, #tpu.memory_space<hbm>> -> memref<624x128xf32, #tpu.memory_space<hbm>>
        %dma_wait3A_106 = arith.constant 0 : i32
        %dma_wait3A_107 = tpu.memref_slice %arg20[%mul3A_2, %dma_wait3A_106] : memref<10008x128xf32, #tpu.memory_space<vmem_shared>> -> memref<624x128xf32, #tpu.memory_space<vmem_shared>>
        tpu.wait_dma2 semaphore(%run_scoped3A : memref<!tpu.dma_semaphore, #tpu.memory_space<semaphore_mem>>) src(%dma_wait3A_107 : memref<624x128xf32, #tpu.memory_space<vmem_shared>>) dst(%dma_wait3A_105 : memref<624x128xf32, #tpu.memory_space<hbm>>)
        tpu.yield
      }) : () -> ()
    } else {
    }
    %eq3A_92 = arith.constant 1 : i32
    %eq3A_93 = arith.cmpi eq, %arg0, %eq3A_92 : i32
    %eq3A_94 = arith.constant 15 : i32
    %eq3A_95 = arith.cmpi eq, %arg1, %eq3A_94 : i32
    %and3A_96 = arith.andi %eq3A_93, %eq3A_95 : i1
    %convert_element_type3A_97 = arith.extui %and3A_96 : i1 to i32
    %cond3A_98 = arith.constant 0 : i32
    %cond3A_99 = arith.cmpi ne, %convert_element_type3A_97, %cond3A_98 : i32
    scf.if %cond3A_99 {
      "tpu.region"() ({
        %run_scoped3A = tpu.sem_alloc : memref<!tpu.dma_semaphore, #tpu.memory_space<semaphore_mem>>
        %dma_start3A_100 = arith.constant 0 : i32
        %dma_start3A_101 = tpu.memref_slice %arg7[%mul3A_2, %dma_start3A_100] : memref<10000x128xf32, #tpu.memory_space<hbm>> -> memref<640x128xf32, #tpu.memory_space<hbm>>
        %dma_start3A_102 = arith.constant 0 : i32
        %dma_start3A_103 = tpu.memref_slice %arg20[%mul3A_2, %dma_start3A_102] : memref<10008x128xf32, #tpu.memory_space<vmem_shared>> -> memref<640x128xf32, #tpu.memory_space<vmem_shared>>
        tpu.enqueue_dma source(%dma_start3A_103 : memref<640x128xf32, #tpu.memory_space<vmem_shared>>) target(%dma_start3A_101 : memref<640x128xf32, #tpu.memory_space<hbm>>) target_semaphore(%run_scoped3A : memref<!tpu.dma_semaphore, #tpu.memory_space<semaphore_mem>>)
        %dma_wait3A_104 = arith.constant 0 : i32
        %dma_wait3A_105 = tpu.memref_slice %arg7[%mul3A_2, %dma_wait3A_104] : memref<10000x128xf32, #tpu.memory_space<hbm>> -> memref<640x128xf32, #tpu.memory_space<hbm>>
        %dma_wait3A_106 = arith.constant 0 : i32
        %dma_wait3A_107 = tpu.memref_slice %arg20[%mul3A_2, %dma_wait3A_106] : memref<10008x128xf32, #tpu.memory_space<vmem_shared>> -> memref<640x128xf32, #tpu.memory_space<vmem_shared>>
        tpu.wait_dma2 semaphore(%run_scoped3A : memref<!tpu.dma_semaphore, #tpu.memory_space<semaphore_mem>>) src(%dma_wait3A_107 : memref<640x128xf32, #tpu.memory_space<vmem_shared>>) dst(%dma_wait3A_105 : memref<640x128xf32, #tpu.memory_space<hbm>>)
        tpu.yield
      }) : () -> ()
    } else {
    }
    return
  }
}

module attributes {stable_mosaic.version = 14 : i64} {
  func.func @_mlp_body(%arg0: i32, %arg1: memref<2000x128xf32, #tpu.memory_space<vmem>>, %arg2: memref<2000x128xf32, #tpu.memory_space<vmem>>, %arg3: memref<2000x128xf32, #tpu.memory_space<vmem>>, %arg4: memref<128x128xf32, #tpu.memory_space<vmem>>, %arg5: memref<1x128xf32, #tpu.memory_space<vmem>>, %arg6: memref<2000x128xf32, #tpu.memory_space<vmem>>) attributes {dimension_semantics = [#tpu.dimension_semantics<arbitrary>], iteration_bounds = array<i64: 5>, scalar_prefetch = 0 : i64, scratch_operands = 0 : i64, tpu.core_type = #tpu.core_type<tc>, window_params = [{transform_indices = @transform_0, window_bounds = array<i64: 2000, 128>}, {transform_indices = @transform_1, window_bounds = array<i64: 2000, 128>}, {transform_indices = @transform_2, window_bounds = array<i64: 2000, 128>}, {pipeline_mode = #tpu.pipeline_mode<synchronous>, transform_indices = @transform_3, window_bounds = array<i64: 128, 128>}, {pipeline_mode = #tpu.pipeline_mode<synchronous>, transform_indices = @transform_4, window_bounds = array<i64: 1, 128>}, {transform_indices = @transform_5, window_bounds = array<i64: 2000, 128>}]} {
    %get3A = arith.constant 0 : index
    %get3A_0 = arith.constant 0 : index
    %get3A_1 = vector.load %arg1[%get3A, %get3A_0] : memref<2000x128xf32, #tpu.memory_space<vmem>>, vector<2000x128xf32>
    %get3A_2 = arith.constant 0 : index
    %get3A_3 = arith.constant 0 : index
    %get3A_4 = vector.load %arg2[%get3A_2, %get3A_3] : memref<2000x128xf32, #tpu.memory_space<vmem>>, vector<2000x128xf32>
    %add3A = arith.addf %get3A_1, %get3A_4 : vector<2000x128xf32>
    %get3A_5 = arith.constant 0 : index
    %get3A_6 = arith.constant 0 : index
    %get3A_7 = vector.load %arg3[%get3A_5, %get3A_6] : memref<2000x128xf32, #tpu.memory_space<vmem>>, vector<2000x128xf32>
    %add3A_8 = arith.addf %add3A, %get3A_7 : vector<2000x128xf32>
    %get3A_9 = arith.constant 0 : index
    %get3A_10 = arith.constant 0 : index
    %get3A_11 = vector.load %arg4[%get3A_9, %get3A_10] : memref<128x128xf32, #tpu.memory_space<vmem>>, vector<128x128xf32>
    %dot_general3A = arith.constant dense<0.000000e+00> : vector<2000x128xf32>
    %dot_general3A_12 = tpu.matmul %add3A_8, %get3A_11, %dot_general3A {dimension_numbers = #tpu.dot_dimension_numbers<[1], [0], [0], [1], [0, 0, 1, 1], [], []>, transpose_lhs_hint = false} : vector<2000x128xf32>, vector<128x128xf32>, vector<2000x128xf32> -> vector<2000x128xf32>
    %get3A_13 = arith.constant 0 : index
    %get3A_14 = arith.constant 0 : index
    %get3A_15 = vector.load %arg5[%get3A_13, %get3A_14] : memref<1x128xf32, #tpu.memory_space<vmem>>, vector<1x128xf32>
    %add3A_16 = vector.broadcast %get3A_15 : vector<1x128xf32> to vector<2000x128xf32>
    %add3A_17 = arith.addf %dot_general3A_12, %add3A_16 : vector<2000x128xf32>
    %max3A = arith.constant 0.000000e+00 : f32
    %max3A_18 = vector.broadcast %max3A : f32 to vector<2000x128xf32>
    %max3A_19 = arith.maximumf %add3A_17, %max3A_18 : vector<2000x128xf32>
    %swap3A = arith.constant 0 : index
    %swap3A_20 = arith.constant 0 : index
    %swap3A_21 = vector.load %arg6[%swap3A, %swap3A_20] : memref<2000x128xf32, #tpu.memory_space<vmem>>, vector<2000x128xf32>
    tpu.vector_store %arg6[%swap3A, %swap3A_20], %max3A_19 {strides = array<i32>} : memref<2000x128xf32, #tpu.memory_space<vmem>>, vector<2000x128xf32>,
    return
  }
  func.func @transform_0(%arg0: i32) -> (i32, i32) {
    %c0_i32 = arith.constant 0 : i32
    %c0_i32_0 = arith.constant 0 : i32
    return %arg0, %c0_i32 : i32, i32
  }
  func.func @transform_1(%arg0: i32) -> (i32, i32) {
    %c0_i32 = arith.constant 0 : i32
    %c0_i32_0 = arith.constant 0 : i32
    return %arg0, %c0_i32 : i32, i32
  }
  func.func @transform_2(%arg0: i32) -> (i32, i32) {
    %c0_i32 = arith.constant 0 : i32
    %c0_i32_0 = arith.constant 0 : i32
    return %arg0, %c0_i32 : i32, i32
  }
  func.func @transform_3(%arg0: i32) -> (i32, i32) {
    %c0_i32 = arith.constant 0 : i32
    %c0_i32_0 = arith.constant 0 : i32
    %c0_i32_1 = arith.constant 0 : i32
    return %c0_i32, %c0_i32_0 : i32, i32
  }
  func.func @transform_4(%arg0: i32) -> (i32, i32) {
    %c0_i32 = arith.constant 0 : i32
    %c0_i32_0 = arith.constant 0 : i32
    %c0_i32_1 = arith.constant 0 : i32
    return %c0_i32, %c0_i32_0 : i32, i32
  }
  func.func @transform_5(%arg0: i32) -> (i32, i32) {
    %c0_i32 = arith.constant 0 : i32
    %c0_i32_0 = arith.constant 0 : i32
    return %arg0, %c0_i32 : i32, i32
  }
}

module attributes {stable_mosaic.version = 14 : i64} {
  func.func @_final_body(%arg0: i32, %arg1: memref<2000x128xf32, #tpu.memory_space<vmem>>, %arg2: memref<2000x128xf32, #tpu.memory_space<vmem>>, %arg3: memref<2000x128xf32, #tpu.memory_space<vmem>>, %arg4: memref<128x128xf32, #tpu.memory_space<vmem>>, %arg5: memref<1x128xf32, #tpu.memory_space<vmem>>, %arg6: memref<128x40xf32, #tpu.memory_space<vmem>>, %arg7: memref<1x40xf32, #tpu.memory_space<vmem>>, %arg8: memref<2000x40xf32, #tpu.memory_space<vmem>>) attributes {dimension_semantics = [#tpu.dimension_semantics<arbitrary>], iteration_bounds = array<i64: 5>, scalar_prefetch = 0 : i64, scratch_operands = 0 : i64, tpu.core_type = #tpu.core_type<tc>, window_params = [{transform_indices = @transform_0, window_bounds = array<i64: 2000, 128>}, {transform_indices = @transform_1, window_bounds = array<i64: 2000, 128>}, {transform_indices = @transform_2, window_bounds = array<i64: 2000, 128>}, {pipeline_mode = #tpu.pipeline_mode<synchronous>, transform_indices = @transform_3, window_bounds = array<i64: 128, 128>}, {pipeline_mode = #tpu.pipeline_mode<synchronous>, transform_indices = @transform_4, window_bounds = array<i64: 1, 128>}, {pipeline_mode = #tpu.pipeline_mode<synchronous>, transform_indices = @transform_5, window_bounds = array<i64: 128, 40>}, {pipeline_mode = #tpu.pipeline_mode<synchronous>, transform_indices = @transform_6, window_bounds = array<i64: 1, 40>}, {transform_indices = @transform_7, window_bounds = array<i64: 2000, 40>}]} {
    %get3A = arith.constant 0 : index
    %get3A_0 = arith.constant 0 : index
    %get3A_1 = vector.load %arg1[%get3A, %get3A_0] : memref<2000x128xf32, #tpu.memory_space<vmem>>, vector<2000x128xf32>
    %get3A_2 = arith.constant 0 : index
    %get3A_3 = arith.constant 0 : index
    %get3A_4 = vector.load %arg2[%get3A_2, %get3A_3] : memref<2000x128xf32, #tpu.memory_space<vmem>>, vector<2000x128xf32>
    %add3A = arith.addf %get3A_1, %get3A_4 : vector<2000x128xf32>
    %get3A_5 = arith.constant 0 : index
    %get3A_6 = arith.constant 0 : index
    %get3A_7 = vector.load %arg3[%get3A_5, %get3A_6] : memref<2000x128xf32, #tpu.memory_space<vmem>>, vector<2000x128xf32>
    %add3A_8 = arith.addf %add3A, %get3A_7 : vector<2000x128xf32>
    %get3A_9 = arith.constant 0 : index
    %get3A_10 = arith.constant 0 : index
    %get3A_11 = vector.load %arg4[%get3A_9, %get3A_10] : memref<128x128xf32, #tpu.memory_space<vmem>>, vector<128x128xf32>
    %dot_general3A = arith.constant dense<0.000000e+00> : vector<2000x128xf32>
    %dot_general3A_12 = tpu.matmul %add3A_8, %get3A_11, %dot_general3A {dimension_numbers = #tpu.dot_dimension_numbers<[1], [0], [0], [1], [0, 0, 1, 1], [], []>, transpose_lhs_hint = false} : vector<2000x128xf32>, vector<128x128xf32>, vector<2000x128xf32> -> vector<2000x128xf32>
    %get3A_13 = arith.constant 0 : index
    %get3A_14 = arith.constant 0 : index
    %get3A_15 = vector.load %arg5[%get3A_13, %get3A_14] : memref<1x128xf32, #tpu.memory_space<vmem>>, vector<1x128xf32>
    %add3A_16 = vector.broadcast %get3A_15 : vector<1x128xf32> to vector<2000x128xf32>
    %add3A_17 = arith.addf %dot_general3A_12, %add3A_16 : vector<2000x128xf32>
    %max3A = arith.constant 0.000000e+00 : f32
    %max3A_18 = vector.broadcast %max3A : f32 to vector<2000x128xf32>
    %max3A_19 = arith.maximumf %add3A_17, %max3A_18 : vector<2000x128xf32>
    %get3A_20 = arith.constant 0 : index
    %get3A_21 = arith.constant 0 : index
    %get3A_22 = vector.load %arg6[%get3A_20, %get3A_21] : memref<128x40xf32, #tpu.memory_space<vmem>>, vector<128x40xf32>
    %dot_general3A_23 = arith.constant dense<0.000000e+00> : vector<2000x40xf32>
    %dot_general3A_24 = tpu.matmul %max3A_19, %get3A_22, %dot_general3A_23 {dimension_numbers = #tpu.dot_dimension_numbers<[1], [0], [0], [1], [0, 0, 1, 1], [], []>, transpose_lhs_hint = false} : vector<2000x128xf32>, vector<128x40xf32>, vector<2000x40xf32> -> vector<2000x40xf32>
    %get3A_25 = arith.constant 0 : index
    %get3A_26 = arith.constant 0 : index
    %get3A_27 = vector.load %arg7[%get3A_25, %get3A_26] : memref<1x40xf32, #tpu.memory_space<vmem>>, vector<1x40xf32>
    %add3A_28 = vector.broadcast %get3A_27 : vector<1x40xf32> to vector<2000x40xf32>
    %add3A_29 = arith.addf %dot_general3A_24, %add3A_28 : vector<2000x40xf32>
    %swap3A = arith.constant 0 : index
    %swap3A_30 = arith.constant 0 : index
    %swap3A_31 = vector.load %arg8[%swap3A, %swap3A_30] : memref<2000x40xf32, #tpu.memory_space<vmem>>, vector<2000x40xf32>
    tpu.vector_store %arg8[%swap3A, %swap3A_30], %add3A_29 {strides = array<i32>} : memref<2000x40xf32, #tpu.memory_space<vmem>>, vector<2000x40xf32>,
    return
  }
  func.func @transform_0(%arg0: i32) -> (i32, i32) {
    %c0_i32 = arith.constant 0 : i32
    %c0_i32_0 = arith.constant 0 : i32
    return %arg0, %c0_i32 : i32, i32
  }
  func.func @transform_1(%arg0: i32) -> (i32, i32) {
    %c0_i32 = arith.constant 0 : i32
    %c0_i32_0 = arith.constant 0 : i32
    return %arg0, %c0_i32 : i32, i32
  }
  func.func @transform_2(%arg0: i32) -> (i32, i32) {
    %c0_i32 = arith.constant 0 : i32
    %c0_i32_0 = arith.constant 0 : i32
    return %arg0, %c0_i32 : i32, i32
  }
  func.func @transform_3(%arg0: i32) -> (i32, i32) {
    %c0_i32 = arith.constant 0 : i32
    %c0_i32_0 = arith.constant 0 : i32
    %c0_i32_1 = arith.constant 0 : i32
    return %c0_i32, %c0_i32_0 : i32, i32
  }
  func.func @transform_4(%arg0: i32) -> (i32, i32) {
    %c0_i32 = arith.constant 0 : i32
    %c0_i32_0 = arith.constant 0 : i32
    %c0_i32_1 = arith.constant 0 : i32
    return %c0_i32, %c0_i32_0 : i32, i32
  }
  func.func @transform_5(%arg0: i32) -> (i32, i32) {
    %c0_i32 = arith.constant 0 : i32
    %c0_i32_0 = arith.constant 0 : i32
    %c0_i32_1 = arith.constant 0 : i32
    return %c0_i32, %c0_i32_0 : i32, i32
  }
  func.func @transform_6(%arg0: i32) -> (i32, i32) {
    %c0_i32 = arith.constant 0 : i32
    %c0_i32_0 = arith.constant 0 : i32
    %c0_i32_1 = arith.constant 0 : i32
    return %c0_i32, %c0_i32_0 : i32, i32
  }
  func.func @transform_7(%arg0: i32) -> (i32, i32) {
    %c0_i32 = arith.constant 0 : i32
    %c0_i32_0 = arith.constant 0 : i32
    return %arg0, %c0_i32 : i32, i32
  }
}

</mosaic_0001>

<sc_bundles>
// kernel: kernel.11.cloned.1.call-start
scs
__scs_entry_jumppad:
0x0: {  	(pc) =	sbr.rel $0x88, $3  }
0x1: {  	(tag) =	ssettag $0x0;
	lr =	simm.s32 $0x1  }
0x2: {  	[smem:$0x3F97] =	sst lr;
	_ =	strace $0xD0000000  }
0x3: {  	_ = 	snop  }
0x4: {  	_ = 	snop  }
0x5: {  	_ = 	snop  }
0x6: {  	_ = 	snop  }
0x7: {  	_ = 	snop  }
__scs_overlays_trampoline_lowered:
0x8: {  	[smem:$0x3FA6] =	sst s0  }
0x9: {  	[smem:$0x3FA7] =	sst s1  }
0xa: {  	[smem:$0x3FA8] =	sst s2  }
0xb: {  	[smem:$0x3FA9] =	sst s3  }
0xc: {  	[smem:$0x3FAA] =	sst s4  }
0xd: {  	[smem:$0x3FAB] =	sst s5  }
0xe: {  	[smem:$0x3FAC] =	sst s6  }
0xf: {  	[smem:$0x3FAD] =	sst s7  }
0x10: {  	[smem:$0x3FAE] =	sst s8  }
0x11: {  	[smem:$0x3FAF] =	sst s9;
	s0 =	simm.s32 @!p0 $0x0  }
0x12: {  	s1 =	sld [smem:$0x3F95];
	s0 =	simm.s32 @p0 $0x1  }
0x13: {  	[smem:$0x3FB0] =	sst s0;
	s0 =	simm.s32 @!p1 $0x0  }
0x14: {  	s2 =	sld [smem:$0x3F94];
	s0 =	simm.s32 @p1 $0x1  }
0x15: {  	[smem:$0x3FB1] =	sst s0;
	s0 =	simm.s32 @!p2 $0x0  }
0x16: {  	s3 =	sld [smem:$0x3FDB];
	s0 =	simm.s32 @p2 $0x1  }
0x17: {  	s4 =	simm.s32 $0x1BF5;
	[smem:$0x3FB3] =	sst s0  }
0x18: {  	s0 =	sld [smem:$0x3F96];
	_ =	swait.ge [sflag:s4], $0x0  }
0x19: {  	s7 =	sld [smem:$0x3F97]  }
0x1a: {  	s8 =	sadd.s32 $0xFFFFE003, lr  }
0x1b: {  	s9 =	sadd.s32 $0xFFFFFEF7, lr;
	s5 =	simm.s32 $0xFFFFFFFF;
	p2 =	slt.u32 s8, $0xFFFFF086  }
0x1c: {  	p1 =	slt.u32 s9, $0xF7A;
	s5 =	simm.s32 @!p2 $0x0  }
0x1d: {  	s5 =	simm.s32 @p1 $0x1;
	p0 =	seq.s32 s7, s2  }
0x1e: {  	s7 =	smul.u32 @!p0 $0xF7A, s2;
	p2 =	seq.s32 @!p0 s5, $0x0  }
0x1f: {  	s9 =	smul.u32 $0xF7A, s1;
	s8 =	simm.s32 @!p0 $0x1BF5;
	p2 =	por !p2, p0  }
0x20: {  	[sflag:s8] =	ssyncset.s32 @!p0 $0xFFFFF086;
	s6 =	sadd.s32 @!p0 s3, s7;
	s7 =	simm.s32 @!p0 $0x108  }
0x21: {  	s3 =	sadd.s32 s3, s9;
	s6 =	sadd.s32 @!p0 $0x88, s6;
	s7 =	simm.s32 @p2 $0x1082  }
0x22: {  	[simem:s7], [sflag:s8] =	dma.local @!p0 [hbm:s6], $0xF7A  }
0x23: {  	s9 =	sor.u32 $0xD0000000, s2;
	s6 =	simm.s32 $0x108;
	_ =	swait.ge @!p0 [sflag:s8], $0x0  }
0x24: {  	s3 =	sadd.s32 $0x88, s3;
	s6 =	simm.s32 @!p1 $0x1082;
	[sflag:s4] =	ssyncset.s32 $0xFFFFF086  }
0x25: {  	[simem:s6], [sflag:s4] =	dma.local [hbm:s3], $0xF7A  }
0x26: {  	[smem:$0x3F97] =	sst s1;
	(tag) =	ssettag s2;
	_ =	strace s9  }
0x27: {  	s1 =	sld [smem:$0x3FA7]  }
0x28: {  	s2 =	sld [smem:$0x3FA8]  }
0x29: {  	s4 =	sld [smem:$0x3FAA]  }
0x2a: {  	p0 =	seq.s32 s5, $0x0;
	s5 =	sld [smem:$0x3FAB]  }
0x2b: {  	s6 =	sld [smem:$0x3FAC]  }
0x2c: {  	s7 =	sld [smem:$0x3FAD]  }
0x2d: {  	s3 =	simm.s32 $0x108;
	s8 =	sld [smem:$0x3FAE]  }
0x2e: {  	s3 =	simm.s32 @!p0 $0x1082;
	s9 =	sld [smem:$0x3FAF]  }
0x2f: {  	lr =	sadd.s32 s0, s3;
	s0 =	sld [smem:$0x3FA6]  }
0x30: {  	s3 =	sld [smem:$0x3FA9]  }
0x31: {  	[smem:$0x3FB2] =	sst s10  }
0x32: {  	s10 =	sld [smem:$0x3FB0];
	_ =	sdelay $0x3  }
0x33: {  	p0 =	seq.s32 s10, $0x1;
	s10 =	sld [smem:$0x3FB2];
	_ =	sdelay $0x3  }
0x34: {  	[smem:$0x3FB2] =	sst s10  }
0x35: {  	s10 =	sld [smem:$0x3FB1];
	_ =	sdelay $0x3  }
0x36: {  	p1 =	seq.s32 s10, $0x1;
	s10 =	sld [smem:$0x3FB2];
	_ =	sdelay $0x3  }
0x37: {  	[smem:$0x3FB2] =	sst s10  }
0x38: {  	s10 =	sld [smem:$0x3FB3]  }
0x39: {  	_ = 	snop;
	(pc) =	sbr.ind lr, $3  }
0x3a: {  	_ = 	snop  }
0x3b: {  	_ = 	snop  }
0x3c: {  	p2 =	seq.s32 s10, $0x1;
	s10 =	sld [smem:$0x3FB2]  }
0x3d: {  	_ =	shalt  }
0x3e: {  	_ =	shalt  }
0x3f: {  	_ =	shalt  }
0x40: {  	_ =	shalt  }
0x41: {  	_ =	shalt  }
0x42: {  	_ =	shalt  }
0x43: {  	_ =	shalt  }
0x44: {  	_ =	shalt  }
0x45: {  	_ =	shalt  }
0x46: {  	_ =	shalt  }
0x47: {  	_ =	shalt  }
0x48: {  	_ =	shalt  }
0x49: {  	_ =	shalt  }
0x4a: {  	_ =	shalt  }
0x4b: {  	_ =	shalt  }
0x4c: {  	_ =	shalt  }
0x4d: {  	_ =	shalt  }
0x4e: {  	_ =	shalt  }
0x4f: {  	_ =	shalt  }
0x50: {  	_ =	shalt  }
0x51: {  	_ =	shalt  }
0x52: {  	_ =	shalt  }
0x53: {  	_ =	shalt  }
0x54: {  	_ =	shalt  }
0x55: {  	_ =	shalt  }
0x56: {  	_ =	shalt  }
0x57: {  	_ =	shalt  }
0x58: {  	_ =	shalt  }
0x59: {  	_ =	shalt  }
0x5a: {  	_ =	shalt  }
0x5b: {  	_ =	shalt  }
0x5c: {  	_ =	shalt  }
0x5d: {  	_ =	shalt  }
0x5e: {  	_ =	shalt  }
0x5f: {  	_ =	shalt  }
0x60: {  	_ =	shalt  }
0x61: {  	_ =	shalt  }
0x62: {  	_ =	shalt  }
0x63: {  	_ =	shalt  }
0x64: {  	_ =	shalt  }
0x65: {  	_ =	shalt  }
0x66: {  	_ =	shalt  }
0x67: {  	_ =	shalt  }
0x68: {  	_ =	shalt  }
0x69: {  	_ =	shalt  }
0x6a: {  	_ =	shalt  }
0x6b: {  	_ =	shalt  }
0x6c: {  	_ =	shalt  }
0x6d: {  	_ =	shalt  }
0x6e: {  	_ =	shalt  }
0x6f: {  	_ =	shalt  }
0x70: {  	_ =	shalt  }
0x71: {  	_ =	shalt  }
0x72: {  	_ =	shalt  }
0x73: {  	_ =	shalt  }
0x74: {  	_ =	shalt  }
0x75: {  	_ =	shalt  }
0x76: {  	_ =	shalt  }
0x77: {  	_ =	shalt  }
0x78: {  	_ =	shalt  }
0x79: {  	_ =	shalt  }
0x7a: {  	_ =	shalt  }
0x7b: {  	_ =	shalt  }
0x7c: {  	_ =	shalt  }
0x7d: {  	_ =	shalt  }
0x7e: {  	_ =	shalt  }
0x7f: {  	_ =	shalt  }
0x80: {  	_ =	shalt  }
0x81: {  	_ =	shalt  }
0x82: {  	_ =	shalt  }
0x83: {  	_ =	shalt  }
0x84: {  	_ =	shalt  }
0x85: {  	_ =	shalt  }
0x86: {  	_ =	shalt  }
0x87: {  	_ =	shalt  }
.Lfunc_end0:
.L_simem_size_0:
called_computation.1_lowered:
.L_overlay_start_0:
0x88: {  	s2 =	sld [smem:$0x3FD9]  }
0x89: {  	s3 =	sld [smem:$0x3FFE];
	_ =	sdelay $0x1  }
0x8a: {  	s1 =	srdreg.scid  }
0x8b: {  	s0 =	sand.u32 $0x1, s1  }
0x8c: {  	s17 =	sshll.u32 s0, $0xA;
	s2 =	sadd.s32 s3, s2  }
0x8d: {  	s2 =	sadd.s32 s2, s17  }
0x8e: {  	[smem:$0x3FBE] =	sst s2  }
0x8f: {  	_ = 	snop  }
0x90: {  	s2 =	sld [smem:$0x3FD0];
	(tm) =	ssettm $0x1  }
0x91: {  	s18 =	sld [smem:$0x3FFB];
	_ =	sdelay $0x3  }
0x92: {  	_ =	strace s18  }
0x93: {  	s3 =	sld [smem:$0x3FFC];
	_ =	sdelay $0x3  }
0x94: {  	_ =	strace s3  }
0x95: {  	s3 =	sld [smem:$0x3FFD];
	_ =	sdelay $0x3  }
0x96: {  	_ =	strace s3  }
0x97: {  	_ =	strace $0x8FFFFFFF  }
0x98: {  	s19 =	sld [smem:$0x3FDB];
	_ =	sdelay $0x1  }
0x99: {  	s4 =	simm.s32 $_scs_section_size  }
0x9a: {  	s5 =	simm.s32 $_size__tile_overlayer_lowered;
	s6 =	simm.s32 $_tile_overlayer_lowered  }
0x9b: {  	s22 =	simm.s32 $0x1BFF;
	s21 =	sshll.u32 s6, $0x1;
	s3 =	sadd.s32 s4, s19  }
0x9c: {  	s7 =	simm.s32 $0x0;
	s20 =	sshll.u32 s5, $0x1;
	s5 =	sadd.s32 s21, s3  }
0x9d: {  	[timem:s7], [sflag:s22] =	dma.local [hbm:s5], s20  }
0x9e: {  	_ =	swait.ge [sflag:s22], s20  }
0x9f: {  	s4 =	ssub.s32 $0x0, s20;
	[sflag:s22] =	ssyncset.done $0x0  }
0xa0: {  	[sflag:s22] =	ssyncadd.s32 s4;
	_ =	sdelay $0x1  }
0xa1: {  	s23 =	simm.s32 $0x1B8B  }
0xa2: {  	_ =	swait.ge [sflag:s23], $0x1  }
0xa3: {  	[sflag:s23] =	ssyncset.done $0x0  }
0xa4: {  	s25 =	simm.s32 $0x1B8E;
	s24 =	sld [smem:$0x3FFE];
	[sflag:s23] =	ssyncadd.s32 $0xFFFFFFFF  }
0xa5: {  	s26 =	simm.s32 $execute0_lowered;
	[smem:$0x3FD2] =	sst s25  }
0xa6: {  	s5 =	sshll.u32 s26, $0x1;
	_ =	strace $0x80000049;
	[dreg:$0x1] =	wrdreg $0xFFFFFFFF  }
0xa7: {  	s28 =	simm.s32 $_size_execute0_lowered;
	s3 =	sadd.s32 s3, s5;
	[dreg:$0x0] =	wrdreg $0x0  }
0xa8: {  	s5 =	sshll.u32 s28, $0x1;
	[dreg:$0x2] =	wrdreg s3  }
0xa9: {  	[dreg:$0x3] =	wrdreg s5  }
0xaa: {  	[dreg:$0x4] =	wrdreg $0xC0  }
0xab: {  	_ =	task [dreg:s7], $0x5FFFF  }
0xac: {  	[dreg:$0x1] =	wrdreg $0xFFFFFFFF  }
0xad: {  	[dreg:$0x0] =	wrdreg $0x60  }
0xae: {  	[dreg:$0x2] =	wrdreg s24  }
0xaf: {  	[dreg:$0x3] =	wrdreg s2  }
0xb0: {  	[dreg:$0x4] =	wrdreg $0xC4000  }
0xb1: {  	[dreg:$0x5] =	wrdreg $0x9  }
0xb2: {  	_ =	task.clear_ibuf [dreg:s7], $0x6FFFF;
	_ =	strace $0x90000049  }
0xb3: {  	s29 =	simm.s32 $0x9;
	_ =	strace $0x8000004B  }
0xb4: {  	_ =	swait.ge [sflag:s29], $0x1  }
0xb5: {  	[sflag:s29] =	ssyncadd.s32 $0xFFFFFFFF  }
0xb6: {  	_ =	strace $0x9000004B  }
0xb7: {  	_ =	sfence  }
0xb8: {  	s30 =	sld [smem:$0x0];
	_ =	sdelay $0x2  }
0xb9: {  	s31 =	sshll.u32 s1, $0xD;
	s1 =	sshrl.u32 s1, $0x2  }
0xba: {  	s3 =	sand.u32 $0x4000, s31;
	s1 =	sadd.s32 s1, s30  }
0xbb: {  	s0 =	sor.u32 s3, s0;
	s1 =	sshll.u32 s1, $0x11  }
0xbc: {  	s0 =	sor.u32 s1, s0  }
0xbd: {  	s0 =	sadd.s32 $0x8F2B, s0  }
0xbe: {  	[sflag:s0] =	ssyncadd.remote.s32 $0x1  }
0xbf: {  	_ =	sfence.sel $0xFFFF  }
0xc0: {  	[dreg:$0x0] =	wrdreg $0xFFFFFFFF;
	(pc) =	sbr.abs _section_cstart, $3  }
0xc1: {  	[dreg:$0x1] =	wrdreg $0xFFFFFFFF  }
0xc2: {  	_ =	task.clear_ibuf [dreg:s7], $0x2FFFF;
	_ =	strace $0x9FFFFFFF  }
0xc3: {  	(tm) =	ssettm $0x7FFFFFFF  }
tec
execute0_lowered:
.L_overlay_start_1:
0x0: {  	(tag) =	ssettag $0x1  }
0x1: {  	s0 =	rddreg [dreg:$0x0]  }
0x2: {  	s1 =	rddreg [dreg:$0x1]  }
0x3: {  	s3 =	rddreg [dreg:$0x2];
	s4 =	simm.s32 $0x0;
	s18 =	stileid.u32  }
0x4: {  	s5 =	srdreg.scid;
	s29 =	simm.s32 $0x3;
	s30 =	simm.s32 $0x60  }
0x5: {  	s31 =	simm.s32 $0x400;
	s28 =	simm.s32 $0x1;
	[smem:$0x7FF] =	sst s4  }
0x6: {  	s7 =	smul.u32 $0x2700, s18;
	s8 =	sand.u32 $0x1, s5;
	s5 =	sadd.s32 $0x35000, s0  }
0x7: {  	s6 =	sadd.s32 $0x3C00, s0;
	s2 =	sadd.s32 $0x5C200, s0;
	s25 =	smul.u32 $0x4E000, s18  }
0x8: {  	p0 =	seq.s32 s18, $0xF;
	p2 =	sne.s32 s18, $0xF;
	s26 =	sadd.s32 $0x124800, s3  }
0x9: {  	s24 =	smul.u32 $0x2880, s18;
	_ =	strace $0x8000004A;
	s9 =	sshll.u32 s8, $0x4  }
0xa: {  	s11 =	ssub.s32 $0x2, s8;
	[dreg:$0xc] =	wrdreg s26;
	p3 =	seq.s32 s8, $0x0  }
0xb: {  	s22 =	smul.u32 $0x28800, s8;
	[dreg:$0xa] =	wrdreg s2;
	p4 =	seq.s32 s8, $0x1  }
0xc: {  	s10 =	sadd.s32 s7, s0;
	s9 =	sor.u32 s18, s9;
	s12 =	sshrl.u32 s11, $0x1  }
0xd: {  	s15 =	sshrl.u32 s25, $0x2;
	p1 =	por !p3, !p2;
	s25 =	sadd.s32 s2, s7  }
0xe: {  	p3 =	por !p3, !p0;
	s2 =	simm.s32 @!p4 $0x0;
	p2 =	por !p2, !p4  }
0xf: {  	s13 =	smul.u32 $0x2880, s9;
	s9 =	sadd.s32 $0x83400, s0;
	s14 =	ssub.s32 s11, s12  }
0x10: {  	s0 =	sadd.s32 $0x32700, s0;
	s11 =	sadd.s32 s15, s3;
	[dreg:$0x15] =	wrdreg s25  }
0x11: {  	s10 =	sadd.s32 $0xDE00, s10;
	p1 =	por !p1, !p1;
	[dreg:$0xd] =	wrdreg s0  }
0x12: {  	s26 =	sadd.s32 s24, s22;
	s2 =	simm.s32 @p4 $0x1;
	[dreg:$0xf] =	wrdreg s10  }
0x13: {  	p3 =	por !p3, !p3;
	p2 =	por !p2, !p2;
	[smem:$0x7FD] =	sst s2  }
0x14: {  	s12 =	sadd.s32 $0x1E0, s26;
	[dreg:$0xb] =	wrdreg s9;
	s13 =	sshrl.u32 s13, $0x3  }
0x15: {  	s10 =	sadd.s32 $0x2A0, s26;
	s22 =	sadd.s32 $0x120, s26;
	s16 =	sadd.s32 s1, s13  }
0x16: {  	s15 =	sshrl.u32 s12, $0x3;
	s23 =	sadd.s32 s6, s13;
	[dreg:$0xe] =	wrdreg s16  }
0x17: {  	s17 =	sor.u32 $0xC, s13;
	s13 =	sadd.s32 s9, s7;
	[dreg:$0x13] =	wrdreg s23  }
0x18: {  	p4 =	por !p2, p3;
	s8 =	sadd.s32 s15, s6;
	[dreg:$0x16] =	wrdreg s13  }
0x19: {  	s7 =	sadd.s32 s15, s1;
	s15 =	simm.s32 $0x0;
	[dreg:$0x4] =	wrdreg s8  }
0x1a: {  	s19 =	sadd.s32 s1, s17;
	s20 =	sadd.s32 $0x18, s16;
	[dreg:$0x5] =	wrdreg s7  }
0x1b: {  	s21 =	sadd.s32 $0x24, s16;
	s0 =	sadd.s32 s6, s17;
	[dreg:$0x10] =	wrdreg s19  }
0x1c: {  	s16 =	smax.u32 s14, $0x1;
	s17 =	sshrl.u32 s10, $0x3;
	[dreg:$0x11] =	wrdreg s20  }
0x1d: {  	s8 =	sshrl.u32 s22, $0x3;
	s23 =	sadd.s32 $0xC0, s26;
	[dreg:$0x12] =	wrdreg s21  }
0x1e: {  	s22 =	sadd.s32 $0x180, s26;
	s10 =	simm.s32 $0x9400;
	[dreg:$0x14] =	wrdreg s0  }
0x1f: {  	s13 =	simm.s32 $0x380;
	s14 =	simm.s32 $0x2;
	[dreg:$0x17] =	wrdreg s16  }
0x20: {  	s19 =	sadd.s32 s17, s1;
	s20 =	sadd.s32 $0x240, s26;
	s24 =	sadd.s32 s8, s6  }
.Ltmp0:
0x21: {  	s25 =	sshrl.u32 s23, $0x3;
	s8 =	simm.s32 $0x300;
	(pc) =	sbr.rel .LBB2_1-.Ltmp0, $4  }
0x22: {  	s0 =	simm.s32 $0x4;
	[dreg:$0x6] =	wrdreg s19;
	s21 =	sshrl.u32 s20, $0x3  }
0x23: {  	[dreg:$0x8] =	wrdreg s24;
	s26 =	sadd.s32 s25, s6;
	s24 =	simm.s32 $0x100  }
0x24: {  	s25 =	simm.s32 $0x180;
	s7 =	sadd.s32 s21, s1;
	[dreg:$0x9] =	wrdreg s26  }
0x25: {  	s26 =	simm.s32 $0x200;
	[dreg:$0x7] =	wrdreg s7;
	s7 =	simm.s32 $0x6400  }
.LBB2_5:
0x26: {  	s15 =	sadd.s32 $0x1, s15;
	s2 =	rddreg [dreg:$0x17]  }
0x27: {  	p2 =	sne.s32 s15, s2  }
.Ltmp1:
0x28: {  	_ = 	snop;
	(pc) =	sbr.rel @!p2 .LBB2_6-.Ltmp1, $1  }
0x29: {  	_ =	sdelay $0x3  }
.LBB2_1:
0x2a: {  	s2 =	rddreg [dreg:$0xc]  }
0x2b: {  	s17 =	simm.s32 @p0 $0x1FC2;
	s16 =	sshrl.u32 @p0 s2, $0x3;
	s2 =	rddreg [dreg:$0xd]  }
0x2c: {  	[spmem:s16], [sflag:s17] =	dma.local @p0 [hbm:s2], $0x2800  }
0x2d: {  	s16 =	sshll.u32 @!p0 s18, $0x6  }
0x2e: {  	s17 =	sshrl.u32 @!p0 s11, $0x3;
	s16 =	sor.u32 @!p0 $0x1C02, s16;
	s2 =	rddreg [dreg:$0xf]  }
0x2f: {  	[spmem:s17], [sflag:s16] =	dma.local @!p0 [hbm:s2], $0x2700  }
0x30: {  	s2 =	rddreg [dreg:$0xe]  }
0x31: {  	[tilespmem:s4], [sflag:$0x3] =	stream.linear.gather [hbm4b:s2+s4], $0x60, $0x38;
	[tilespmem:$0x1FCC0] =	vst v63  }
0x32: {  	s9 =	simm.s32 $0x80;
	s12 =	rddreg [dreg:$0x10]  }
0x33: {  	[tilespmem:s9], [sflag:$0x3] =	stream.linear.gather [hbm4b:s12+s4], $0x60, $0x38;
	[tilespmem:$0x1FCC0] =	vst v63  }
0x34: {  	s16 =	rddreg [dreg:$0x11]  }
0x35: {  	[tilespmem:s24], [sflag:$0x3] =	stream.linear.gather [hbm4b:s16+s4], $0x60, $0x38;
	[tilespmem:$0x1FCC0] =	vst v63  }
0x36: {  	s17 =	rddreg [dreg:$0x12]  }
0x37: {  	[tilespmem:s25], [sflag:$0x3] =	stream.linear.gather [hbm4b:s17+s4], $0x60, $0x38;
	[tilespmem:$0x1FCC0] =	vst v63  }
0x38: {  	s18 =	rddreg [dreg:$0x13]  }
0x39: {  	[tilespmem:s26], [sflag:$0x4] =	stream.linear.gather [hbm4b:s18+s4], $0x60, $0x38;
	[tilespmem:$0x1FCC0] =	vst v63  }
0x3a: {  	s19 =	rddreg [dreg:$0x14];
	s12 =	simm.s32 $0x280  }
0x3b: {  	[tilespmem:s12], [sflag:$0x4] =	stream.linear.gather [hbm4b:s19+s4], $0x60, $0x38;
	[tilespmem:$0x1FCC0] =	vst v63  }
0x3c: {  	_ =	swait.ge [sflag:s29], $0x60  }
0x3d: {  	[sflag:s29] =	ssyncset.done $0x0  }
0x3e: {  	[sflag:s29] =	ssyncadd.s32 $0xFFFFFFA0  }
0x3f: {  	[tilespmem:s31], [sflag:$0x1] =	stream.indirect.gather [hbm4b:s5+s30], $0x80, s4, s30, $0xb8;
	[tilespmem:$0x1FCC0] =	vst v63  }
0x40: {  	_ =	swait.ge [sflag:s29], $0x60  }
0x41: {  	[sflag:s29] =	ssyncset.done $0x0  }
0x42: {  	s20 =	simm.s32 $0x3400;
	s16 =	simm.s32 @p0 $0x2;
	[sflag:s29] =	ssyncadd.s32 $0xFFFFFFA0  }
0x43: {  	[tilespmem:s20], [sflag:$0x1] =	stream.indirect.gather [hbm4b:s5+s30], $0x80, s9, s30, $0xb8;
	[tilespmem:$0x1FCC0] =	vst v63  }
0x44: {  	_ =	swait.ge @p0 [sflag:s16], $0x2800  }
0x45: {  	[sflag:s16] =	ssyncset.done @p0 $0x0  }
0x46: {  	[sflag:s16] =	ssyncadd.s32 @p0 $0xFFFFD800;
	s16 =	simm.s32 @!p0 $0x2  }
0x47: {  	_ =	swait.ge @!p0 [sflag:s16], $0x2700  }
0x48: {  	[sflag:s16] =	ssyncset.done @!p0 $0x0  }
0x49: {  	p5 =	por $0x1, $0x1;
	[sflag:s16] =	ssyncadd.s32 @!p0 $0xFFFFD900  }
0x4a: {  	s17 =	simm.s32 @!p5 $0x2;
	[bflag:$0x0] =	sbarrier.arrive $0xFFFF  }
0x4b: {  	_ =	swait.ge @!p5 [sflag:s17], $0x3000  }
0x4c: {  	[sflag:s17] =	ssyncset.done @!p5 $0x0  }
0x4d: {  	[sflag:s17] =	ssyncadd.s32 @!p5 $0xFFFFD000  }
0x4e: {  	_ =	swait.ge [sflag:s29], $0x60  }
0x4f: {  	[sflag:s29] =	ssyncset.done $0x0  }
0x50: {  	s21 =	rddreg [dreg:$0x9];
	[sflag:s29] =	ssyncadd.s32 $0xFFFFFFA0  }
0x51: {  	[tilespmem:s7], [sflag:$0x1] =	stream.indirect.gather [hbm4b:s5+s30], $0x80, s24, s30, $0xb8;
	[tilespmem:$0x1FCC0] =	vst v63  }
0x52: {  	s16 =	sadd.s32 $0x0, s21  }
0x53: {  	[tilespmem:s8], [sflag:$0x4] =	stream.linear.gather [hbm4b:s16+s4], $0x60, $0x38;
	[tilespmem:$0x1FCC0] =	vst v63  }
0x54: {  	p2 =	por $0x0, $0x0;
	_ =	swait.ge [sflag:s28], $0x3000  }
0x55: {  	s18 =	sshrl.u32 @!p2 s22, $0x3;
	[sflag:s28] =	ssyncset.done $0x0  }
0x56: {  	s19 =	sadd.s32 @!p2 s1, s18;
	s16 =	simm.s32 @!p2 $0x0;
	[sflag:s28] =	ssyncadd.s32 $0xFFFFD000  }
0x57: {  	[tilespmem:s16], [sflag:$0x3] =	stream.linear.gather @!p2 [hbm4b:s19+s16], $0x60, $0x38;
	[tilespmem:$0x1FCC0] =	vst v63  }
0x58: {  	_ =	swait.ge [sflag:s0], $0x60  }
0x59: {  	[sflag:s0] =	ssyncset.done $0x0  }
0x5a: {  	[sflag:s0] =	ssyncadd.s32 $0xFFFFFFA0  }
0x5b: {  	[spmem:s3] =	stream.indirect.scatter.add.f32 [tilespmem:s31], [sflag:$0x2], $0x80, s26, s30, $0xb8;
	[tilespmem:$0x1FCC0] =	vst v63  }
0x5c: {  	_ =	swait.ge @!p5 [sflag:s17], $0x3000  }
0x5d: {  	[sflag:s17] =	ssyncset.done @!p5 $0x0  }
0x5e: {  	[sflag:s17] =	ssyncadd.s32 @!p5 $0xFFFFD000  }
0x5f: {  	_ =	swait.ge [sflag:s29], $0x60  }
0x60: {  	[sflag:s29] =	ssyncset.done $0x0  }
0x61: {  	s23 =	rddreg [dreg:$0x8];
	[sflag:s29] =	ssyncadd.s32 $0xFFFFFFA0  }
0x62: {  	[tilespmem:s10], [sflag:$0x1] =	stream.indirect.gather [hbm4b:s5+s30], $0x80, s25, s30, $0xb8;
	[tilespmem:$0x1FCC0] =	vst v63  }
0x63: {  	s17 =	sadd.s32 $0x0, s23  }
0x64: {  	[tilespmem:s13], [sflag:$0x4] =	stream.linear.gather [hbm4b:s17+s4], $0x60, $0x38;
	[tilespmem:$0x1FCC0] =	vst v63  }
0x65: {  	_ =	swait.ge [sflag:s28], $0x3000  }
0x66: {  	[sflag:s28] =	ssyncset.done $0x0  }
0x67: {  	s17 =	simm.s32 @p2 $0x4;
	[sflag:s28] =	ssyncadd.s32 $0xFFFFD000  }
0x68: {  	_ =	swait.ge @p2 [sflag:s17], $0x60  }
0x69: {  	s20 =	simm.s32 @p2 $0x280;
	[sflag:s17] =	ssyncset.done @p2 $0x0  }
0x6a: {  	s19 =	simm.s32 @p2 $0x3400;
	[sflag:s17] =	ssyncadd.s32 @p2 $0xFFFFFFA0;
	s17 =	simm.s32 @p2 $0x60  }
0x6b: {  	[spmem:s3] =	stream.indirect.scatter.add.f32 @p2 [tilespmem:s19], [sflag:$0x2], $0x80, s20, s17, $0xb8;
	[tilespmem:$0x1FCC0] =	vst v63  }
0x6c: {  	s17 =	simm.s32 @p2 $0x2  }
0x6d: {  	_ =	swait.ge @p2 [sflag:s17], $0x3000  }
0x6e: {  	[sflag:s17] =	ssyncset.done @p2 $0x0  }
0x6f: {  	[sflag:s17] =	ssyncadd.s32 @p2 $0xFFFFD000;
	s17 =	simm.s32 @p2 $0x1  }
0x70: {  	_ =	swait.ge @p2 [sflag:s17], $0x3000  }
0x71: {  	s20 =	simm.s32 @!p2 $0x4;
	s19 =	rddreg [dreg:$0x5];
	[sflag:s17] =	ssyncset.done @p2 $0x0  }
0x72: {  	[sflag:s17] =	ssyncadd.s32 @p2 $0xFFFFD000;
	s17 =	sadd.s32 @!p2 $0x0, s19;
	s19 =	simm.s32 @!p2 $0x80  }
0x73: {  	[tilespmem:s19], [sflag:$0x3] =	stream.linear.gather @!p2 [hbm4b:s17+s16], $0x60, $0x38;
	[tilespmem:$0x1FCC0] =	vst v63  }
0x74: {  	_ =	swait.ge @!p2 [sflag:s20], $0x60  }
0x75: {  	s17 =	simm.s32 @!p2 $0x3400;
	[sflag:s20] =	ssyncset.done @!p2 $0x0  }
0x76: {  	s19 =	simm.s32 @!p2 $0x60;
	[sflag:s20] =	ssyncadd.s32 @!p2 $0xFFFFFFA0;
	s20 =	simm.s32 @!p2 $0x280  }
0x77: {  	[spmem:s3] =	stream.indirect.scatter.add.f32 @!p2 [tilespmem:s17], [sflag:$0x2], $0x80, s20, s19, $0xb8;
	[tilespmem:$0x1FCC0] =	vst v63  }
0x78: {  	s17 =	simm.s32 @!p2 $0x2  }
0x79: {  	_ =	swait.ge @!p2 [sflag:s17], $0x3000  }
0x7a: {  	[sflag:s17] =	ssyncset.done @!p2 $0x0  }
0x7b: {  	[sflag:s17] =	ssyncadd.s32 @!p2 $0xFFFFD000;
	s17 =	simm.s32 @!p2 $0x3  }
0x7c: {  	_ =	swait.ge @!p2 [sflag:s17], $0x60  }
0x7d: {  	[sflag:s17] =	ssyncset.done @!p2 $0x0  }
0x7e: {  	[sflag:s17] =	ssyncadd.s32 @!p2 $0xFFFFFFA0;
	s17 =	simm.s32 @!p2 $0x400  }
0x7f: {  	[tilespmem:s17], [sflag:$0x1] =	stream.indirect.gather @!p2 [hbm4b:s5+s19], $0x80, s16, s19, $0xb8;
	[tilespmem:$0x1FCC0] =	vst v63  }
0x80: {  	s17 =	sadd.s32 @!p2 s6, s18;
	s18 =	simm.s32 @!p2 $0x200;
	s19 =	simm.s32 @!p2 $0x1  }
0x81: {  	[tilespmem:s18], [sflag:$0x4] =	stream.linear.gather @!p2 [hbm4b:s17+s16], $0x60, $0x38;
	[tilespmem:$0x1FCC0] =	vst v63  }
0x82: {  	_ =	swait.ge @!p2 [sflag:s19], $0x3000  }
0x83: {  	s17 =	rddreg [dreg:$0x7];
	[sflag:s19] =	ssyncset.done @!p2 $0x0  }
0x84: {  	s18 =	simm.s32 @!p2 $0x100;
	[sflag:s19] =	ssyncadd.s32 @!p2 $0xFFFFD000;
	s17 =	sadd.s32 @!p2 $0x0, s17  }
0x85: {  	[tilespmem:s18], [sflag:$0x3] =	stream.linear.gather @!p2 [hbm4b:s17+s16], $0x60, $0x38;
	[tilespmem:$0x1FCC0] =	vst v63  }
0x86: {  	_ =	swait.ge [sflag:s0], $0x60  }
0x87: {  	[sflag:s0] =	ssyncset.done $0x0  }
0x88: {  	[sflag:s0] =	ssyncadd.s32 $0xFFFFFFA0  }
0x89: {  	[spmem:s3] =	stream.indirect.scatter.add.f32 [tilespmem:s7], [sflag:$0x2], $0x80, s8, s30, $0xb8;
	[tilespmem:$0x1FCC0] =	vst v63  }
0x8a: {  	_ =	swait.ge [sflag:s14], $0x3000  }
0x8b: {  	p2 =	por $0x1, $0x1;
	[sflag:s14] =	ssyncset.done $0x0  }
0x8c: {  	s16 =	simm.s32 @p2 $0x3;
	[sflag:s14] =	ssyncadd.s32 $0xFFFFD000  }
0x8d: {  	_ =	swait.ge @p2 [sflag:s16], $0x60  }
0x8e: {  	s17 =	simm.s32 @p2 $0x3400;
	s19 =	simm.s32 @p2 $0x80;
	[sflag:s16] =	ssyncset.done @p2 $0x0  }
0x8f: {  	s18 =	rddreg [dreg:$0x4];
	[sflag:s16] =	ssyncadd.s32 @p2 $0xFFFFFFA0;
	s16 =	simm.s32 @p2 $0x60  }
0x90: {  	[tilespmem:s17], [sflag:$0x1] =	stream.indirect.gather @p2 [hbm4b:s5+s16], $0x80, s19, s16, $0xb8;
	[tilespmem:$0x1FCC0] =	vst v63  }
0x91: {  	s16 =	sadd.s32 @p2 $0x0, s18;
	s17 =	simm.s32 @p2 $0x0;
	s18 =	simm.s32 @p2 $0x280  }
0x92: {  	[tilespmem:s18], [sflag:$0x4] =	stream.linear.gather @p2 [hbm4b:s16+s17], $0x60, $0x38;
	[tilespmem:$0x1FCC0] =	vst v63  }
0x93: {  	s16 =	simm.s32 @p2 $0x1  }
0x94: {  	_ =	swait.ge @p2 [sflag:s16], $0x3000  }
0x95: {  	s18 =	rddreg [dreg:$0x6];
	[sflag:s16] =	ssyncset.done @p2 $0x0  }
0x96: {  	[sflag:s16] =	ssyncadd.s32 @p2 $0xFFFFD000;
	s16 =	sadd.s32 @p2 $0x0, s18;
	s18 =	simm.s32 @p2 $0x180  }
0x97: {  	[tilespmem:s18], [sflag:$0x3] =	stream.linear.gather @p2 [hbm4b:s16+s17], $0x60, $0x38;
	[tilespmem:$0x1FCC0] =	vst v63  }
0x98: {  	s16 =	simm.s32 @!p2 $0x1  }
0x99: {  	_ =	swait.ge @!p2 [sflag:s16], $0x3000  }
0x9a: {  	[sflag:s16] =	ssyncset.done @!p2 $0x0  }
0x9b: {  	[sflag:s16] =	ssyncadd.s32 @!p2 $0xFFFFD000  }
0x9c: {  	s18 =	simm.s32 $0x60;
	s17 =	sadd.s32 $0x180, s22;
	_ =	swait.ge [sflag:s0], $0x60  }
0x9d: {  	s16 =	simm.s32 $0x30;
	p2 =	por $0x0, $0x0;
	[sflag:s0] =	ssyncset.done $0x0  }
.LBB2_2:
0x9e: {  	s23 =	simm.s32 @!p2 $0x2;
	[sflag:s0] =	ssyncadd.s32 $0xFFFFFFA0  }
0x9f: {  	[spmem:s3] =	stream.indirect.scatter.add.f32 [tilespmem:s10], [sflag:$0x2], $0x80, s13, s30, $0xb8;
	[tilespmem:$0x1FCC0] =	vst v63  }
0xa0: {  	_ =	swait.ge @!p2 [sflag:s23], $0x3000  }
0xa1: {  	[sflag:s23] =	ssyncset.done @!p2 $0x0  }
0xa2: {  	[sflag:s23] =	ssyncadd.s32 @!p2 $0xFFFFD000  }
0xa3: {  	_ =	swait.ge [sflag:s29], $0x60  }
0xa4: {  	[sflag:s29] =	ssyncset.done $0x0  }
0xa5: {  	s20 =	rddreg [dreg:$0x9];
	[sflag:s29] =	ssyncadd.s32 $0xFFFFFFA0  }
0xa6: {  	[tilespmem:s7], [sflag:$0x1] =	stream.indirect.gather [hbm4b:s5+s30], $0x80, s24, s30, $0xb8;
	[tilespmem:$0x1FCC0] =	vst v63  }
0xa7: {  	s20 =	sadd.s32 s16, s20  }
0xa8: {  	[tilespmem:s8], [sflag:$0x4] =	stream.linear.gather [hbm4b:s20+s4], $0x60, $0x38;
	[tilespmem:$0x1FCC0] =	vst v63  }
0xa9: {  	p6 =	seq.s32 s16, $0x4E0;
	_ =	swait.ge [sflag:s28], $0x3000  }
0xaa: {  	s21 =	sshrl.u32 @!p6 s17, $0x3;
	[sflag:s28] =	ssyncset.done $0x0  }
0xab: {  	s12 =	sadd.s32 @!p6 s1, s21;
	s20 =	simm.s32 @!p6 $0x0;
	[sflag:s28] =	ssyncadd.s32 $0xFFFFD000  }
0xac: {  	[tilespmem:s20], [sflag:$0x3] =	stream.linear.gather @!p6 [hbm4b:s12+s20], $0x60, $0x38;
	[tilespmem:$0x1FCC0] =	vst v63  }
0xad: {  	_ =	swait.ge [sflag:s0], $0x60  }
0xae: {  	[sflag:s0] =	ssyncset.done $0x0  }
0xaf: {  	[sflag:s0] =	ssyncadd.s32 $0xFFFFFFA0  }
0xb0: {  	[spmem:s3] =	stream.indirect.scatter.add.f32 [tilespmem:s31], [sflag:$0x2], $0x80, s26, s30, $0xb8;
	[tilespmem:$0x1FCC0] =	vst v63  }
0xb1: {  	_ =	swait.ge @!p2 [sflag:s23], $0x3000  }
0xb2: {  	[sflag:s23] =	ssyncset.done @!p2 $0x0  }
0xb3: {  	[sflag:s23] =	ssyncadd.s32 @!p2 $0xFFFFD000  }
0xb4: {  	_ =	swait.ge [sflag:s29], $0x60  }
0xb5: {  	[sflag:s29] =	ssyncset.done $0x0  }
0xb6: {  	s23 =	rddreg [dreg:$0x8];
	[sflag:s29] =	ssyncadd.s32 $0xFFFFFFA0  }
0xb7: {  	[tilespmem:s10], [sflag:$0x1] =	stream.indirect.gather [hbm4b:s5+s30], $0x80, s25, s30, $0xb8;
	[tilespmem:$0x1FCC0] =	vst v63  }
0xb8: {  	s12 =	sadd.s32 s16, s23  }
0xb9: {  	[tilespmem:s13], [sflag:$0x4] =	stream.linear.gather [hbm4b:s12+s4], $0x60, $0x38;
	[tilespmem:$0x1FCC0] =	vst v63  }
0xba: {  	_ =	swait.ge [sflag:s28], $0x3000  }
0xbb: {  	[sflag:s28] =	ssyncset.done $0x0  }
0xbc: {  	s12 =	simm.s32 @p6 $0x4;
	[sflag:s28] =	ssyncadd.s32 $0xFFFFD000  }
0xbd: {  	_ =	swait.ge @p6 [sflag:s12], $0x60  }
0xbe: {  	s9 =	simm.s32 @p6 $0x2;
	s2 =	simm.s32 @p6 $0x280;
	[sflag:s12] =	ssyncset.done @p6 $0x0  }
0xbf: {  	s23 =	simm.s32 @p6 $0x3400;
	[sflag:s12] =	ssyncadd.s32 @p6 $0xFFFFFFA0;
	s12 =	simm.s32 @p6 $0x60  }
0xc0: {  	[spmem:s3] =	stream.indirect.scatter.add.f32 @p6 [tilespmem:s23], [sflag:$0x2], $0x80, s2, s12, $0xb8;
	[tilespmem:$0x1FCC0] =	vst v63  }
0xc1: {  	_ =	swait.ge @p6 [sflag:s9], $0x3000  }
0xc2: {  	[sflag:s9] =	ssyncset.done @p6 $0x0  }
0xc3: {  	s2 =	simm.s32 @p6 $0x1;
	[sflag:s9] =	ssyncadd.s32 @p6 $0xFFFFD000  }
0xc4: {  	_ =	swait.ge @p6 [sflag:s2], $0x3000  }
0xc5: {  	s12 =	simm.s32 @!p6 $0x4;
	s9 =	rddreg [dreg:$0x5];
	[sflag:s2] =	ssyncset.done @p6 $0x0  }
0xc6: {  	[sflag:s2] =	ssyncadd.s32 @p6 $0xFFFFD000;
	s2 =	sadd.s32 @!p6 s16, s9;
	s9 =	simm.s32 @!p6 $0x80  }
0xc7: {  	[tilespmem:s9], [sflag:$0x3] =	stream.linear.gather @!p6 [hbm4b:s2+s20], $0x60, $0x38;
	[tilespmem:$0x1FCC0] =	vst v63  }
0xc8: {  	_ =	swait.ge @!p6 [sflag:s12], $0x60  }
0xc9: {  	s23 =	simm.s32 @!p6 $0x280;
	s2 =	simm.s32 @!p6 $0x3400;
	[sflag:s12] =	ssyncset.done @!p6 $0x0  }
0xca: {  	s9 =	simm.s32 @!p6 $0x2;
	[sflag:s12] =	ssyncadd.s32 @!p6 $0xFFFFFFA0;
	s12 =	simm.s32 @!p6 $0x60  }
0xcb: {  	[spmem:s3] =	stream.indirect.scatter.add.f32 @!p6 [tilespmem:s2], [sflag:$0x2], $0x80, s23, s12, $0xb8;
	[tilespmem:$0x1FCC0] =	vst v63  }
0xcc: {  	_ =	swait.ge @!p6 [sflag:s9], $0x3000  }
0xcd: {  	[sflag:s9] =	ssyncset.done @!p6 $0x0  }
0xce: {  	s2 =	simm.s32 @!p6 $0x3;
	[sflag:s9] =	ssyncadd.s32 @!p6 $0xFFFFD000  }
0xcf: {  	_ =	swait.ge @!p6 [sflag:s2], $0x60  }
0xd0: {  	[sflag:s2] =	ssyncset.done @!p6 $0x0  }
0xd1: {  	[sflag:s2] =	ssyncadd.s32 @!p6 $0xFFFFFFA0;
	s2 =	simm.s32 @!p6 $0x400  }
0xd2: {  	[tilespmem:s2], [sflag:$0x1] =	stream.indirect.gather @!p6 [hbm4b:s5+s12], $0x80, s20, s12, $0xb8;
	[tilespmem:$0x1FCC0] =	vst v63  }
0xd3: {  	s21 =	sadd.s32 @!p6 s6, s21;
	s9 =	simm.s32 @!p6 $0x1;
	s2 =	simm.s32 @!p6 $0x200  }
0xd4: {  	[tilespmem:s2], [sflag:$0x4] =	stream.linear.gather @!p6 [hbm4b:s21+s20], $0x60, $0x38;
	[tilespmem:$0x1FCC0] =	vst v63  }
0xd5: {  	_ =	swait.ge @!p6 [sflag:s9], $0x3000  }
0xd6: {  	s2 =	rddreg [dreg:$0x7];
	[sflag:s9] =	ssyncset.done @!p6 $0x0  }
0xd7: {  	[sflag:s9] =	ssyncadd.s32 @!p6 $0xFFFFD000;
	s2 =	sadd.s32 @!p6 s16, s2;
	s9 =	simm.s32 @!p6 $0x100  }
0xd8: {  	[tilespmem:s9], [sflag:$0x3] =	stream.linear.gather @!p6 [hbm4b:s2+s20], $0x60, $0x38;
	[tilespmem:$0x1FCC0] =	vst v63  }
0xd9: {  	_ =	swait.ge [sflag:s0], $0x60  }
0xda: {  	[sflag:s0] =	ssyncset.done $0x0  }
0xdb: {  	[sflag:s0] =	ssyncadd.s32 $0xFFFFFFA0  }
0xdc: {  	[spmem:s3] =	stream.indirect.scatter.add.f32 [tilespmem:s7], [sflag:$0x2], $0x80, s8, s30, $0xb8;
	[tilespmem:$0x1FCC0] =	vst v63  }
0xdd: {  	_ =	swait.ge [sflag:s14], $0x3000  }
0xde: {  	p2 =	sne.s32 s16, $0x4E0;
	[sflag:s14] =	ssyncset.done $0x0  }
0xdf: {  	s19 =	smov.u32 s18;
	s2 =	simm.s32 @p2 $0x3;
	[sflag:s14] =	ssyncadd.s32 $0xFFFFD000  }
0xe0: {  	s18 =	sadd.s32 $0x30, s18;
	s12 =	simm.s32 @p2 $0x3400;
	_ =	swait.ge @p2 [sflag:s2], $0x60  }
0xe1: {  	s21 =	simm.s32 @p2 $0x80;
	s9 =	simm.s32 @p2 $0x1;
	[sflag:s2] =	ssyncset.done @p2 $0x0  }
0xe2: {  	s20 =	rddreg [dreg:$0x4];
	[sflag:s2] =	ssyncadd.s32 @p2 $0xFFFFFFA0;
	s2 =	simm.s32 @p2 $0x60  }
0xe3: {  	[tilespmem:s12], [sflag:$0x1] =	stream.indirect.gather @p2 [hbm4b:s5+s2], $0x80, s21, s2, $0xb8;
	[tilespmem:$0x1FCC0] =	vst v63  }
0xe4: {  	s2 =	sadd.s32 @p2 s16, s20;
	s12 =	simm.s32 @p2 $0x0;
	s20 =	simm.s32 @p2 $0x280  }
0xe5: {  	[tilespmem:s20], [sflag:$0x4] =	stream.linear.gather @p2 [hbm4b:s2+s12], $0x60, $0x38;
	[tilespmem:$0x1FCC0] =	vst v63  }
0xe6: {  	p5 =	sne.s32 s18, $0x510;
	_ =	swait.ge @p2 [sflag:s9], $0x3000  }
0xe7: {  	s20 =	simm.s32 @!p2 $0x1;
	s2 =	rddreg [dreg:$0x6];
	[sflag:s9] =	ssyncset.done @p2 $0x0  }
0xe8: {  	[sflag:s9] =	ssyncadd.s32 @p2 $0xFFFFD000;
	s2 =	sadd.s32 @p2 s16, s2;
	s9 =	simm.s32 @p2 $0x180  }
0xe9: {  	[tilespmem:s9], [sflag:$0x3] =	stream.linear.gather @p2 [hbm4b:s2+s12], $0x60, $0x38;
	[tilespmem:$0x1FCC0] =	vst v63  }
.Ltmp2:
0xea: {  	_ =	swait.ge @!p2 [sflag:s20], $0x3000;
	(pc) =	sbr.rel @p5 .LBB2_2-.Ltmp2, $4  }
0xeb: {  	[sflag:s20] =	ssyncset.done @!p2 $0x0  }
0xec: {  	[sflag:s20] =	ssyncadd.s32 @!p2 $0xFFFFD000  }
0xed: {  	s16 =	smov.u32 s19;
	_ =	swait.ge [sflag:s0], $0x60  }
0xee: {  	s17 =	sadd.s32 $0x180, s17;
	p2 =	seq.s32 s16, $0x0;
	[sflag:s0] =	ssyncset.done $0x0  }
0xef: {  	s2 =	simm.s32 @!p2 $0x2;
	[sflag:s0] =	ssyncadd.s32 $0xFFFFFFA0  }
0xf0: {  	[spmem:s3] =	stream.indirect.scatter.add.f32 [tilespmem:s10], [sflag:$0x2], $0x80, s13, s30, $0xb8;
	[tilespmem:$0x1FCC0] =	vst v63  }
0xf1: {  	_ =	swait.ge @!p2 [sflag:s2], $0x3000  }
0xf2: {  	[sflag:s2] =	ssyncset.done @!p2 $0x0  }
0xf3: {  	[sflag:s2] =	ssyncadd.s32 @!p2 $0xFFFFD000  }
0xf4: {  	_ =	swait.ge [sflag:s29], $0x60  }
0xf5: {  	[sflag:s29] =	ssyncset.done $0x0  }
0xf6: {  	s9 =	rddreg [dreg:$0x9];
	[sflag:s29] =	ssyncadd.s32 $0xFFFFFFA0  }
0xf7: {  	[tilespmem:s7], [sflag:$0x1] =	stream.indirect.gather [hbm4b:s5+s30], $0x80, s24, s30, $0xb8;
	[tilespmem:$0x1FCC0] =	vst v63  }
0xf8: {  	s9 =	sadd.s32 s16, s9  }
0xf9: {  	[tilespmem:s8], [sflag:$0x4] =	stream.linear.gather [hbm4b:s9+s4], $0x60, $0x38;
	[tilespmem:$0x1FCC0] =	vst v63  }
0xfa: {  	p5 =	seq.s32 s16, $0x4E0;
	_ =	swait.ge [sflag:s28], $0x3000  }
0xfb: {  	s9 =	sshrl.u32 @!p5 s17, $0x3;
	[sflag:s28] =	ssyncset.done $0x0  }
0xfc: {  	s17 =	simm.s32 @!p5 $0x0;
	s12 =	sadd.s32 @!p5 s1, s9;
	[sflag:s28] =	ssyncadd.s32 $0xFFFFD000  }
0xfd: {  	[tilespmem:s17], [sflag:$0x3] =	stream.linear.gather @!p5 [hbm4b:s12+s17], $0x60, $0x38;
	[tilespmem:$0x1FCC0] =	vst v63  }
0xfe: {  	_ =	swait.ge [sflag:s0], $0x60  }
0xff: {  	[sflag:s0] =	ssyncset.done $0x0  }
0x100: {  	[sflag:s0] =	ssyncadd.s32 $0xFFFFFFA0  }
0x101: {  	[spmem:s3] =	stream.indirect.scatter.add.f32 [tilespmem:s31], [sflag:$0x2], $0x80, s26, s30, $0xb8;
	[tilespmem:$0x1FCC0] =	vst v63  }
0x102: {  	_ =	swait.ge @!p2 [sflag:s2], $0x3000  }
0x103: {  	[sflag:s2] =	ssyncset.done @!p2 $0x0  }
0x104: {  	[sflag:s2] =	ssyncadd.s32 @!p2 $0xFFFFD000  }
0x105: {  	_ =	swait.ge [sflag:s29], $0x60  }
0x106: {  	[sflag:s29] =	ssyncset.done $0x0  }
0x107: {  	s23 =	rddreg [dreg:$0x8];
	[sflag:s29] =	ssyncadd.s32 $0xFFFFFFA0  }
0x108: {  	[tilespmem:s10], [sflag:$0x1] =	stream.indirect.gather [hbm4b:s5+s30], $0x80, s25, s30, $0xb8;
	[tilespmem:$0x1FCC0] =	vst v63  }
0x109: {  	s2 =	sadd.s32 s16, s23  }
0x10a: {  	[tilespmem:s13], [sflag:$0x4] =	stream.linear.gather [hbm4b:s2+s4], $0x60, $0x38;
	[tilespmem:$0x1FCC0] =	vst v63  }
0x10b: {  	_ =	swait.ge [sflag:s28], $0x3000  }
0x10c: {  	[sflag:s28] =	ssyncset.done $0x0  }
0x10d: {  	s2 =	simm.s32 @p5 $0x4;
	[sflag:s28] =	ssyncadd.s32 $0xFFFFD000  }
0x10e: {  	_ =	swait.ge @p5 [sflag:s2], $0x60  }
0x10f: {  	s18 =	simm.s32 @p5 $0x280;
	[sflag:s2] =	ssyncset.done @p5 $0x0  }
0x110: {  	s12 =	simm.s32 @p5 $0x3400;
	[sflag:s2] =	ssyncadd.s32 @p5 $0xFFFFFFA0;
	s2 =	simm.s32 @p5 $0x60  }
0x111: {  	[spmem:s3] =	stream.indirect.scatter.add.f32 @p5 [tilespmem:s12], [sflag:$0x2], $0x80, s18, s2, $0xb8;
	[tilespmem:$0x1FCC0] =	vst v63  }
0x112: {  	s2 =	simm.s32 @p5 $0x2  }
0x113: {  	_ =	swait.ge @p5 [sflag:s2], $0x3000  }
0x114: {  	[sflag:s2] =	ssyncset.done @p5 $0x0  }
0x115: {  	[sflag:s2] =	ssyncadd.s32 @p5 $0xFFFFD000;
	s2 =	simm.s32 @p5 $0x1  }
0x116: {  	_ =	swait.ge @p5 [sflag:s2], $0x3000  }
0x117: {  	s18 =	simm.s32 @!p5 $0x4;
	s12 =	rddreg [dreg:$0x5];
	[sflag:s2] =	ssyncset.done @p5 $0x0  }
0x118: {  	[sflag:s2] =	ssyncadd.s32 @p5 $0xFFFFD000;
	s2 =	sadd.s32 @!p5 s16, s12;
	s12 =	simm.s32 @!p5 $0x80  }
0x119: {  	[tilespmem:s12], [sflag:$0x3] =	stream.linear.gather @!p5 [hbm4b:s2+s17], $0x60, $0x38;
	[tilespmem:$0x1FCC0] =	vst v63  }
0x11a: {  	_ =	swait.ge @!p5 [sflag:s18], $0x60  }
0x11b: {  	s2 =	simm.s32 @!p5 $0x3400;
	[sflag:s18] =	ssyncset.done @!p5 $0x0  }
0x11c: {  	s12 =	simm.s32 @!p5 $0x60;
	[sflag:s18] =	ssyncadd.s32 @!p5 $0xFFFFFFA0;
	s18 =	simm.s32 @!p5 $0x280  }
0x11d: {  	[spmem:s3] =	stream.indirect.scatter.add.f32 @!p5 [tilespmem:s2], [sflag:$0x2], $0x80, s18, s12, $0xb8;
	[tilespmem:$0x1FCC0] =	vst v63  }
0x11e: {  	s2 =	simm.s32 @!p5 $0x2  }
0x11f: {  	_ =	swait.ge @!p5 [sflag:s2], $0x3000  }
0x120: {  	[sflag:s2] =	ssyncset.done @!p5 $0x0  }
0x121: {  	[sflag:s2] =	ssyncadd.s32 @!p5 $0xFFFFD000;
	s2 =	simm.s32 @!p5 $0x3  }
0x122: {  	_ =	swait.ge @!p5 [sflag:s2], $0x60  }
0x123: {  	[sflag:s2] =	ssyncset.done @!p5 $0x0  }
0x124: {  	[sflag:s2] =	ssyncadd.s32 @!p5 $0xFFFFFFA0;
	s2 =	simm.s32 @!p5 $0x400  }
0x125: {  	[tilespmem:s2], [sflag:$0x1] =	stream.indirect.gather @!p5 [hbm4b:s5+s12], $0x80, s17, s12, $0xb8;
	[tilespmem:$0x1FCC0] =	vst v63  }
0x126: {  	s2 =	sadd.s32 @!p5 s6, s9;
	s9 =	simm.s32 @!p5 $0x200;
	s12 =	simm.s32 @!p5 $0x1  }
0x127: {  	[tilespmem:s9], [sflag:$0x4] =	stream.linear.gather @!p5 [hbm4b:s2+s17], $0x60, $0x38;
	[tilespmem:$0x1FCC0] =	vst v63  }
0x128: {  	_ =	swait.ge @!p5 [sflag:s12], $0x3000  }
0x129: {  	s2 =	rddreg [dreg:$0x7];
	[sflag:s12] =	ssyncset.done @!p5 $0x0  }
0x12a: {  	s9 =	simm.s32 @!p5 $0x100;
	[sflag:s12] =	ssyncadd.s32 @!p5 $0xFFFFD000;
	s2 =	sadd.s32 @!p5 s16, s2  }
0x12b: {  	[tilespmem:s9], [sflag:$0x3] =	stream.linear.gather @!p5 [hbm4b:s2+s17], $0x60, $0x38;
	[tilespmem:$0x1FCC0] =	vst v63  }
0x12c: {  	_ =	swait.ge [sflag:s0], $0x60  }
0x12d: {  	[sflag:s0] =	ssyncset.done $0x0  }
0x12e: {  	[sflag:s0] =	ssyncadd.s32 $0xFFFFFFA0  }
0x12f: {  	[spmem:s3] =	stream.indirect.scatter.add.f32 [tilespmem:s7], [sflag:$0x2], $0x80, s8, s30, $0xb8;
	[tilespmem:$0x1FCC0] =	vst v63  }
0x130: {  	_ =	swait.ge [sflag:s14], $0x3000  }
0x131: {  	p2 =	sne.s32 s16, $0x4E0;
	[sflag:s14] =	ssyncset.done $0x0  }
0x132: {  	s2 =	simm.s32 @p2 $0x3;
	[sflag:s14] =	ssyncadd.s32 $0xFFFFD000  }
0x133: {  	_ =	swait.ge @p2 [sflag:s2], $0x60  }
0x134: {  	s9 =	simm.s32 @p2 $0x3400;
	s17 =	simm.s32 @p2 $0x80;
	[sflag:s2] =	ssyncset.done @p2 $0x0  }
0x135: {  	s12 =	rddreg [dreg:$0x4];
	[sflag:s2] =	ssyncadd.s32 @p2 $0xFFFFFFA0;
	s2 =	simm.s32 @p2 $0x60  }
0x136: {  	[tilespmem:s9], [sflag:$0x1] =	stream.indirect.gather @p2 [hbm4b:s5+s2], $0x80, s17, s2, $0xb8;
	[tilespmem:$0x1FCC0] =	vst v63  }
0x137: {  	s2 =	sadd.s32 @p2 s16, s12;
	s9 =	simm.s32 @p2 $0x0;
	s12 =	simm.s32 @p2 $0x280  }
0x138: {  	[tilespmem:s12], [sflag:$0x4] =	stream.linear.gather @p2 [hbm4b:s2+s9], $0x60, $0x38;
	[tilespmem:$0x1FCC0] =	vst v63  }
0x139: {  	s2 =	simm.s32 @p2 $0x1  }
0x13a: {  	_ =	swait.ge @p2 [sflag:s2], $0x3000  }
0x13b: {  	s12 =	rddreg [dreg:$0x6];
	[sflag:s2] =	ssyncset.done @p2 $0x0  }
0x13c: {  	[sflag:s2] =	ssyncadd.s32 @p2 $0xFFFFD000;
	s2 =	sadd.s32 @p2 s16, s12;
	s12 =	simm.s32 @p2 $0x180  }
0x13d: {  	[tilespmem:s12], [sflag:$0x3] =	stream.linear.gather @p2 [hbm4b:s2+s9], $0x60, $0x38;
	[tilespmem:$0x1FCC0] =	vst v63  }
0x13e: {  	s2 =	simm.s32 @!p2 $0x1  }
0x13f: {  	_ =	swait.ge @!p2 [sflag:s2], $0x3000  }
0x140: {  	[sflag:s2] =	ssyncset.done @!p2 $0x0  }
0x141: {  	[sflag:s2] =	ssyncadd.s32 @!p2 $0xFFFFD000  }
0x142: {  	_ =	swait.ge [sflag:s0], $0x60  }
0x143: {  	[sflag:s0] =	ssyncset.done $0x0  }
0x144: {  	[sflag:s0] =	ssyncadd.s32 $0xFFFFFFA0  }
0x145: {  	[spmem:s3] =	stream.indirect.scatter.add.f32 [tilespmem:s10], [sflag:$0x2], $0x80, s13, s30, $0xb8;
	[tilespmem:$0x1FCC0] =	vst v63  }
0x146: {  	_ =	swait.ge [sflag:s14], $0x3000  }
0x147: {  	[sflag:s14] =	ssyncset.done $0x0  }
0x148: {  	[sflag:s14] =	ssyncadd.s32 $0xFFFFD000  }
0x149: {  	_ =	swait.ge [sflag:s14], $0x3000  }
0x14a: {  	[sflag:s14] =	ssyncset.done $0x0  }
0x14b: {  	s18 =	stileid.u32;
	[sflag:s14] =	ssyncadd.s32 $0xFFFFD000  }
0x14c: {  	s2 =	sshll.u32 @p1 s18, $0x6;
	[bflag:$0x0] =	sbarrier.arrive $0xFFFF  }
0x14d: {  	s9 =	sshrl.u32 @p1 s11, $0x3;
	s2 =	sor.u32 @p1 $0x1C05, s2;
	s12 =	rddreg [dreg:$0x15]  }
0x14e: {  	[hbm:s12], [sflag:s2] =	dma.local @p1 [spmem:s9], $0x2700  }
0x14f: {  	s2 =	simm.s32 @p1 $0x5  }
0x150: {  	_ =	swait.ge @p1 [sflag:s2], $0x2700  }
0x151: {  	s9 =	sshll.u32 @!p4 s18, $0x6;
	[sflag:s2] =	ssyncset.done @p1 $0x0;
	s12 =	rddreg [dreg:$0x16]  }
0x152: {  	[sflag:s2] =	ssyncadd.s32 @p1 $0xFFFFD900;
	s2 =	sor.u32 @!p4 $0x1C05, s9;
	s9 =	sshrl.u32 @!p4 s11, $0x3  }
0x153: {  	[hbm:s12], [sflag:s2] =	dma.local @!p4 [spmem:s9], $0x2700  }
0x154: {  	s2 =	sld [smem:$0x7FD];
	_ =	sdelay $0x2  }
0x155: {  	p2 =	por @!p4 $0x1, $0x1;
	p5 =	seq.s32 s2, $0x1  }
0x156: {  	p5 =	por @!p4 p2, p2  }
0x157: {  	p2 =	por @!p3 !p5, !p0  }
0x158: {  	p2 =	por @!p3 !p2, !p2  }
0x159: {  	p2 =	por p3, p2  }
.Ltmp3:
0x15a: {  	_ = 	snop;
	(pc) =	sbr.rel @!p2 .LBB2_5-.Ltmp3, $4  }
0x15b: {  	s2 =	simm.s32 @!p4 $0x5  }
0x15c: {  	_ =	swait.ge @!p4 [sflag:s2], $0x2700  }
0x15d: {  	[sflag:s2] =	ssyncset.done @!p4 $0x0  }
0x15e: {  	[sflag:s2] =	ssyncadd.s32 @!p4 $0xFFFFD900  }
0x15f: {  	s2 =	rddreg [dreg:$0xb]  }
0x160: {  	s9 =	rddreg [dreg:$0xa]  }
0x161: {  	s21 =	rddreg [dreg:$0xc]  }
0x162: {  	s12 =	simm.s32 $0x1FC5;
	s23 =	simm.s32 $0x5;
	s2 =	smov.u32 @p3 s9  }
.Ltmp4:
0x163: {  	s9 =	sshrl.u32 s21, $0x3;
	s2 =	sadd.s32 $0x24900, s2;
	(pc) =	sbr.rel .LBB2_5-.Ltmp4, $4  }
0x164: {  	[hbm:s2], [sflag:s12] =	dma.local [spmem:s9], $0x2800  }
0x165: {  	_ =	swait.ge [sflag:s23], $0x2800  }
0x166: {  	[sflag:s23] =	ssyncset.done $0x0  }
0x167: {  	[sflag:s23] =	ssyncadd.s32 $0xFFFFD800  }
.LBB2_6:
0x168: {  	_ =	sfence.sel $0x180000  }
0x169: {  	[bflag:$0x0] =	sbarrier.arrive $0xFFFF  }
0x16a: {  	_ =	strace $0x9000004A  }
0x16b: {  	[bflag:$0x2] =	sbarrier.arrive $0xFFFF  }
0x16c: {  	p0 =	sne.s32 s18, $0x0;
	s0 =	rddreg [dreg:$0x3]  }
0x16d: {  	s0 =	sadd.s32 @!p0 $0x100000, s0  }
0x16e: {  	[sflag:s0] =	ssyncadd.tile.s32 @!p0 $0x1;
	_ =	shalt  }
.Lfunc_end2:
_tile_overlayer_lowered:
.L_overlay_start_2:
0x16f: {  	(tag) =	ssettag $0x2  }
0x170: {  	s0 =	rddreg [dreg:$0x0];
	s2 =	stileid.u32  }
0x171: {  	s1 =	rddreg [dreg:$0x1];
	p0 =	sne.s32 s2, $0x0  }
0x172: {  	s3 =	rddreg [dreg:$0x2];
	[bflag:$0x3] =	sbarrier.arrive $0xFFFF;
	s2 =	simm.s32 @!p0 $0x1C05  }
0x173: {  	[timem:s3], [sflag:s2] =	dma.local @!p0 [hbm:s0], s1  }
0x174: {  	s0 =	simm.s32 @!p0 $0x5  }
0x175: {  	_ =	swait.ge @!p0 [sflag:s0], s1  }
0x176: {  	s1 =	ssub.s32 @!p0 $0x0, s1;
	[sflag:s0] =	ssyncset.done @!p0 $0x0  }
0x177: {  	[sflag:s0] =	ssyncadd.s32 @!p0 s1  }
0x178: {  	[bflag:$0x3] =	sbarrier.arrive $0xFFFF  }
0x179: {  	_ =	shalt  }

// kernel: kernel.14.cloned.1.call-start
scs
__scs_entry_jumppad:
0x0: {  	(pc) =	sbr.rel $0x88, $3  }
0x1: {  	(tag) =	ssettag $0x0;
	lr =	simm.s32 $0x1  }
0x2: {  	[smem:$0x3F97] =	sst lr;
	_ =	strace $0xD0000000  }
0x3: {  	_ = 	snop  }
0x4: {  	_ = 	snop  }
0x5: {  	_ = 	snop  }
0x6: {  	_ = 	snop  }
0x7: {  	_ = 	snop  }
__scs_overlays_trampoline_lowered:
0x8: {  	[smem:$0x3FA6] =	sst s0  }
0x9: {  	[smem:$0x3FA7] =	sst s1  }
0xa: {  	[smem:$0x3FA8] =	sst s2  }
0xb: {  	[smem:$0x3FA9] =	sst s3  }
0xc: {  	[smem:$0x3FAA] =	sst s4  }
0xd: {  	[smem:$0x3FAB] =	sst s5  }
0xe: {  	[smem:$0x3FAC] =	sst s6  }
0xf: {  	[smem:$0x3FAD] =	sst s7  }
0x10: {  	[smem:$0x3FAE] =	sst s8  }
0x11: {  	[smem:$0x3FAF] =	sst s9;
	s0 =	simm.s32 @!p0 $0x0  }
0x12: {  	s1 =	sld [smem:$0x3F95];
	s0 =	simm.s32 @p0 $0x1  }
0x13: {  	[smem:$0x3FB0] =	sst s0;
	s0 =	simm.s32 @!p1 $0x0  }
0x14: {  	s2 =	sld [smem:$0x3F94];
	s0 =	simm.s32 @p1 $0x1  }
0x15: {  	[smem:$0x3FB1] =	sst s0;
	s0 =	simm.s32 @!p2 $0x0  }
0x16: {  	s3 =	sld [smem:$0x3FDB];
	s0 =	simm.s32 @p2 $0x1  }
0x17: {  	s4 =	simm.s32 $0x1BF5;
	[smem:$0x3FB3] =	sst s0  }
0x18: {  	s0 =	sld [smem:$0x3F96];
	_ =	swait.ge [sflag:s4], $0x0  }
0x19: {  	s7 =	sld [smem:$0x3F97]  }
0x1a: {  	s8 =	sadd.s32 $0xFFFFE003, lr  }
0x1b: {  	s9 =	sadd.s32 $0xFFFFFEF7, lr;
	s5 =	simm.s32 $0xFFFFFFFF;
	p2 =	slt.u32 s8, $0xFFFFF086  }
0x1c: {  	p1 =	slt.u32 s9, $0xF7A;
	s5 =	simm.s32 @!p2 $0x0  }
0x1d: {  	s5 =	simm.s32 @p1 $0x1;
	p0 =	seq.s32 s7, s2  }
0x1e: {  	s7 =	smul.u32 @!p0 $0xF7A, s2;
	p2 =	seq.s32 @!p0 s5, $0x0  }
0x1f: {  	s9 =	smul.u32 $0xF7A, s1;
	s8 =	simm.s32 @!p0 $0x1BF5;
	p2 =	por !p2, p0  }
0x20: {  	[sflag:s8] =	ssyncset.s32 @!p0 $0xFFFFF086;
	s6 =	sadd.s32 @!p0 s3, s7;
	s7 =	simm.s32 @!p0 $0x108  }
0x21: {  	s3 =	sadd.s32 s3, s9;
	s6 =	sadd.s32 @!p0 $0x88, s6;
	s7 =	simm.s32 @p2 $0x1082  }
0x22: {  	[simem:s7], [sflag:s8] =	dma.local @!p0 [hbm:s6], $0xF7A  }
0x23: {  	s9 =	sor.u32 $0xD0000000, s2;
	s6 =	simm.s32 $0x108;
	_ =	swait.ge @!p0 [sflag:s8], $0x0  }
0x24: {  	s3 =	sadd.s32 $0x88, s3;
	s6 =	simm.s32 @!p1 $0x1082;
	[sflag:s4] =	ssyncset.s32 $0xFFFFF086  }
0x25: {  	[simem:s6], [sflag:s4] =	dma.local [hbm:s3], $0xF7A  }
0x26: {  	[smem:$0x3F97] =	sst s1;
	(tag) =	ssettag s2;
	_ =	strace s9  }
0x27: {  	s1 =	sld [smem:$0x3FA7]  }
0x28: {  	s2 =	sld [smem:$0x3FA8]  }
0x29: {  	s4 =	sld [smem:$0x3FAA]  }
0x2a: {  	p0 =	seq.s32 s5, $0x0;
	s5 =	sld [smem:$0x3FAB]  }
0x2b: {  	s6 =	sld [smem:$0x3FAC]  }
0x2c: {  	s7 =	sld [smem:$0x3FAD]  }
0x2d: {  	s3 =	simm.s32 $0x108;
	s8 =	sld [smem:$0x3FAE]  }
0x2e: {  	s3 =	simm.s32 @!p0 $0x1082;
	s9 =	sld [smem:$0x3FAF]  }
0x2f: {  	lr =	sadd.s32 s0, s3;
	s0 =	sld [smem:$0x3FA6]  }
0x30: {  	s3 =	sld [smem:$0x3FA9]  }
0x31: {  	[smem:$0x3FB2] =	sst s10  }
0x32: {  	s10 =	sld [smem:$0x3FB0];
	_ =	sdelay $0x3  }
0x33: {  	p0 =	seq.s32 s10, $0x1;
	s10 =	sld [smem:$0x3FB2];
	_ =	sdelay $0x3  }
0x34: {  	[smem:$0x3FB2] =	sst s10  }
0x35: {  	s10 =	sld [smem:$0x3FB1];
	_ =	sdelay $0x3  }
0x36: {  	p1 =	seq.s32 s10, $0x1;
	s10 =	sld [smem:$0x3FB2];
	_ =	sdelay $0x3  }
0x37: {  	[smem:$0x3FB2] =	sst s10  }
0x38: {  	s10 =	sld [smem:$0x3FB3]  }
0x39: {  	_ = 	snop;
	(pc) =	sbr.ind lr, $3  }
0x3a: {  	_ = 	snop  }
0x3b: {  	_ = 	snop  }
0x3c: {  	p2 =	seq.s32 s10, $0x1;
	s10 =	sld [smem:$0x3FB2]  }
0x3d: {  	_ =	shalt  }
0x3e: {  	_ =	shalt  }
0x3f: {  	_ =	shalt  }
0x40: {  	_ =	shalt  }
0x41: {  	_ =	shalt  }
0x42: {  	_ =	shalt  }
0x43: {  	_ =	shalt  }
0x44: {  	_ =	shalt  }
0x45: {  	_ =	shalt  }
0x46: {  	_ =	shalt  }
0x47: {  	_ =	shalt  }
0x48: {  	_ =	shalt  }
0x49: {  	_ =	shalt  }
0x4a: {  	_ =	shalt  }
0x4b: {  	_ =	shalt  }
0x4c: {  	_ =	shalt  }
0x4d: {  	_ =	shalt  }
0x4e: {  	_ =	shalt  }
0x4f: {  	_ =	shalt  }
0x50: {  	_ =	shalt  }
0x51: {  	_ =	shalt  }
0x52: {  	_ =	shalt  }
0x53: {  	_ =	shalt  }
0x54: {  	_ =	shalt  }
0x55: {  	_ =	shalt  }
0x56: {  	_ =	shalt  }
0x57: {  	_ =	shalt  }
0x58: {  	_ =	shalt  }
0x59: {  	_ =	shalt  }
0x5a: {  	_ =	shalt  }
0x5b: {  	_ =	shalt  }
0x5c: {  	_ =	shalt  }
0x5d: {  	_ =	shalt  }
0x5e: {  	_ =	shalt  }
0x5f: {  	_ =	shalt  }
0x60: {  	_ =	shalt  }
0x61: {  	_ =	shalt  }
0x62: {  	_ =	shalt  }
0x63: {  	_ =	shalt  }
0x64: {  	_ =	shalt  }
0x65: {  	_ =	shalt  }
0x66: {  	_ =	shalt  }
0x67: {  	_ =	shalt  }
0x68: {  	_ =	shalt  }
0x69: {  	_ =	shalt  }
0x6a: {  	_ =	shalt  }
0x6b: {  	_ =	shalt  }
0x6c: {  	_ =	shalt  }
0x6d: {  	_ =	shalt  }
0x6e: {  	_ =	shalt  }
0x6f: {  	_ =	shalt  }
0x70: {  	_ =	shalt  }
0x71: {  	_ =	shalt  }
0x72: {  	_ =	shalt  }
0x73: {  	_ =	shalt  }
0x74: {  	_ =	shalt  }
0x75: {  	_ =	shalt  }
0x76: {  	_ =	shalt  }
0x77: {  	_ =	shalt  }
0x78: {  	_ =	shalt  }
0x79: {  	_ =	shalt  }
0x7a: {  	_ =	shalt  }
0x7b: {  	_ =	shalt  }
0x7c: {  	_ =	shalt  }
0x7d: {  	_ =	shalt  }
0x7e: {  	_ =	shalt  }
0x7f: {  	_ =	shalt  }
0x80: {  	_ =	shalt  }
0x81: {  	_ =	shalt  }
0x82: {  	_ =	shalt  }
0x83: {  	_ =	shalt  }
0x84: {  	_ =	shalt  }
0x85: {  	_ =	shalt  }
0x86: {  	_ =	shalt  }
0x87: {  	_ =	shalt  }
.Lfunc_end0:
.L_simem_size_0:
called_computation.2_lowered:
.L_overlay_start_0:
0x88: {  	s2 =	sld [smem:$0x3FD9]  }
0x89: {  	s3 =	sld [smem:$0x3FFE];
	_ =	sdelay $0x1  }
0x8a: {  	s1 =	srdreg.scid  }
0x8b: {  	s0 =	sand.u32 $0x1, s1  }
0x8c: {  	s17 =	sshll.u32 s0, $0xA;
	s2 =	sadd.s32 s3, s2  }
0x8d: {  	s2 =	sadd.s32 s2, s17  }
0x8e: {  	[smem:$0x3FBE] =	sst s2  }
0x8f: {  	_ = 	snop  }
0x90: {  	s2 =	sld [smem:$0x3FD0];
	(tm) =	ssettm $0x1  }
0x91: {  	s18 =	sld [smem:$0x3FFB];
	_ =	sdelay $0x3  }
0x92: {  	_ =	strace s18  }
0x93: {  	s3 =	sld [smem:$0x3FFC];
	_ =	sdelay $0x3  }
0x94: {  	_ =	strace s3  }
0x95: {  	s3 =	sld [smem:$0x3FFD];
	_ =	sdelay $0x3  }
0x96: {  	_ =	strace s3  }
0x97: {  	_ =	strace $0x8FFFFFFF  }
0x98: {  	s19 =	sld [smem:$0x3FDB];
	_ =	sdelay $0x1  }
0x99: {  	s4 =	simm.s32 $_scs_section_size  }
0x9a: {  	s5 =	simm.s32 $_size__tile_overlayer_lowered;
	s6 =	simm.s32 $_tile_overlayer_lowered  }
0x9b: {  	s22 =	simm.s32 $0x1BFF;
	s21 =	sshll.u32 s6, $0x1;
	s3 =	sadd.s32 s4, s19  }
0x9c: {  	s7 =	simm.s32 $0x0;
	s20 =	sshll.u32 s5, $0x1;
	s5 =	sadd.s32 s21, s3  }
0x9d: {  	[timem:s7], [sflag:s22] =	dma.local [hbm:s5], s20  }
0x9e: {  	_ =	swait.ge [sflag:s22], s20  }
0x9f: {  	s4 =	ssub.s32 $0x0, s20;
	[sflag:s22] =	ssyncset.done $0x0  }
0xa0: {  	[sflag:s22] =	ssyncadd.s32 s4;
	_ =	sdelay $0x1  }
0xa1: {  	s23 =	simm.s32 $0x1B8B  }
0xa2: {  	_ =	swait.ge [sflag:s23], $0x1  }
0xa3: {  	[sflag:s23] =	ssyncset.done $0x0  }
0xa4: {  	s25 =	simm.s32 $0x1B8E;
	s24 =	sld [smem:$0x3FFE];
	[sflag:s23] =	ssyncadd.s32 $0xFFFFFFFF  }
0xa5: {  	s26 =	simm.s32 $execute0_lowered;
	[smem:$0x3FD2] =	sst s25  }
0xa6: {  	s5 =	sshll.u32 s26, $0x1;
	_ =	strace $0x8000004C;
	[dreg:$0x1] =	wrdreg $0xFFFFFFFF  }
0xa7: {  	s28 =	simm.s32 $_size_execute0_lowered;
	s3 =	sadd.s32 s3, s5;
	[dreg:$0x0] =	wrdreg $0x0  }
0xa8: {  	s5 =	sshll.u32 s28, $0x1;
	[dreg:$0x2] =	wrdreg s3  }
0xa9: {  	[dreg:$0x3] =	wrdreg s5  }
0xaa: {  	[dreg:$0x4] =	wrdreg $0xC0  }
0xab: {  	_ =	task [dreg:s7], $0x5FFFF  }
0xac: {  	[dreg:$0x1] =	wrdreg $0xFFFFFFFF  }
0xad: {  	[dreg:$0x0] =	wrdreg $0x60  }
0xae: {  	[dreg:$0x2] =	wrdreg s24  }
0xaf: {  	[dreg:$0x3] =	wrdreg s2  }
0xb0: {  	[dreg:$0x4] =	wrdreg $0xC4000  }
0xb1: {  	[dreg:$0x5] =	wrdreg $0x9  }
0xb2: {  	_ =	task.clear_ibuf [dreg:s7], $0x6FFFF;
	_ =	strace $0x9000004C  }
0xb3: {  	s29 =	simm.s32 $0x9;
	_ =	strace $0x8000004E  }
0xb4: {  	_ =	swait.ge [sflag:s29], $0x1  }
0xb5: {  	[sflag:s29] =	ssyncadd.s32 $0xFFFFFFFF  }
0xb6: {  	_ =	strace $0x9000004E  }
0xb7: {  	_ =	sfence  }
0xb8: {  	s30 =	sld [smem:$0x0];
	_ =	sdelay $0x2  }
0xb9: {  	s31 =	sshll.u32 s1, $0xD;
	s1 =	sshrl.u32 s1, $0x2  }
0xba: {  	s3 =	sand.u32 $0x4000, s31;
	s1 =	sadd.s32 s1, s30  }
0xbb: {  	s0 =	sor.u32 s3, s0;
	s1 =	sshll.u32 s1, $0x11  }
0xbc: {  	s0 =	sor.u32 s1, s0  }
0xbd: {  	s0 =	sadd.s32 $0x8F2B, s0  }
0xbe: {  	[sflag:s0] =	ssyncadd.remote.s32 $0x1  }
0xbf: {  	_ =	sfence.sel $0xFFFF  }
0xc0: {  	[dreg:$0x0] =	wrdreg $0xFFFFFFFF;
	(pc) =	sbr.abs _section_cstart, $3  }
0xc1: {  	[dreg:$0x1] =	wrdreg $0xFFFFFFFF  }
0xc2: {  	_ =	task.clear_ibuf [dreg:s7], $0x2FFFF;
	_ =	strace $0x9FFFFFFF  }
0xc3: {  	(tm) =	ssettm $0x7FFFFFFF  }
tec
execute0_lowered:
.L_overlay_start_1:
0x0: {  	(tag) =	ssettag $0x1  }
0x1: {  	s0 =	rddreg [dreg:$0x0]  }
0x2: {  	s1 =	rddreg [dreg:$0x1]  }
0x3: {  	s3 =	rddreg [dreg:$0x2];
	s4 =	simm.s32 $0x0;
	s18 =	stileid.u32  }
0x4: {  	s5 =	srdreg.scid;
	s29 =	simm.s32 $0x3;
	s30 =	simm.s32 $0x60  }
0x5: {  	s31 =	simm.s32 $0x400;
	s28 =	simm.s32 $0x1;
	[smem:$0x7FF] =	sst s4  }
0x6: {  	s7 =	smul.u32 $0x2700, s18;
	s8 =	sand.u32 $0x1, s5;
	s5 =	sadd.s32 $0x35000, s0  }
0x7: {  	s6 =	sadd.s32 $0x3C00, s0;
	s2 =	sadd.s32 $0x5C200, s0;
	s25 =	smul.u32 $0x4E000, s18  }
0x8: {  	p0 =	seq.s32 s18, $0xF;
	p2 =	sne.s32 s18, $0xF;
	s26 =	sadd.s32 $0x124800, s3  }
0x9: {  	s24 =	smul.u32 $0x2880, s18;
	_ =	strace $0x8000004D;
	s9 =	sshll.u32 s8, $0x4  }
0xa: {  	s11 =	ssub.s32 $0x2, s8;
	[dreg:$0xc] =	wrdreg s26;
	p3 =	seq.s32 s8, $0x0  }
0xb: {  	s22 =	smul.u32 $0x28800, s8;
	[dreg:$0xa] =	wrdreg s2;
	p4 =	seq.s32 s8, $0x1  }
0xc: {  	s10 =	sadd.s32 s7, s0;
	s9 =	sor.u32 s18, s9;
	s12 =	sshrl.u32 s11, $0x1  }
0xd: {  	s15 =	sshrl.u32 s25, $0x2;
	p1 =	por !p3, !p2;
	s25 =	sadd.s32 s2, s7  }
0xe: {  	p3 =	por !p3, !p0;
	s2 =	simm.s32 @!p4 $0x0;
	p2 =	por !p2, !p4  }
0xf: {  	s13 =	smul.u32 $0x2880, s9;
	s9 =	sadd.s32 $0x83400, s0;
	s14 =	ssub.s32 s11, s12  }
0x10: {  	s0 =	sadd.s32 $0x32700, s0;
	s11 =	sadd.s32 s15, s3;
	[dreg:$0x15] =	wrdreg s25  }
0x11: {  	s10 =	sadd.s32 $0xDE00, s10;
	p1 =	por !p1, !p1;
	[dreg:$0xd] =	wrdreg s0  }
0x12: {  	s26 =	sadd.s32 s24, s22;
	s2 =	simm.s32 @p4 $0x1;
	[dreg:$0xf] =	wrdreg s10  }
0x13: {  	p3 =	por !p3, !p3;
	p2 =	por !p2, !p2;
	[smem:$0x7FD] =	sst s2  }
0x14: {  	s12 =	sadd.s32 $0x1E0, s26;
	[dreg:$0xb] =	wrdreg s9;
	s13 =	sshrl.u32 s13, $0x3  }
0x15: {  	s10 =	sadd.s32 $0x2A0, s26;
	s22 =	sadd.s32 $0x120, s26;
	s16 =	sadd.s32 s1, s13  }
0x16: {  	s15 =	sshrl.u32 s12, $0x3;
	s23 =	sadd.s32 s6, s13;
	[dreg:$0xe] =	wrdreg s16  }
0x17: {  	s17 =	sor.u32 $0xC, s13;
	s13 =	sadd.s32 s9, s7;
	[dreg:$0x13] =	wrdreg s23  }
0x18: {  	p4 =	por !p2, p3;
	s8 =	sadd.s32 s15, s6;
	[dreg:$0x16] =	wrdreg s13  }
0x19: {  	s7 =	sadd.s32 s15, s1;
	s15 =	simm.s32 $0x0;
	[dreg:$0x4] =	wrdreg s8  }
0x1a: {  	s19 =	sadd.s32 s1, s17;
	s20 =	sadd.s32 $0x18, s16;
	[dreg:$0x5] =	wrdreg s7  }
0x1b: {  	s21 =	sadd.s32 $0x24, s16;
	s0 =	sadd.s32 s6, s17;
	[dreg:$0x10] =	wrdreg s19  }
0x1c: {  	s16 =	smax.u32 s14, $0x1;
	s17 =	sshrl.u32 s10, $0x3;
	[dreg:$0x11] =	wrdreg s20  }
0x1d: {  	s8 =	sshrl.u32 s22, $0x3;
	s23 =	sadd.s32 $0xC0, s26;
	[dreg:$0x12] =	wrdreg s21  }
0x1e: {  	s22 =	sadd.s32 $0x180, s26;
	s10 =	simm.s32 $0x9400;
	[dreg:$0x14] =	wrdreg s0  }
0x1f: {  	s13 =	simm.s32 $0x380;
	s14 =	simm.s32 $0x2;
	[dreg:$0x17] =	wrdreg s16  }
0x20: {  	s19 =	sadd.s32 s17, s1;
	s20 =	sadd.s32 $0x240, s26;
	s24 =	sadd.s32 s8, s6  }
.Ltmp0:
0x21: {  	s25 =	sshrl.u32 s23, $0x3;
	s8 =	simm.s32 $0x300;
	(pc) =	sbr.rel .LBB2_1-.Ltmp0, $4  }
0x22: {  	s0 =	simm.s32 $0x4;
	[dreg:$0x6] =	wrdreg s19;
	s21 =	sshrl.u32 s20, $0x3  }
0x23: {  	[dreg:$0x8] =	wrdreg s24;
	s26 =	sadd.s32 s25, s6;
	s24 =	simm.s32 $0x100  }
0x24: {  	s25 =	simm.s32 $0x180;
	s7 =	sadd.s32 s21, s1;
	[dreg:$0x9] =	wrdreg s26  }
0x25: {  	s26 =	simm.s32 $0x200;
	[dreg:$0x7] =	wrdreg s7;
	s7 =	simm.s32 $0x6400  }
.LBB2_5:
0x26: {  	s15 =	sadd.s32 $0x1, s15;
	s2 =	rddreg [dreg:$0x17]  }
0x27: {  	p2 =	sne.s32 s15, s2  }
.Ltmp1:
0x28: {  	_ = 	snop;
	(pc) =	sbr.rel @!p2 .LBB2_6-.Ltmp1, $1  }
0x29: {  	_ =	sdelay $0x3  }
.LBB2_1:
0x2a: {  	s2 =	rddreg [dreg:$0xc]  }
0x2b: {  	s17 =	simm.s32 @p0 $0x1FC2;
	s16 =	sshrl.u32 @p0 s2, $0x3;
	s2 =	rddreg [dreg:$0xd]  }
0x2c: {  	[spmem:s16], [sflag:s17] =	dma.local @p0 [hbm:s2], $0x2800  }
0x2d: {  	s16 =	sshll.u32 @!p0 s18, $0x6  }
0x2e: {  	s17 =	sshrl.u32 @!p0 s11, $0x3;
	s16 =	sor.u32 @!p0 $0x1C02, s16;
	s2 =	rddreg [dreg:$0xf]  }
0x2f: {  	[spmem:s17], [sflag:s16] =	dma.local @!p0 [hbm:s2], $0x2700  }
0x30: {  	s2 =	rddreg [dreg:$0xe]  }
0x31: {  	[tilespmem:s4], [sflag:$0x3] =	stream.linear.gather [hbm4b:s2+s4], $0x60, $0x38;
	[tilespmem:$0x1FCC0] =	vst v63  }
0x32: {  	s9 =	simm.s32 $0x80;
	s12 =	rddreg [dreg:$0x10]  }
0x33: {  	[tilespmem:s9], [sflag:$0x3] =	stream.linear.gather [hbm4b:s12+s4], $0x60, $0x38;
	[tilespmem:$0x1FCC0] =	vst v63  }
0x34: {  	s16 =	rddreg [dreg:$0x11]  }
0x35: {  	[tilespmem:s24], [sflag:$0x3] =	stream.linear.gather [hbm4b:s16+s4], $0x60, $0x38;
	[tilespmem:$0x1FCC0] =	vst v63  }
0x36: {  	s17 =	rddreg [dreg:$0x12]  }
0x37: {  	[tilespmem:s25], [sflag:$0x3] =	stream.linear.gather [hbm4b:s17+s4], $0x60, $0x38;
	[tilespmem:$0x1FCC0] =	vst v63  }
0x38: {  	s18 =	rddreg [dreg:$0x13]  }
0x39: {  	[tilespmem:s26], [sflag:$0x4] =	stream.linear.gather [hbm4b:s18+s4], $0x60, $0x38;
	[tilespmem:$0x1FCC0] =	vst v63  }
0x3a: {  	s19 =	rddreg [dreg:$0x14];
	s12 =	simm.s32 $0x280  }
0x3b: {  	[tilespmem:s12], [sflag:$0x4] =	stream.linear.gather [hbm4b:s19+s4], $0x60, $0x38;
	[tilespmem:$0x1FCC0] =	vst v63  }
0x3c: {  	_ =	swait.ge [sflag:s29], $0x60  }
0x3d: {  	[sflag:s29] =	ssyncset.done $0x0  }
0x3e: {  	[sflag:s29] =	ssyncadd.s32 $0xFFFFFFA0  }
0x3f: {  	[tilespmem:s31], [sflag:$0x1] =	stream.indirect.gather [hbm4b:s5+s30], $0x80, s4, s30, $0xb8;
	[tilespmem:$0x1FCC0] =	vst v63  }
0x40: {  	_ =	swait.ge [sflag:s29], $0x60  }
0x41: {  	[sflag:s29] =	ssyncset.done $0x0  }
0x42: {  	s20 =	simm.s32 $0x3400;
	s16 =	simm.s32 @p0 $0x2;
	[sflag:s29] =	ssyncadd.s32 $0xFFFFFFA0  }
0x43: {  	[tilespmem:s20], [sflag:$0x1] =	stream.indirect.gather [hbm4b:s5+s30], $0x80, s9, s30, $0xb8;
	[tilespmem:$0x1FCC0] =	vst v63  }
0x44: {  	_ =	swait.ge @p0 [sflag:s16], $0x2800  }
0x45: {  	[sflag:s16] =	ssyncset.done @p0 $0x0  }
0x46: {  	[sflag:s16] =	ssyncadd.s32 @p0 $0xFFFFD800;
	s16 =	simm.s32 @!p0 $0x2  }
0x47: {  	_ =	swait.ge @!p0 [sflag:s16], $0x2700  }
0x48: {  	[sflag:s16] =	ssyncset.done @!p0 $0x0  }
0x49: {  	p5 =	por $0x1, $0x1;
	[sflag:s16] =	ssyncadd.s32 @!p0 $0xFFFFD900  }
0x4a: {  	s17 =	simm.s32 @!p5 $0x2;
	[bflag:$0x0] =	sbarrier.arrive $0xFFFF  }
0x4b: {  	_ =	swait.ge @!p5 [sflag:s17], $0x3000  }
0x4c: {  	[sflag:s17] =	ssyncset.done @!p5 $0x0  }
0x4d: {  	[sflag:s17] =	ssyncadd.s32 @!p5 $0xFFFFD000  }
0x4e: {  	_ =	swait.ge [sflag:s29], $0x60  }
0x4f: {  	[sflag:s29] =	ssyncset.done $0x0  }
0x50: {  	s21 =	rddreg [dreg:$0x9];
	[sflag:s29] =	ssyncadd.s32 $0xFFFFFFA0  }
0x51: {  	[tilespmem:s7], [sflag:$0x1] =	stream.indirect.gather [hbm4b:s5+s30], $0x80, s24, s30, $0xb8;
	[tilespmem:$0x1FCC0] =	vst v63  }
0x52: {  	s16 =	sadd.s32 $0x0, s21  }
0x53: {  	[tilespmem:s8], [sflag:$0x4] =	stream.linear.gather [hbm4b:s16+s4], $0x60, $0x38;
	[tilespmem:$0x1FCC0] =	vst v63  }
0x54: {  	p2 =	por $0x0, $0x0;
	_ =	swait.ge [sflag:s28], $0x3000  }
0x55: {  	s18 =	sshrl.u32 @!p2 s22, $0x3;
	[sflag:s28] =	ssyncset.done $0x0  }
0x56: {  	s19 =	sadd.s32 @!p2 s1, s18;
	s16 =	simm.s32 @!p2 $0x0;
	[sflag:s28] =	ssyncadd.s32 $0xFFFFD000  }
0x57: {  	[tilespmem:s16], [sflag:$0x3] =	stream.linear.gather @!p2 [hbm4b:s19+s16], $0x60, $0x38;
	[tilespmem:$0x1FCC0] =	vst v63  }
0x58: {  	_ =	swait.ge [sflag:s0], $0x60  }
0x59: {  	[sflag:s0] =	ssyncset.done $0x0  }
0x5a: {  	[sflag:s0] =	ssyncadd.s32 $0xFFFFFFA0  }
0x5b: {  	[spmem:s3] =	stream.indirect.scatter.add.f32 [tilespmem:s31], [sflag:$0x2], $0x80, s26, s30, $0xb8;
	[tilespmem:$0x1FCC0] =	vst v63  }
0x5c: {  	_ =	swait.ge @!p5 [sflag:s17], $0x3000  }
0x5d: {  	[sflag:s17] =	ssyncset.done @!p5 $0x0  }
0x5e: {  	[sflag:s17] =	ssyncadd.s32 @!p5 $0xFFFFD000  }
0x5f: {  	_ =	swait.ge [sflag:s29], $0x60  }
0x60: {  	[sflag:s29] =	ssyncset.done $0x0  }
0x61: {  	s23 =	rddreg [dreg:$0x8];
	[sflag:s29] =	ssyncadd.s32 $0xFFFFFFA0  }
0x62: {  	[tilespmem:s10], [sflag:$0x1] =	stream.indirect.gather [hbm4b:s5+s30], $0x80, s25, s30, $0xb8;
	[tilespmem:$0x1FCC0] =	vst v63  }
0x63: {  	s17 =	sadd.s32 $0x0, s23  }
0x64: {  	[tilespmem:s13], [sflag:$0x4] =	stream.linear.gather [hbm4b:s17+s4], $0x60, $0x38;
	[tilespmem:$0x1FCC0] =	vst v63  }
0x65: {  	_ =	swait.ge [sflag:s28], $0x3000  }
0x66: {  	[sflag:s28] =	ssyncset.done $0x0  }
0x67: {  	s17 =	simm.s32 @p2 $0x4;
	[sflag:s28] =	ssyncadd.s32 $0xFFFFD000  }
0x68: {  	_ =	swait.ge @p2 [sflag:s17], $0x60  }
0x69: {  	s20 =	simm.s32 @p2 $0x280;
	[sflag:s17] =	ssyncset.done @p2 $0x0  }
0x6a: {  	s19 =	simm.s32 @p2 $0x3400;
	[sflag:s17] =	ssyncadd.s32 @p2 $0xFFFFFFA0;
	s17 =	simm.s32 @p2 $0x60  }
0x6b: {  	[spmem:s3] =	stream.indirect.scatter.add.f32 @p2 [tilespmem:s19], [sflag:$0x2], $0x80, s20, s17, $0xb8;
	[tilespmem:$0x1FCC0] =	vst v63  }
0x6c: {  	s17 =	simm.s32 @p2 $0x2  }
0x6d: {  	_ =	swait.ge @p2 [sflag:s17], $0x3000  }
0x6e: {  	[sflag:s17] =	ssyncset.done @p2 $0x0  }
0x6f: {  	[sflag:s17] =	ssyncadd.s32 @p2 $0xFFFFD000;
	s17 =	simm.s32 @p2 $0x1  }
0x70: {  	_ =	swait.ge @p2 [sflag:s17], $0x3000  }
0x71: {  	s20 =	simm.s32 @!p2 $0x4;
	s19 =	rddreg [dreg:$0x5];
	[sflag:s17] =	ssyncset.done @p2 $0x0  }
0x72: {  	[sflag:s17] =	ssyncadd.s32 @p2 $0xFFFFD000;
	s17 =	sadd.s32 @!p2 $0x0, s19;
	s19 =	simm.s32 @!p2 $0x80  }
0x73: {  	[tilespmem:s19], [sflag:$0x3] =	stream.linear.gather @!p2 [hbm4b:s17+s16], $0x60, $0x38;
	[tilespmem:$0x1FCC0] =	vst v63  }
0x74: {  	_ =	swait.ge @!p2 [sflag:s20], $0x60  }
0x75: {  	s17 =	simm.s32 @!p2 $0x3400;
	[sflag:s20] =	ssyncset.done @!p2 $0x0  }
0x76: {  	s19 =	simm.s32 @!p2 $0x60;
	[sflag:s20] =	ssyncadd.s32 @!p2 $0xFFFFFFA0;
	s20 =	simm.s32 @!p2 $0x280  }
0x77: {  	[spmem:s3] =	stream.indirect.scatter.add.f32 @!p2 [tilespmem:s17], [sflag:$0x2], $0x80, s20, s19, $0xb8;
	[tilespmem:$0x1FCC0] =	vst v63  }
0x78: {  	s17 =	simm.s32 @!p2 $0x2  }
0x79: {  	_ =	swait.ge @!p2 [sflag:s17], $0x3000  }
0x7a: {  	[sflag:s17] =	ssyncset.done @!p2 $0x0  }
0x7b: {  	[sflag:s17] =	ssyncadd.s32 @!p2 $0xFFFFD000;
	s17 =	simm.s32 @!p2 $0x3  }
0x7c: {  	_ =	swait.ge @!p2 [sflag:s17], $0x60  }
0x7d: {  	[sflag:s17] =	ssyncset.done @!p2 $0x0  }
0x7e: {  	[sflag:s17] =	ssyncadd.s32 @!p2 $0xFFFFFFA0;
	s17 =	simm.s32 @!p2 $0x400  }
0x7f: {  	[tilespmem:s17], [sflag:$0x1] =	stream.indirect.gather @!p2 [hbm4b:s5+s19], $0x80, s16, s19, $0xb8;
	[tilespmem:$0x1FCC0] =	vst v63  }
0x80: {  	s17 =	sadd.s32 @!p2 s6, s18;
	s18 =	simm.s32 @!p2 $0x200;
	s19 =	simm.s32 @!p2 $0x1  }
0x81: {  	[tilespmem:s18], [sflag:$0x4] =	stream.linear.gather @!p2 [hbm4b:s17+s16], $0x60, $0x38;
	[tilespmem:$0x1FCC0] =	vst v63  }
0x82: {  	_ =	swait.ge @!p2 [sflag:s19], $0x3000  }
0x83: {  	s17 =	rddreg [dreg:$0x7];
	[sflag:s19] =	ssyncset.done @!p2 $0x0  }
0x84: {  	s18 =	simm.s32 @!p2 $0x100;
	[sflag:s19] =	ssyncadd.s32 @!p2 $0xFFFFD000;
	s17 =	sadd.s32 @!p2 $0x0, s17  }
0x85: {  	[tilespmem:s18], [sflag:$0x3] =	stream.linear.gather @!p2 [hbm4b:s17+s16], $0x60, $0x38;
	[tilespmem:$0x1FCC0] =	vst v63  }
0x86: {  	_ =	swait.ge [sflag:s0], $0x60  }
0x87: {  	[sflag:s0] =	ssyncset.done $0x0  }
0x88: {  	[sflag:s0] =	ssyncadd.s32 $0xFFFFFFA0  }
0x89: {  	[spmem:s3] =	stream.indirect.scatter.add.f32 [tilespmem:s7], [sflag:$0x2], $0x80, s8, s30, $0xb8;
	[tilespmem:$0x1FCC0] =	vst v63  }
0x8a: {  	_ =	swait.ge [sflag:s14], $0x3000  }
0x8b: {  	p2 =	por $0x1, $0x1;
	[sflag:s14] =	ssyncset.done $0x0  }
0x8c: {  	s16 =	simm.s32 @p2 $0x3;
	[sflag:s14] =	ssyncadd.s32 $0xFFFFD000  }
0x8d: {  	_ =	swait.ge @p2 [sflag:s16], $0x60  }
0x8e: {  	s17 =	simm.s32 @p2 $0x3400;
	s19 =	simm.s32 @p2 $0x80;
	[sflag:s16] =	ssyncset.done @p2 $0x0  }
0x8f: {  	s18 =	rddreg [dreg:$0x4];
	[sflag:s16] =	ssyncadd.s32 @p2 $0xFFFFFFA0;
	s16 =	simm.s32 @p2 $0x60  }
0x90: {  	[tilespmem:s17], [sflag:$0x1] =	stream.indirect.gather @p2 [hbm4b:s5+s16], $0x80, s19, s16, $0xb8;
	[tilespmem:$0x1FCC0] =	vst v63  }
0x91: {  	s16 =	sadd.s32 @p2 $0x0, s18;
	s17 =	simm.s32 @p2 $0x0;
	s18 =	simm.s32 @p2 $0x280  }
0x92: {  	[tilespmem:s18], [sflag:$0x4] =	stream.linear.gather @p2 [hbm4b:s16+s17], $0x60, $0x38;
	[tilespmem:$0x1FCC0] =	vst v63  }
0x93: {  	s16 =	simm.s32 @p2 $0x1  }
0x94: {  	_ =	swait.ge @p2 [sflag:s16], $0x3000  }
0x95: {  	s18 =	rddreg [dreg:$0x6];
	[sflag:s16] =	ssyncset.done @p2 $0x0  }
0x96: {  	[sflag:s16] =	ssyncadd.s32 @p2 $0xFFFFD000;
	s16 =	sadd.s32 @p2 $0x0, s18;
	s18 =	simm.s32 @p2 $0x180  }
0x97: {  	[tilespmem:s18], [sflag:$0x3] =	stream.linear.gather @p2 [hbm4b:s16+s17], $0x60, $0x38;
	[tilespmem:$0x1FCC0] =	vst v63  }
0x98: {  	s16 =	simm.s32 @!p2 $0x1  }
0x99: {  	_ =	swait.ge @!p2 [sflag:s16], $0x3000  }
0x9a: {  	[sflag:s16] =	ssyncset.done @!p2 $0x0  }
0x9b: {  	[sflag:s16] =	ssyncadd.s32 @!p2 $0xFFFFD000  }
0x9c: {  	s18 =	simm.s32 $0x60;
	s17 =	sadd.s32 $0x180, s22;
	_ =	swait.ge [sflag:s0], $0x60  }
0x9d: {  	s16 =	simm.s32 $0x30;
	p2 =	por $0x0, $0x0;
	[sflag:s0] =	ssyncset.done $0x0  }
.LBB2_2:
0x9e: {  	s23 =	simm.s32 @!p2 $0x2;
	[sflag:s0] =	ssyncadd.s32 $0xFFFFFFA0  }
0x9f: {  	[spmem:s3] =	stream.indirect.scatter.add.f32 [tilespmem:s10], [sflag:$0x2], $0x80, s13, s30, $0xb8;
	[tilespmem:$0x1FCC0] =	vst v63  }
0xa0: {  	_ =	swait.ge @!p2 [sflag:s23], $0x3000  }
0xa1: {  	[sflag:s23] =	ssyncset.done @!p2 $0x0  }
0xa2: {  	[sflag:s23] =	ssyncadd.s32 @!p2 $0xFFFFD000  }
0xa3: {  	_ =	swait.ge [sflag:s29], $0x60  }
0xa4: {  	[sflag:s29] =	ssyncset.done $0x0  }
0xa5: {  	s20 =	rddreg [dreg:$0x9];
	[sflag:s29] =	ssyncadd.s32 $0xFFFFFFA0  }
0xa6: {  	[tilespmem:s7], [sflag:$0x1] =	stream.indirect.gather [hbm4b:s5+s30], $0x80, s24, s30, $0xb8;
	[tilespmem:$0x1FCC0] =	vst v63  }
0xa7: {  	s20 =	sadd.s32 s16, s20  }
0xa8: {  	[tilespmem:s8], [sflag:$0x4] =	stream.linear.gather [hbm4b:s20+s4], $0x60, $0x38;
	[tilespmem:$0x1FCC0] =	vst v63  }
0xa9: {  	p6 =	seq.s32 s16, $0x4E0;
	_ =	swait.ge [sflag:s28], $0x3000  }
0xaa: {  	s21 =	sshrl.u32 @!p6 s17, $0x3;
	[sflag:s28] =	ssyncset.done $0x0  }
0xab: {  	s12 =	sadd.s32 @!p6 s1, s21;
	s20 =	simm.s32 @!p6 $0x0;
	[sflag:s28] =	ssyncadd.s32 $0xFFFFD000  }
0xac: {  	[tilespmem:s20], [sflag:$0x3] =	stream.linear.gather @!p6 [hbm4b:s12+s20], $0x60, $0x38;
	[tilespmem:$0x1FCC0] =	vst v63  }
0xad: {  	_ =	swait.ge [sflag:s0], $0x60  }
0xae: {  	[sflag:s0] =	ssyncset.done $0x0  }
0xaf: {  	[sflag:s0] =	ssyncadd.s32 $0xFFFFFFA0  }
0xb0: {  	[spmem:s3] =	stream.indirect.scatter.add.f32 [tilespmem:s31], [sflag:$0x2], $0x80, s26, s30, $0xb8;
	[tilespmem:$0x1FCC0] =	vst v63  }
0xb1: {  	_ =	swait.ge @!p2 [sflag:s23], $0x3000  }
0xb2: {  	[sflag:s23] =	ssyncset.done @!p2 $0x0  }
0xb3: {  	[sflag:s23] =	ssyncadd.s32 @!p2 $0xFFFFD000  }
0xb4: {  	_ =	swait.ge [sflag:s29], $0x60  }
0xb5: {  	[sflag:s29] =	ssyncset.done $0x0  }
0xb6: {  	s23 =	rddreg [dreg:$0x8];
	[sflag:s29] =	ssyncadd.s32 $0xFFFFFFA0  }
0xb7: {  	[tilespmem:s10], [sflag:$0x1] =	stream.indirect.gather [hbm4b:s5+s30], $0x80, s25, s30, $0xb8;
	[tilespmem:$0x1FCC0] =	vst v63  }
0xb8: {  	s12 =	sadd.s32 s16, s23  }
0xb9: {  	[tilespmem:s13], [sflag:$0x4] =	stream.linear.gather [hbm4b:s12+s4], $0x60, $0x38;
	[tilespmem:$0x1FCC0] =	vst v63  }
0xba: {  	_ =	swait.ge [sflag:s28], $0x3000  }
0xbb: {  	[sflag:s28] =	ssyncset.done $0x0  }
0xbc: {  	s12 =	simm.s32 @p6 $0x4;
	[sflag:s28] =	ssyncadd.s32 $0xFFFFD000  }
0xbd: {  	_ =	swait.ge @p6 [sflag:s12], $0x60  }
0xbe: {  	s9 =	simm.s32 @p6 $0x2;
	s2 =	simm.s32 @p6 $0x280;
	[sflag:s12] =	ssyncset.done @p6 $0x0  }
0xbf: {  	s23 =	simm.s32 @p6 $0x3400;
	[sflag:s12] =	ssyncadd.s32 @p6 $0xFFFFFFA0;
	s12 =	simm.s32 @p6 $0x60  }
0xc0: {  	[spmem:s3] =	stream.indirect.scatter.add.f32 @p6 [tilespmem:s23], [sflag:$0x2], $0x80, s2, s12, $0xb8;
	[tilespmem:$0x1FCC0] =	vst v63  }
0xc1: {  	_ =	swait.ge @p6 [sflag:s9], $0x3000  }
0xc2: {  	[sflag:s9] =	ssyncset.done @p6 $0x0  }
0xc3: {  	s2 =	simm.s32 @p6 $0x1;
	[sflag:s9] =	ssyncadd.s32 @p6 $0xFFFFD000  }
0xc4: {  	_ =	swait.ge @p6 [sflag:s2], $0x3000  }
0xc5: {  	s12 =	simm.s32 @!p6 $0x4;
	s9 =	rddreg [dreg:$0x5];
	[sflag:s2] =	ssyncset.done @p6 $0x0  }
0xc6: {  	[sflag:s2] =	ssyncadd.s32 @p6 $0xFFFFD000;
	s2 =	sadd.s32 @!p6 s16, s9;
	s9 =	simm.s32 @!p6 $0x80  }
0xc7: {  	[tilespmem:s9], [sflag:$0x3] =	stream.linear.gather @!p6 [hbm4b:s2+s20], $0x60, $0x38;
	[tilespmem:$0x1FCC0] =	vst v63  }
0xc8: {  	_ =	swait.ge @!p6 [sflag:s12], $0x60  }
0xc9: {  	s23 =	simm.s32 @!p6 $0x280;
	s2 =	simm.s32 @!p6 $0x3400;
	[sflag:s12] =	ssyncset.done @!p6 $0x0  }
0xca: {  	s9 =	simm.s32 @!p6 $0x2;
	[sflag:s12] =	ssyncadd.s32 @!p6 $0xFFFFFFA0;
	s12 =	simm.s32 @!p6 $0x60  }
0xcb: {  	[spmem:s3] =	stream.indirect.scatter.add.f32 @!p6 [tilespmem:s2], [sflag:$0x2], $0x80, s23, s12, $0xb8;
	[tilespmem:$0x1FCC0] =	vst v63  }
0xcc: {  	_ =	swait.ge @!p6 [sflag:s9], $0x3000  }
0xcd: {  	[sflag:s9] =	ssyncset.done @!p6 $0x0  }
0xce: {  	s2 =	simm.s32 @!p6 $0x3;
	[sflag:s9] =	ssyncadd.s32 @!p6 $0xFFFFD000  }
0xcf: {  	_ =	swait.ge @!p6 [sflag:s2], $0x60  }
0xd0: {  	[sflag:s2] =	ssyncset.done @!p6 $0x0  }
0xd1: {  	[sflag:s2] =	ssyncadd.s32 @!p6 $0xFFFFFFA0;
	s2 =	simm.s32 @!p6 $0x400  }
0xd2: {  	[tilespmem:s2], [sflag:$0x1] =	stream.indirect.gather @!p6 [hbm4b:s5+s12], $0x80, s20, s12, $0xb8;
	[tilespmem:$0x1FCC0] =	vst v63  }
0xd3: {  	s21 =	sadd.s32 @!p6 s6, s21;
	s9 =	simm.s32 @!p6 $0x1;
	s2 =	simm.s32 @!p6 $0x200  }
0xd4: {  	[tilespmem:s2], [sflag:$0x4] =	stream.linear.gather @!p6 [hbm4b:s21+s20], $0x60, $0x38;
	[tilespmem:$0x1FCC0] =	vst v63  }
0xd5: {  	_ =	swait.ge @!p6 [sflag:s9], $0x3000  }
0xd6: {  	s2 =	rddreg [dreg:$0x7];
	[sflag:s9] =	ssyncset.done @!p6 $0x0  }
0xd7: {  	[sflag:s9] =	ssyncadd.s32 @!p6 $0xFFFFD000;
	s2 =	sadd.s32 @!p6 s16, s2;
	s9 =	simm.s32 @!p6 $0x100  }
0xd8: {  	[tilespmem:s9], [sflag:$0x3] =	stream.linear.gather @!p6 [hbm4b:s2+s20], $0x60, $0x38;
	[tilespmem:$0x1FCC0] =	vst v63  }
0xd9: {  	_ =	swait.ge [sflag:s0], $0x60  }
0xda: {  	[sflag:s0] =	ssyncset.done $0x0  }
0xdb: {  	[sflag:s0] =	ssyncadd.s32 $0xFFFFFFA0  }
0xdc: {  	[spmem:s3] =	stream.indirect.scatter.add.f32 [tilespmem:s7], [sflag:$0x2], $0x80, s8, s30, $0xb8;
	[tilespmem:$0x1FCC0] =	vst v63  }
0xdd: {  	_ =	swait.ge [sflag:s14], $0x3000  }
0xde: {  	p2 =	sne.s32 s16, $0x4E0;
	[sflag:s14] =	ssyncset.done $0x0  }
0xdf: {  	s19 =	smov.u32 s18;
	s2 =	simm.s32 @p2 $0x3;
	[sflag:s14] =	ssyncadd.s32 $0xFFFFD000  }
0xe0: {  	s18 =	sadd.s32 $0x30, s18;
	s12 =	simm.s32 @p2 $0x3400;
	_ =	swait.ge @p2 [sflag:s2], $0x60  }
0xe1: {  	s21 =	simm.s32 @p2 $0x80;
	s9 =	simm.s32 @p2 $0x1;
	[sflag:s2] =	ssyncset.done @p2 $0x0  }
0xe2: {  	s20 =	rddreg [dreg:$0x4];
	[sflag:s2] =	ssyncadd.s32 @p2 $0xFFFFFFA0;
	s2 =	simm.s32 @p2 $0x60  }
0xe3: {  	[tilespmem:s12], [sflag:$0x1] =	stream.indirect.gather @p2 [hbm4b:s5+s2], $0x80, s21, s2, $0xb8;
	[tilespmem:$0x1FCC0] =	vst v63  }
0xe4: {  	s2 =	sadd.s32 @p2 s16, s20;
	s12 =	simm.s32 @p2 $0x0;
	s20 =	simm.s32 @p2 $0x280  }
0xe5: {  	[tilespmem:s20], [sflag:$0x4] =	stream.linear.gather @p2 [hbm4b:s2+s12], $0x60, $0x38;
	[tilespmem:$0x1FCC0] =	vst v63  }
0xe6: {  	p5 =	sne.s32 s18, $0x510;
	_ =	swait.ge @p2 [sflag:s9], $0x3000  }
0xe7: {  	s20 =	simm.s32 @!p2 $0x1;
	s2 =	rddreg [dreg:$0x6];
	[sflag:s9] =	ssyncset.done @p2 $0x0  }
0xe8: {  	[sflag:s9] =	ssyncadd.s32 @p2 $0xFFFFD000;
	s2 =	sadd.s32 @p2 s16, s2;
	s9 =	simm.s32 @p2 $0x180  }
0xe9: {  	[tilespmem:s9], [sflag:$0x3] =	stream.linear.gather @p2 [hbm4b:s2+s12], $0x60, $0x38;
	[tilespmem:$0x1FCC0] =	vst v63  }
.Ltmp2:
0xea: {  	_ =	swait.ge @!p2 [sflag:s20], $0x3000;
	(pc) =	sbr.rel @p5 .LBB2_2-.Ltmp2, $4  }
0xeb: {  	[sflag:s20] =	ssyncset.done @!p2 $0x0  }
0xec: {  	[sflag:s20] =	ssyncadd.s32 @!p2 $0xFFFFD000  }
0xed: {  	s16 =	smov.u32 s19;
	_ =	swait.ge [sflag:s0], $0x60  }
0xee: {  	s17 =	sadd.s32 $0x180, s17;
	p2 =	seq.s32 s16, $0x0;
	[sflag:s0] =	ssyncset.done $0x0  }
0xef: {  	s2 =	simm.s32 @!p2 $0x2;
	[sflag:s0] =	ssyncadd.s32 $0xFFFFFFA0  }
0xf0: {  	[spmem:s3] =	stream.indirect.scatter.add.f32 [tilespmem:s10], [sflag:$0x2], $0x80, s13, s30, $0xb8;
	[tilespmem:$0x1FCC0] =	vst v63  }
0xf1: {  	_ =	swait.ge @!p2 [sflag:s2], $0x3000  }
0xf2: {  	[sflag:s2] =	ssyncset.done @!p2 $0x0  }
0xf3: {  	[sflag:s2] =	ssyncadd.s32 @!p2 $0xFFFFD000  }
0xf4: {  	_ =	swait.ge [sflag:s29], $0x60  }
0xf5: {  	[sflag:s29] =	ssyncset.done $0x0  }
0xf6: {  	s9 =	rddreg [dreg:$0x9];
	[sflag:s29] =	ssyncadd.s32 $0xFFFFFFA0  }
0xf7: {  	[tilespmem:s7], [sflag:$0x1] =	stream.indirect.gather [hbm4b:s5+s30], $0x80, s24, s30, $0xb8;
	[tilespmem:$0x1FCC0] =	vst v63  }
0xf8: {  	s9 =	sadd.s32 s16, s9  }
0xf9: {  	[tilespmem:s8], [sflag:$0x4] =	stream.linear.gather [hbm4b:s9+s4], $0x60, $0x38;
	[tilespmem:$0x1FCC0] =	vst v63  }
0xfa: {  	p5 =	seq.s32 s16, $0x4E0;
	_ =	swait.ge [sflag:s28], $0x3000  }
0xfb: {  	s9 =	sshrl.u32 @!p5 s17, $0x3;
	[sflag:s28] =	ssyncset.done $0x0  }
0xfc: {  	s17 =	simm.s32 @!p5 $0x0;
	s12 =	sadd.s32 @!p5 s1, s9;
	[sflag:s28] =	ssyncadd.s32 $0xFFFFD000  }
0xfd: {  	[tilespmem:s17], [sflag:$0x3] =	stream.linear.gather @!p5 [hbm4b:s12+s17], $0x60, $0x38;
	[tilespmem:$0x1FCC0] =	vst v63  }
0xfe: {  	_ =	swait.ge [sflag:s0], $0x60  }
0xff: {  	[sflag:s0] =	ssyncset.done $0x0  }
0x100: {  	[sflag:s0] =	ssyncadd.s32 $0xFFFFFFA0  }
0x101: {  	[spmem:s3] =	stream.indirect.scatter.add.f32 [tilespmem:s31], [sflag:$0x2], $0x80, s26, s30, $0xb8;
	[tilespmem:$0x1FCC0] =	vst v63  }
0x102: {  	_ =	swait.ge @!p2 [sflag:s2], $0x3000  }
0x103: {  	[sflag:s2] =	ssyncset.done @!p2 $0x0  }
0x104: {  	[sflag:s2] =	ssyncadd.s32 @!p2 $0xFFFFD000  }
0x105: {  	_ =	swait.ge [sflag:s29], $0x60  }
0x106: {  	[sflag:s29] =	ssyncset.done $0x0  }
0x107: {  	s23 =	rddreg [dreg:$0x8];
	[sflag:s29] =	ssyncadd.s32 $0xFFFFFFA0  }
0x108: {  	[tilespmem:s10], [sflag:$0x1] =	stream.indirect.gather [hbm4b:s5+s30], $0x80, s25, s30, $0xb8;
	[tilespmem:$0x1FCC0] =	vst v63  }
0x109: {  	s2 =	sadd.s32 s16, s23  }
0x10a: {  	[tilespmem:s13], [sflag:$0x4] =	stream.linear.gather [hbm4b:s2+s4], $0x60, $0x38;
	[tilespmem:$0x1FCC0] =	vst v63  }
0x10b: {  	_ =	swait.ge [sflag:s28], $0x3000  }
0x10c: {  	[sflag:s28] =	ssyncset.done $0x0  }
0x10d: {  	s2 =	simm.s32 @p5 $0x4;
	[sflag:s28] =	ssyncadd.s32 $0xFFFFD000  }
0x10e: {  	_ =	swait.ge @p5 [sflag:s2], $0x60  }
0x10f: {  	s18 =	simm.s32 @p5 $0x280;
	[sflag:s2] =	ssyncset.done @p5 $0x0  }
0x110: {  	s12 =	simm.s32 @p5 $0x3400;
	[sflag:s2] =	ssyncadd.s32 @p5 $0xFFFFFFA0;
	s2 =	simm.s32 @p5 $0x60  }
0x111: {  	[spmem:s3] =	stream.indirect.scatter.add.f32 @p5 [tilespmem:s12], [sflag:$0x2], $0x80, s18, s2, $0xb8;
	[tilespmem:$0x1FCC0] =	vst v63  }
0x112: {  	s2 =	simm.s32 @p5 $0x2  }
0x113: {  	_ =	swait.ge @p5 [sflag:s2], $0x3000  }
0x114: {  	[sflag:s2] =	ssyncset.done @p5 $0x0  }
0x115: {  	[sflag:s2] =	ssyncadd.s32 @p5 $0xFFFFD000;
	s2 =	simm.s32 @p5 $0x1  }
0x116: {  	_ =	swait.ge @p5 [sflag:s2], $0x3000  }
0x117: {  	s18 =	simm.s32 @!p5 $0x4;
	s12 =	rddreg [dreg:$0x5];
	[sflag:s2] =	ssyncset.done @p5 $0x0  }
0x118: {  	[sflag:s2] =	ssyncadd.s32 @p5 $0xFFFFD000;
	s2 =	sadd.s32 @!p5 s16, s12;
	s12 =	simm.s32 @!p5 $0x80  }
0x119: {  	[tilespmem:s12], [sflag:$0x3] =	stream.linear.gather @!p5 [hbm4b:s2+s17], $0x60, $0x38;
	[tilespmem:$0x1FCC0] =	vst v63  }
0x11a: {  	_ =	swait.ge @!p5 [sflag:s18], $0x60  }
0x11b: {  	s2 =	simm.s32 @!p5 $0x3400;
	[sflag:s18] =	ssyncset.done @!p5 $0x0  }
0x11c: {  	s12 =	simm.s32 @!p5 $0x60;
	[sflag:s18] =	ssyncadd.s32 @!p5 $0xFFFFFFA0;
	s18 =	simm.s32 @!p5 $0x280  }
0x11d: {  	[spmem:s3] =	stream.indirect.scatter.add.f32 @!p5 [tilespmem:s2], [sflag:$0x2], $0x80, s18, s12, $0xb8;
	[tilespmem:$0x1FCC0] =	vst v63  }
0x11e: {  	s2 =	simm.s32 @!p5 $0x2  }
0x11f: {  	_ =	swait.ge @!p5 [sflag:s2], $0x3000  }
0x120: {  	[sflag:s2] =	ssyncset.done @!p5 $0x0  }
0x121: {  	[sflag:s2] =	ssyncadd.s32 @!p5 $0xFFFFD000;
	s2 =	simm.s32 @!p5 $0x3  }
0x122: {  	_ =	swait.ge @!p5 [sflag:s2], $0x60  }
0x123: {  	[sflag:s2] =	ssyncset.done @!p5 $0x0  }
0x124: {  	[sflag:s2] =	ssyncadd.s32 @!p5 $0xFFFFFFA0;
	s2 =	simm.s32 @!p5 $0x400  }
0x125: {  	[tilespmem:s2], [sflag:$0x1] =	stream.indirect.gather @!p5 [hbm4b:s5+s12], $0x80, s17, s12, $0xb8;
	[tilespmem:$0x1FCC0] =	vst v63  }
0x126: {  	s2 =	sadd.s32 @!p5 s6, s9;
	s9 =	simm.s32 @!p5 $0x200;
	s12 =	simm.s32 @!p5 $0x1  }
0x127: {  	[tilespmem:s9], [sflag:$0x4] =	stream.linear.gather @!p5 [hbm4b:s2+s17], $0x60, $0x38;
	[tilespmem:$0x1FCC0] =	vst v63  }
0x128: {  	_ =	swait.ge @!p5 [sflag:s12], $0x3000  }
0x129: {  	s2 =	rddreg [dreg:$0x7];
	[sflag:s12] =	ssyncset.done @!p5 $0x0  }
0x12a: {  	s9 =	simm.s32 @!p5 $0x100;
	[sflag:s12] =	ssyncadd.s32 @!p5 $0xFFFFD000;
	s2 =	sadd.s32 @!p5 s16, s2  }
0x12b: {  	[tilespmem:s9], [sflag:$0x3] =	stream.linear.gather @!p5 [hbm4b:s2+s17], $0x60, $0x38;
	[tilespmem:$0x1FCC0] =	vst v63  }
0x12c: {  	_ =	swait.ge [sflag:s0], $0x60  }
0x12d: {  	[sflag:s0] =	ssyncset.done $0x0  }
0x12e: {  	[sflag:s0] =	ssyncadd.s32 $0xFFFFFFA0  }
0x12f: {  	[spmem:s3] =	stream.indirect.scatter.add.f32 [tilespmem:s7], [sflag:$0x2], $0x80, s8, s30, $0xb8;
	[tilespmem:$0x1FCC0] =	vst v63  }
0x130: {  	_ =	swait.ge [sflag:s14], $0x3000  }
0x131: {  	p2 =	sne.s32 s16, $0x4E0;
	[sflag:s14] =	ssyncset.done $0x0  }
0x132: {  	s2 =	simm.s32 @p2 $0x3;
	[sflag:s14] =	ssyncadd.s32 $0xFFFFD000  }
0x133: {  	_ =	swait.ge @p2 [sflag:s2], $0x60  }
0x134: {  	s9 =	simm.s32 @p2 $0x3400;
	s17 =	simm.s32 @p2 $0x80;
	[sflag:s2] =	ssyncset.done @p2 $0x0  }
0x135: {  	s12 =	rddreg [dreg:$0x4];
	[sflag:s2] =	ssyncadd.s32 @p2 $0xFFFFFFA0;
	s2 =	simm.s32 @p2 $0x60  }
0x136: {  	[tilespmem:s9], [sflag:$0x1] =	stream.indirect.gather @p2 [hbm4b:s5+s2], $0x80, s17, s2, $0xb8;
	[tilespmem:$0x1FCC0] =	vst v63  }
0x137: {  	s2 =	sadd.s32 @p2 s16, s12;
	s9 =	simm.s32 @p2 $0x0;
	s12 =	simm.s32 @p2 $0x280  }
0x138: {  	[tilespmem:s12], [sflag:$0x4] =	stream.linear.gather @p2 [hbm4b:s2+s9], $0x60, $0x38;
	[tilespmem:$0x1FCC0] =	vst v63  }
0x139: {  	s2 =	simm.s32 @p2 $0x1  }
0x13a: {  	_ =	swait.ge @p2 [sflag:s2], $0x3000  }
0x13b: {  	s12 =	rddreg [dreg:$0x6];
	[sflag:s2] =	ssyncset.done @p2 $0x0  }
0x13c: {  	[sflag:s2] =	ssyncadd.s32 @p2 $0xFFFFD000;
	s2 =	sadd.s32 @p2 s16, s12;
	s12 =	simm.s32 @p2 $0x180  }
0x13d: {  	[tilespmem:s12], [sflag:$0x3] =	stream.linear.gather @p2 [hbm4b:s2+s9], $0x60, $0x38;
	[tilespmem:$0x1FCC0] =	vst v63  }
0x13e: {  	s2 =	simm.s32 @!p2 $0x1  }
0x13f: {  	_ =	swait.ge @!p2 [sflag:s2], $0x3000  }
0x140: {  	[sflag:s2] =	ssyncset.done @!p2 $0x0  }
0x141: {  	[sflag:s2] =	ssyncadd.s32 @!p2 $0xFFFFD000  }
0x142: {  	_ =	swait.ge [sflag:s0], $0x60  }
0x143: {  	[sflag:s0] =	ssyncset.done $0x0  }
0x144: {  	[sflag:s0] =	ssyncadd.s32 $0xFFFFFFA0  }
0x145: {  	[spmem:s3] =	stream.indirect.scatter.add.f32 [tilespmem:s10], [sflag:$0x2], $0x80, s13, s30, $0xb8;
	[tilespmem:$0x1FCC0] =	vst v63  }
0x146: {  	_ =	swait.ge [sflag:s14], $0x3000  }
0x147: {  	[sflag:s14] =	ssyncset.done $0x0  }
0x148: {  	[sflag:s14] =	ssyncadd.s32 $0xFFFFD000  }
0x149: {  	_ =	swait.ge [sflag:s14], $0x3000  }
0x14a: {  	[sflag:s14] =	ssyncset.done $0x0  }
0x14b: {  	s18 =	stileid.u32;
	[sflag:s14] =	ssyncadd.s32 $0xFFFFD000  }
0x14c: {  	s2 =	sshll.u32 @p1 s18, $0x6;
	[bflag:$0x0] =	sbarrier.arrive $0xFFFF  }
0x14d: {  	s9 =	sshrl.u32 @p1 s11, $0x3;
	s2 =	sor.u32 @p1 $0x1C05, s2;
	s12 =	rddreg [dreg:$0x15]  }
0x14e: {  	[hbm:s12], [sflag:s2] =	dma.local @p1 [spmem:s9], $0x2700  }
0x14f: {  	s2 =	simm.s32 @p1 $0x5  }
0x150: {  	_ =	swait.ge @p1 [sflag:s2], $0x2700  }
0x151: {  	s9 =	sshll.u32 @!p4 s18, $0x6;
	[sflag:s2] =	ssyncset.done @p1 $0x0;
	s12 =	rddreg [dreg:$0x16]  }
0x152: {  	[sflag:s2] =	ssyncadd.s32 @p1 $0xFFFFD900;
	s2 =	sor.u32 @!p4 $0x1C05, s9;
	s9 =	sshrl.u32 @!p4 s11, $0x3  }
0x153: {  	[hbm:s12], [sflag:s2] =	dma.local @!p4 [spmem:s9], $0x2700  }
0x154: {  	s2 =	sld [smem:$0x7FD];
	_ =	sdelay $0x2  }
0x155: {  	p2 =	por @!p4 $0x1, $0x1;
	p5 =	seq.s32 s2, $0x1  }
0x156: {  	p5 =	por @!p4 p2, p2  }
0x157: {  	p2 =	por @!p3 !p5, !p0  }
0x158: {  	p2 =	por @!p3 !p2, !p2  }
0x159: {  	p2 =	por p3, p2  }
.Ltmp3:
0x15a: {  	_ = 	snop;
	(pc) =	sbr.rel @!p2 .LBB2_5-.Ltmp3, $4  }
0x15b: {  	s2 =	simm.s32 @!p4 $0x5  }
0x15c: {  	_ =	swait.ge @!p4 [sflag:s2], $0x2700  }
0x15d: {  	[sflag:s2] =	ssyncset.done @!p4 $0x0  }
0x15e: {  	[sflag:s2] =	ssyncadd.s32 @!p4 $0xFFFFD900  }
0x15f: {  	s2 =	rddreg [dreg:$0xb]  }
0x160: {  	s9 =	rddreg [dreg:$0xa]  }
0x161: {  	s21 =	rddreg [dreg:$0xc]  }
0x162: {  	s12 =	simm.s32 $0x1FC5;
	s23 =	simm.s32 $0x5;
	s2 =	smov.u32 @p3 s9  }
.Ltmp4:
0x163: {  	s9 =	sshrl.u32 s21, $0x3;
	s2 =	sadd.s32 $0x24900, s2;
	(pc) =	sbr.rel .LBB2_5-.Ltmp4, $4  }
0x164: {  	[hbm:s2], [sflag:s12] =	dma.local [spmem:s9], $0x2800  }
0x165: {  	_ =	swait.ge [sflag:s23], $0x2800  }
0x166: {  	[sflag:s23] =	ssyncset.done $0x0  }
0x167: {  	[sflag:s23] =	ssyncadd.s32 $0xFFFFD800  }
.LBB2_6:
0x168: {  	_ =	sfence.sel $0x180000  }
0x169: {  	[bflag:$0x0] =	sbarrier.arrive $0xFFFF  }
0x16a: {  	_ =	strace $0x9000004D  }
0x16b: {  	[bflag:$0x2] =	sbarrier.arrive $0xFFFF  }
0x16c: {  	p0 =	sne.s32 s18, $0x0;
	s0 =	rddreg [dreg:$0x3]  }
0x16d: {  	s0 =	sadd.s32 @!p0 $0x100000, s0  }
0x16e: {  	[sflag:s0] =	ssyncadd.tile.s32 @!p0 $0x1;
	_ =	shalt  }
.Lfunc_end2:
_tile_overlayer_lowered:
.L_overlay_start_2:
0x16f: {  	(tag) =	ssettag $0x2  }
0x170: {  	s0 =	rddreg [dreg:$0x0];
	s2 =	stileid.u32  }
0x171: {  	s1 =	rddreg [dreg:$0x1];
	p0 =	sne.s32 s2, $0x0  }
0x172: {  	s3 =	rddreg [dreg:$0x2];
	[bflag:$0x3] =	sbarrier.arrive $0xFFFF;
	s2 =	simm.s32 @!p0 $0x1C05  }
0x173: {  	[timem:s3], [sflag:s2] =	dma.local @!p0 [hbm:s0], s1  }
0x174: {  	s0 =	simm.s32 @!p0 $0x5  }
0x175: {  	_ =	swait.ge @!p0 [sflag:s0], s1  }
0x176: {  	s1 =	ssub.s32 @!p0 $0x0, s1;
	[sflag:s0] =	ssyncset.done @!p0 $0x0  }
0x177: {  	[sflag:s0] =	ssyncadd.s32 @!p0 s1  }
0x178: {  	[bflag:$0x3] =	sbarrier.arrive $0xFFFF  }
0x179: {  	_ =	shalt  }

// kernel: kernel.8.cloned.1.call-start
scs
__scs_entry_jumppad:
0x0: {  	(pc) =	sbr.rel $0x88, $3  }
0x1: {  	(tag) =	ssettag $0x0;
	lr =	simm.s32 $0x1  }
0x2: {  	[smem:$0x3F97] =	sst lr;
	_ =	strace $0xD0000000  }
0x3: {  	_ = 	snop  }
0x4: {  	_ = 	snop  }
0x5: {  	_ = 	snop  }
0x6: {  	_ = 	snop  }
0x7: {  	_ = 	snop  }
__scs_overlays_trampoline_lowered:
0x8: {  	[smem:$0x3FA6] =	sst s0  }
0x9: {  	[smem:$0x3FA7] =	sst s1  }
0xa: {  	[smem:$0x3FA8] =	sst s2  }
0xb: {  	[smem:$0x3FA9] =	sst s3  }
0xc: {  	[smem:$0x3FAA] =	sst s4  }
0xd: {  	[smem:$0x3FAB] =	sst s5  }
0xe: {  	[smem:$0x3FAC] =	sst s6  }
0xf: {  	[smem:$0x3FAD] =	sst s7  }
0x10: {  	[smem:$0x3FAE] =	sst s8  }
0x11: {  	[smem:$0x3FAF] =	sst s9;
	s0 =	simm.s32 @!p0 $0x0  }
0x12: {  	s1 =	sld [smem:$0x3F95];
	s0 =	simm.s32 @p0 $0x1  }
0x13: {  	[smem:$0x3FB0] =	sst s0;
	s0 =	simm.s32 @!p1 $0x0  }
0x14: {  	s2 =	sld [smem:$0x3F94];
	s0 =	simm.s32 @p1 $0x1  }
0x15: {  	[smem:$0x3FB1] =	sst s0;
	s0 =	simm.s32 @!p2 $0x0  }
0x16: {  	s3 =	sld [smem:$0x3FDB];
	s0 =	simm.s32 @p2 $0x1  }
0x17: {  	s4 =	simm.s32 $0x1BF5;
	[smem:$0x3FB3] =	sst s0  }
0x18: {  	s0 =	sld [smem:$0x3F96];
	_ =	swait.ge [sflag:s4], $0x0  }
0x19: {  	s7 =	sld [smem:$0x3F97]  }
0x1a: {  	s8 =	sadd.s32 $0xFFFFE003, lr  }
0x1b: {  	s9 =	sadd.s32 $0xFFFFFEF7, lr;
	s5 =	simm.s32 $0xFFFFFFFF;
	p2 =	slt.u32 s8, $0xFFFFF086  }
0x1c: {  	p1 =	slt.u32 s9, $0xF7A;
	s5 =	simm.s32 @!p2 $0x0  }
0x1d: {  	s5 =	simm.s32 @p1 $0x1;
	p0 =	seq.s32 s7, s2  }
0x1e: {  	s7 =	smul.u32 @!p0 $0xF7A, s2;
	p2 =	seq.s32 @!p0 s5, $0x0  }
0x1f: {  	s9 =	smul.u32 $0xF7A, s1;
	s8 =	simm.s32 @!p0 $0x1BF5;
	p2 =	por !p2, p0  }
0x20: {  	[sflag:s8] =	ssyncset.s32 @!p0 $0xFFFFF086;
	s6 =	sadd.s32 @!p0 s3, s7;
	s7 =	simm.s32 @!p0 $0x108  }
0x21: {  	s3 =	sadd.s32 s3, s9;
	s6 =	sadd.s32 @!p0 $0x88, s6;
	s7 =	simm.s32 @p2 $0x1082  }
0x22: {  	[simem:s7], [sflag:s8] =	dma.local @!p0 [hbm:s6], $0xF7A  }
0x23: {  	s9 =	sor.u32 $0xD0000000, s2;
	s6 =	simm.s32 $0x108;
	_ =	swait.ge @!p0 [sflag:s8], $0x0  }
0x24: {  	s3 =	sadd.s32 $0x88, s3;
	s6 =	simm.s32 @!p1 $0x1082;
	[sflag:s4] =	ssyncset.s32 $0xFFFFF086  }
0x25: {  	[simem:s6], [sflag:s4] =	dma.local [hbm:s3], $0xF7A  }
0x26: {  	[smem:$0x3F97] =	sst s1;
	(tag) =	ssettag s2;
	_ =	strace s9  }
0x27: {  	s1 =	sld [smem:$0x3FA7]  }
0x28: {  	s2 =	sld [smem:$0x3FA8]  }
0x29: {  	s4 =	sld [smem:$0x3FAA]  }
0x2a: {  	p0 =	seq.s32 s5, $0x0;
	s5 =	sld [smem:$0x3FAB]  }
0x2b: {  	s6 =	sld [smem:$0x3FAC]  }
0x2c: {  	s7 =	sld [smem:$0x3FAD]  }
0x2d: {  	s3 =	simm.s32 $0x108;
	s8 =	sld [smem:$0x3FAE]  }
0x2e: {  	s3 =	simm.s32 @!p0 $0x1082;
	s9 =	sld [smem:$0x3FAF]  }
0x2f: {  	lr =	sadd.s32 s0, s3;
	s0 =	sld [smem:$0x3FA6]  }
0x30: {  	s3 =	sld [smem:$0x3FA9]  }
0x31: {  	[smem:$0x3FB2] =	sst s10  }
0x32: {  	s10 =	sld [smem:$0x3FB0];
	_ =	sdelay $0x3  }
0x33: {  	p0 =	seq.s32 s10, $0x1;
	s10 =	sld [smem:$0x3FB2];
	_ =	sdelay $0x3  }
0x34: {  	[smem:$0x3FB2] =	sst s10  }
0x35: {  	s10 =	sld [smem:$0x3FB1];
	_ =	sdelay $0x3  }
0x36: {  	p1 =	seq.s32 s10, $0x1;
	s10 =	sld [smem:$0x3FB2];
	_ =	sdelay $0x3  }
0x37: {  	[smem:$0x3FB2] =	sst s10  }
0x38: {  	s10 =	sld [smem:$0x3FB3]  }
0x39: {  	_ = 	snop;
	(pc) =	sbr.ind lr, $3  }
0x3a: {  	_ = 	snop  }
0x3b: {  	_ = 	snop  }
0x3c: {  	p2 =	seq.s32 s10, $0x1;
	s10 =	sld [smem:$0x3FB2]  }
0x3d: {  	_ =	shalt  }
0x3e: {  	_ =	shalt  }
0x3f: {  	_ =	shalt  }
0x40: {  	_ =	shalt  }
0x41: {  	_ =	shalt  }
0x42: {  	_ =	shalt  }
0x43: {  	_ =	shalt  }
0x44: {  	_ =	shalt  }
0x45: {  	_ =	shalt  }
0x46: {  	_ =	shalt  }
0x47: {  	_ =	shalt  }
0x48: {  	_ =	shalt  }
0x49: {  	_ =	shalt  }
0x4a: {  	_ =	shalt  }
0x4b: {  	_ =	shalt  }
0x4c: {  	_ =	shalt  }
0x4d: {  	_ =	shalt  }
0x4e: {  	_ =	shalt  }
0x4f: {  	_ =	shalt  }
0x50: {  	_ =	shalt  }
0x51: {  	_ =	shalt  }
0x52: {  	_ =	shalt  }
0x53: {  	_ =	shalt  }
0x54: {  	_ =	shalt  }
0x55: {  	_ =	shalt  }
0x56: {  	_ =	shalt  }
0x57: {  	_ =	shalt  }
0x58: {  	_ =	shalt  }
0x59: {  	_ =	shalt  }
0x5a: {  	_ =	shalt  }
0x5b: {  	_ =	shalt  }
0x5c: {  	_ =	shalt  }
0x5d: {  	_ =	shalt  }
0x5e: {  	_ =	shalt  }
0x5f: {  	_ =	shalt  }
0x60: {  	_ =	shalt  }
0x61: {  	_ =	shalt  }
0x62: {  	_ =	shalt  }
0x63: {  	_ =	shalt  }
0x64: {  	_ =	shalt  }
0x65: {  	_ =	shalt  }
0x66: {  	_ =	shalt  }
0x67: {  	_ =	shalt  }
0x68: {  	_ =	shalt  }
0x69: {  	_ =	shalt  }
0x6a: {  	_ =	shalt  }
0x6b: {  	_ =	shalt  }
0x6c: {  	_ =	shalt  }
0x6d: {  	_ =	shalt  }
0x6e: {  	_ =	shalt  }
0x6f: {  	_ =	shalt  }
0x70: {  	_ =	shalt  }
0x71: {  	_ =	shalt  }
0x72: {  	_ =	shalt  }
0x73: {  	_ =	shalt  }
0x74: {  	_ =	shalt  }
0x75: {  	_ =	shalt  }
0x76: {  	_ =	shalt  }
0x77: {  	_ =	shalt  }
0x78: {  	_ =	shalt  }
0x79: {  	_ =	shalt  }
0x7a: {  	_ =	shalt  }
0x7b: {  	_ =	shalt  }
0x7c: {  	_ =	shalt  }
0x7d: {  	_ =	shalt  }
0x7e: {  	_ =	shalt  }
0x7f: {  	_ =	shalt  }
0x80: {  	_ =	shalt  }
0x81: {  	_ =	shalt  }
0x82: {  	_ =	shalt  }
0x83: {  	_ =	shalt  }
0x84: {  	_ =	shalt  }
0x85: {  	_ =	shalt  }
0x86: {  	_ =	shalt  }
0x87: {  	_ =	shalt  }
.Lfunc_end0:
.L_simem_size_0:
called_computation_lowered:
.L_overlay_start_0:
0x88: {  	s2 =	sld [smem:$0x3FD9]  }
0x89: {  	s3 =	sld [smem:$0x3FFE];
	_ =	sdelay $0x1  }
0x8a: {  	s1 =	srdreg.scid  }
0x8b: {  	s0 =	sand.u32 $0x1, s1  }
0x8c: {  	s17 =	sshll.u32 s0, $0xA;
	s2 =	sadd.s32 s3, s2  }
0x8d: {  	s2 =	sadd.s32 s2, s17  }
0x8e: {  	[smem:$0x3FBE] =	sst s2  }
0x8f: {  	_ = 	snop  }
0x90: {  	s2 =	sld [smem:$0x3FC9]  }
0x91: {  	s18 =	sld [smem:$0x3FD0];
	(tm) =	ssettm $0x1  }
0x92: {  	s4 =	sld [smem:$0x3FFB];
	_ =	sdelay $0x3  }
0x93: {  	_ =	strace s4  }
0x94: {  	s4 =	sld [smem:$0x3FFC];
	_ =	sdelay $0x3  }
0x95: {  	_ =	strace s4  }
0x96: {  	s4 =	sld [smem:$0x3FFD];
	_ =	sdelay $0x3  }
0x97: {  	_ =	strace s4  }
0x98: {  	_ =	strace $0x8FFFFFFF  }
0x99: {  	s19 =	sld [smem:$0x3FDB];
	_ =	sdelay $0x1  }
0x9a: {  	s5 =	simm.s32 $_scs_section_size  }
0x9b: {  	s6 =	simm.s32 $_size__tile_overlayer_lowered;
	s7 =	simm.s32 $_tile_overlayer_lowered  }
0x9c: {  	s22 =	simm.s32 $0x1BFF;
	s21 =	sshll.u32 s7, $0x1;
	s4 =	sadd.s32 s5, s19  }
0x9d: {  	s8 =	simm.s32 $0x0;
	s20 =	sshll.u32 s6, $0x1;
	s6 =	sadd.s32 s21, s4  }
0x9e: {  	[timem:s8], [sflag:s22] =	dma.local [hbm:s6], s20  }
0x9f: {  	_ =	swait.ge [sflag:s22], s20  }
0xa0: {  	s5 =	ssub.s32 $0x0, s20;
	[sflag:s22] =	ssyncset.done $0x0  }
0xa1: {  	[sflag:s22] =	ssyncadd.s32 s5;
	_ =	sdelay $0x1  }
0xa2: {  	s23 =	simm.s32 $0x1B8B  }
0xa3: {  	_ =	swait.ge [sflag:s23], $0x1  }
0xa4: {  	[sflag:s23] =	ssyncset.done $0x0  }
0xa5: {  	s25 =	simm.s32 $0x1B8E;
	s24 =	sld [smem:$0x3FFE];
	[sflag:s23] =	ssyncadd.s32 $0xFFFFFFFF  }
0xa6: {  	s26 =	simm.s32 $execute0_lowered;
	[smem:$0x3FD2] =	sst s25  }
0xa7: {  	s6 =	sshll.u32 s26, $0x1;
	_ =	strace $0x80000046;
	[dreg:$0x1] =	wrdreg $0xFFFFFFFF  }
0xa8: {  	s28 =	simm.s32 $_size_execute0_lowered;
	s4 =	sadd.s32 s4, s6;
	[dreg:$0x0] =	wrdreg $0x0  }
0xa9: {  	s6 =	sshll.u32 s28, $0x1;
	[dreg:$0x2] =	wrdreg s4  }
0xaa: {  	[dreg:$0x3] =	wrdreg s6  }
0xab: {  	[dreg:$0x4] =	wrdreg $0xC0  }
0xac: {  	_ =	task [dreg:s8], $0x5FFFF  }
0xad: {  	[dreg:$0x1] =	wrdreg $0xFFFFFFFF  }
0xae: {  	[dreg:$0x0] =	wrdreg $0x60  }
0xaf: {  	[dreg:$0x2] =	wrdreg s2  }
0xb0: {  	[dreg:$0x3] =	wrdreg s18  }
0xb1: {  	[dreg:$0x4] =	wrdreg s24  }
0xb2: {  	[dreg:$0x5] =	wrdreg $0xC4000  }
0xb3: {  	[dreg:$0x6] =	wrdreg $0x9  }
0xb4: {  	_ =	task.clear_ibuf [dreg:s8], $0x7FFFF;
	_ =	strace $0x90000046  }
0xb5: {  	s29 =	simm.s32 $0x9;
	_ =	strace $0x80000048  }
0xb6: {  	_ =	swait.ge [sflag:s29], $0x1  }
0xb7: {  	[sflag:s29] =	ssyncadd.s32 $0xFFFFFFFF  }
0xb8: {  	_ =	strace $0x90000048  }
0xb9: {  	_ =	sfence  }
0xba: {  	s30 =	sld [smem:$0x0];
	_ =	sdelay $0x2  }
0xbb: {  	s31 =	sshll.u32 s1, $0xD;
	s1 =	sshrl.u32 s1, $0x2  }
0xbc: {  	s3 =	sand.u32 $0x4000, s31;
	s1 =	sadd.s32 s1, s30  }
0xbd: {  	s0 =	sor.u32 s3, s0;
	s1 =	sshll.u32 s1, $0x11  }
0xbe: {  	s0 =	sor.u32 s1, s0  }
0xbf: {  	s0 =	sadd.s32 $0x8F2B, s0  }
0xc0: {  	[sflag:s0] =	ssyncadd.remote.s32 $0x1  }
0xc1: {  	_ =	sfence.sel $0xFFFF  }
0xc2: {  	[dreg:$0x0] =	wrdreg $0xFFFFFFFF;
	(pc) =	sbr.abs _section_cstart, $3  }
0xc3: {  	[dreg:$0x1] =	wrdreg $0xFFFFFFFF  }
0xc4: {  	_ =	task.clear_ibuf [dreg:s8], $0x2FFFF;
	_ =	strace $0x9FFFFFFF  }
0xc5: {  	(tm) =	ssettm $0x7FFFFFFF  }
tec
execute0_lowered:
.L_overlay_start_1:
0x0: {  	(tag) =	ssettag $0x1  }
0x1: {  	s1 =	rddreg [dreg:$0x0]  }
0x2: {  	s2 =	rddreg [dreg:$0x1]  }
0x3: {  	s0 =	rddreg [dreg:$0x2]  }
0x4: {  	s4 =	rddreg [dreg:$0x3];
	s5 =	simm.s32 $0x0  }
0x5: {  	s18 =	stileid.u32;
	s6 =	srdreg.scid;
	s29 =	simm.s32 $0x3  }
0x6: {  	s30 =	simm.s32 $0x60;
	s31 =	simm.s32 $0x400;
	s28 =	simm.s32 $0x1  }
0x7: {  	[smem:$0x7FF] =	sst s5;
	s7 =	smul.u32 $0x2700, s18;
	s8 =	sand.u32 $0x1, s6  }
0x8: {  	s6 =	sadd.s32 $0x3C00, s0;
	s3 =	sadd.s32 $0x35000, s0;
	s25 =	smul.u32 $0x4E000, s18  }
0x9: {  	p0 =	seq.s32 s18, $0xF;
	p2 =	sne.s32 s18, $0xF;
	s26 =	sadd.s32 $0x124800, s4  }
0xa: {  	s24 =	smul.u32 $0x2880, s18;
	_ =	strace $0x80000047;
	s9 =	sshll.u32 s8, $0x4  }
0xb: {  	s11 =	ssub.s32 $0x2, s8;
	[dreg:$0xd] =	wrdreg s26;
	p3 =	seq.s32 s8, $0x0  }
0xc: {  	s22 =	smul.u32 $0x28800, s8;
	[dreg:$0xb] =	wrdreg s3;
	p4 =	seq.s32 s8, $0x1  }
0xd: {  	s10 =	sadd.s32 s7, s0;
	s9 =	sor.u32 s18, s9;
	s12 =	sshrl.u32 s11, $0x1  }
0xe: {  	s15 =	sshrl.u32 s25, $0x2;
	p1 =	por !p3, !p2;
	s25 =	sadd.s32 s3, s7  }
0xf: {  	p3 =	por !p3, !p0;
	s3 =	simm.s32 @!p4 $0x0;
	p2 =	por !p2, !p4  }
0x10: {  	s13 =	smul.u32 $0x2880, s9;
	s9 =	sadd.s32 $0x5C200, s0;
	s14 =	ssub.s32 s11, s12  }
0x11: {  	s0 =	sadd.s32 $0x32700, s0;
	s11 =	sadd.s32 s15, s4;
	[dreg:$0x16] =	wrdreg s25  }
0x12: {  	s10 =	sadd.s32 $0xDE00, s10;
	p1 =	por !p1, !p1;
	[dreg:$0xe] =	wrdreg s0  }
0x13: {  	s26 =	sadd.s32 s24, s22;
	s3 =	simm.s32 @p4 $0x1;
	[dreg:$0x10] =	wrdreg s10  }
0x14: {  	p3 =	por !p3, !p3;
	p2 =	por !p2, !p2;
	[smem:$0x7FD] =	sst s3  }
0x15: {  	s12 =	sadd.s32 $0x1E0, s26;
	[dreg:$0xc] =	wrdreg s9;
	s13 =	sshrl.u32 s13, $0x3  }
0x16: {  	s10 =	sadd.s32 $0x2A0, s26;
	s22 =	sadd.s32 $0x120, s26;
	s16 =	sadd.s32 s2, s13  }
0x17: {  	s15 =	sshrl.u32 s12, $0x3;
	s23 =	sadd.s32 s6, s13;
	[dreg:$0xf] =	wrdreg s16  }
0x18: {  	s17 =	sor.u32 $0xC, s13;
	s13 =	sadd.s32 s9, s7;
	[dreg:$0x14] =	wrdreg s23  }
0x19: {  	p4 =	por !p2, p3;
	s8 =	sadd.s32 s15, s6;
	[dreg:$0x17] =	wrdreg s13  }
0x1a: {  	s7 =	sadd.s32 s15, s2;
	s15 =	simm.s32 $0x0;
	[dreg:$0x5] =	wrdreg s8  }
0x1b: {  	s19 =	sadd.s32 s2, s17;
	s20 =	sadd.s32 $0x18, s16;
	[dreg:$0x6] =	wrdreg s7  }
0x1c: {  	s21 =	sadd.s32 $0x24, s16;
	s0 =	sadd.s32 s6, s17;
	[dreg:$0x11] =	wrdreg s19  }
0x1d: {  	s16 =	smax.u32 s14, $0x1;
	s17 =	sshrl.u32 s10, $0x3;
	[dreg:$0x12] =	wrdreg s20  }
0x1e: {  	s8 =	sshrl.u32 s22, $0x3;
	s23 =	sadd.s32 $0xC0, s26;
	[dreg:$0x13] =	wrdreg s21  }
0x1f: {  	s22 =	sadd.s32 $0x180, s26;
	s10 =	simm.s32 $0x9400;
	[dreg:$0x15] =	wrdreg s0  }
0x20: {  	s13 =	simm.s32 $0x380;
	s14 =	simm.s32 $0x2;
	[dreg:$0x18] =	wrdreg s16  }
0x21: {  	s19 =	sadd.s32 s17, s2;
	s20 =	sadd.s32 $0x240, s26;
	s24 =	sadd.s32 s8, s6  }
.Ltmp0:
0x22: {  	s25 =	sshrl.u32 s23, $0x3;
	s8 =	simm.s32 $0x300;
	(pc) =	sbr.rel .LBB2_1-.Ltmp0, $4  }
0x23: {  	s0 =	simm.s32 $0x4;
	[dreg:$0x7] =	wrdreg s19;
	s21 =	sshrl.u32 s20, $0x3  }
0x24: {  	[dreg:$0x9] =	wrdreg s24;
	s26 =	sadd.s32 s25, s6;
	s24 =	simm.s32 $0x100  }
0x25: {  	s25 =	simm.s32 $0x180;
	s7 =	sadd.s32 s21, s2;
	[dreg:$0xa] =	wrdreg s26  }
0x26: {  	s26 =	simm.s32 $0x200;
	[dreg:$0x8] =	wrdreg s7;
	s7 =	simm.s32 $0x6400  }
.LBB2_5:
0x27: {  	s15 =	sadd.s32 $0x1, s15;
	s3 =	rddreg [dreg:$0x18]  }
0x28: {  	p2 =	sne.s32 s15, s3  }
.Ltmp1:
0x29: {  	_ = 	snop;
	(pc) =	sbr.rel @!p2 .LBB2_6-.Ltmp1, $1  }
0x2a: {  	_ =	sdelay $0x3  }
.LBB2_1:
0x2b: {  	s3 =	rddreg [dreg:$0xd]  }
0x2c: {  	s17 =	simm.s32 @p0 $0x1FC2;
	s16 =	sshrl.u32 @p0 s3, $0x3;
	s3 =	rddreg [dreg:$0xe]  }
0x2d: {  	[spmem:s16], [sflag:s17] =	dma.local @p0 [hbm:s3], $0x2800  }
0x2e: {  	s16 =	sshll.u32 @!p0 s18, $0x6  }
0x2f: {  	s17 =	sshrl.u32 @!p0 s11, $0x3;
	s16 =	sor.u32 @!p0 $0x1C02, s16;
	s3 =	rddreg [dreg:$0x10]  }
0x30: {  	[spmem:s17], [sflag:s16] =	dma.local @!p0 [hbm:s3], $0x2700  }
0x31: {  	s3 =	rddreg [dreg:$0xf]  }
0x32: {  	[tilespmem:s5], [sflag:$0x3] =	stream.linear.gather [hbm4b:s3+s5], $0x60, $0x38;
	[tilespmem:$0x1FCC0] =	vst v63  }
0x33: {  	s9 =	simm.s32 $0x80;
	s12 =	rddreg [dreg:$0x11]  }
0x34: {  	[tilespmem:s9], [sflag:$0x3] =	stream.linear.gather [hbm4b:s12+s5], $0x60, $0x38;
	[tilespmem:$0x1FCC0] =	vst v63  }
0x35: {  	s16 =	rddreg [dreg:$0x12]  }
0x36: {  	[tilespmem:s24], [sflag:$0x3] =	stream.linear.gather [hbm4b:s16+s5], $0x60, $0x38;
	[tilespmem:$0x1FCC0] =	vst v63  }
0x37: {  	s17 =	rddreg [dreg:$0x13]  }
0x38: {  	[tilespmem:s25], [sflag:$0x3] =	stream.linear.gather [hbm4b:s17+s5], $0x60, $0x38;
	[tilespmem:$0x1FCC0] =	vst v63  }
0x39: {  	s18 =	rddreg [dreg:$0x14]  }
0x3a: {  	[tilespmem:s26], [sflag:$0x4] =	stream.linear.gather [hbm4b:s18+s5], $0x60, $0x38;
	[tilespmem:$0x1FCC0] =	vst v63  }
0x3b: {  	s19 =	rddreg [dreg:$0x15];
	s12 =	simm.s32 $0x280  }
0x3c: {  	[tilespmem:s12], [sflag:$0x4] =	stream.linear.gather [hbm4b:s19+s5], $0x60, $0x38;
	[tilespmem:$0x1FCC0] =	vst v63  }
0x3d: {  	_ =	swait.ge [sflag:s29], $0x60  }
0x3e: {  	[sflag:s29] =	ssyncset.done $0x0  }
0x3f: {  	[sflag:s29] =	ssyncadd.s32 $0xFFFFFFA0  }
0x40: {  	[tilespmem:s31], [sflag:$0x1] =	stream.indirect.gather [hbm4b:s1+s30], $0x80, s5, s30, $0xb8;
	[tilespmem:$0x1FCC0] =	vst v63  }
0x41: {  	_ =	swait.ge [sflag:s29], $0x60  }
0x42: {  	[sflag:s29] =	ssyncset.done $0x0  }
0x43: {  	s20 =	simm.s32 $0x3400;
	s16 =	simm.s32 @p0 $0x2;
	[sflag:s29] =	ssyncadd.s32 $0xFFFFFFA0  }
0x44: {  	[tilespmem:s20], [sflag:$0x1] =	stream.indirect.gather [hbm4b:s1+s30], $0x80, s9, s30, $0xb8;
	[tilespmem:$0x1FCC0] =	vst v63  }
0x45: {  	_ =	swait.ge @p0 [sflag:s16], $0x2800  }
0x46: {  	[sflag:s16] =	ssyncset.done @p0 $0x0  }
0x47: {  	[sflag:s16] =	ssyncadd.s32 @p0 $0xFFFFD800;
	s16 =	simm.s32 @!p0 $0x2  }
0x48: {  	_ =	swait.ge @!p0 [sflag:s16], $0x2700  }
0x49: {  	[sflag:s16] =	ssyncset.done @!p0 $0x0  }
0x4a: {  	p5 =	por $0x1, $0x1;
	[sflag:s16] =	ssyncadd.s32 @!p0 $0xFFFFD900  }
0x4b: {  	s17 =	simm.s32 @!p5 $0x2;
	[bflag:$0x0] =	sbarrier.arrive $0xFFFF  }
0x4c: {  	_ =	swait.ge @!p5 [sflag:s17], $0x3000  }
0x4d: {  	[sflag:s17] =	ssyncset.done @!p5 $0x0  }
0x4e: {  	[sflag:s17] =	ssyncadd.s32 @!p5 $0xFFFFD000  }
0x4f: {  	_ =	swait.ge [sflag:s29], $0x60  }
0x50: {  	[sflag:s29] =	ssyncset.done $0x0  }
0x51: {  	s21 =	rddreg [dreg:$0xa];
	[sflag:s29] =	ssyncadd.s32 $0xFFFFFFA0  }
0x52: {  	[tilespmem:s7], [sflag:$0x1] =	stream.indirect.gather [hbm4b:s1+s30], $0x80, s24, s30, $0xb8;
	[tilespmem:$0x1FCC0] =	vst v63  }
0x53: {  	s16 =	sadd.s32 $0x0, s21  }
0x54: {  	[tilespmem:s8], [sflag:$0x4] =	stream.linear.gather [hbm4b:s16+s5], $0x60, $0x38;
	[tilespmem:$0x1FCC0] =	vst v63  }
0x55: {  	p2 =	por $0x0, $0x0;
	_ =	swait.ge [sflag:s28], $0x3000  }
0x56: {  	s18 =	sshrl.u32 @!p2 s22, $0x3;
	[sflag:s28] =	ssyncset.done $0x0  }
0x57: {  	s19 =	sadd.s32 @!p2 s2, s18;
	s16 =	simm.s32 @!p2 $0x0;
	[sflag:s28] =	ssyncadd.s32 $0xFFFFD000  }
0x58: {  	[tilespmem:s16], [sflag:$0x3] =	stream.linear.gather @!p2 [hbm4b:s19+s16], $0x60, $0x38;
	[tilespmem:$0x1FCC0] =	vst v63  }
0x59: {  	_ =	swait.ge [sflag:s0], $0x60  }
0x5a: {  	[sflag:s0] =	ssyncset.done $0x0  }
0x5b: {  	[sflag:s0] =	ssyncadd.s32 $0xFFFFFFA0  }
0x5c: {  	[spmem:s4] =	stream.indirect.scatter.add.f32 [tilespmem:s31], [sflag:$0x2], $0x80, s26, s30, $0xb8;
	[tilespmem:$0x1FCC0] =	vst v63  }
0x5d: {  	_ =	swait.ge @!p5 [sflag:s17], $0x3000  }
0x5e: {  	[sflag:s17] =	ssyncset.done @!p5 $0x0  }
0x5f: {  	[sflag:s17] =	ssyncadd.s32 @!p5 $0xFFFFD000  }
0x60: {  	_ =	swait.ge [sflag:s29], $0x60  }
0x61: {  	[sflag:s29] =	ssyncset.done $0x0  }
0x62: {  	s23 =	rddreg [dreg:$0x9];
	[sflag:s29] =	ssyncadd.s32 $0xFFFFFFA0  }
0x63: {  	[tilespmem:s10], [sflag:$0x1] =	stream.indirect.gather [hbm4b:s1+s30], $0x80, s25, s30, $0xb8;
	[tilespmem:$0x1FCC0] =	vst v63  }
0x64: {  	s17 =	sadd.s32 $0x0, s23  }
0x65: {  	[tilespmem:s13], [sflag:$0x4] =	stream.linear.gather [hbm4b:s17+s5], $0x60, $0x38;
	[tilespmem:$0x1FCC0] =	vst v63  }
0x66: {  	_ =	swait.ge [sflag:s28], $0x3000  }
0x67: {  	[sflag:s28] =	ssyncset.done $0x0  }
0x68: {  	s17 =	simm.s32 @p2 $0x4;
	[sflag:s28] =	ssyncadd.s32 $0xFFFFD000  }
0x69: {  	_ =	swait.ge @p2 [sflag:s17], $0x60  }
0x6a: {  	s20 =	simm.s32 @p2 $0x280;
	[sflag:s17] =	ssyncset.done @p2 $0x0  }
0x6b: {  	s19 =	simm.s32 @p2 $0x3400;
	[sflag:s17] =	ssyncadd.s32 @p2 $0xFFFFFFA0;
	s17 =	simm.s32 @p2 $0x60  }
0x6c: {  	[spmem:s4] =	stream.indirect.scatter.add.f32 @p2 [tilespmem:s19], [sflag:$0x2], $0x80, s20, s17, $0xb8;
	[tilespmem:$0x1FCC0] =	vst v63  }
0x6d: {  	s17 =	simm.s32 @p2 $0x2  }
0x6e: {  	_ =	swait.ge @p2 [sflag:s17], $0x3000  }
0x6f: {  	[sflag:s17] =	ssyncset.done @p2 $0x0  }
0x70: {  	[sflag:s17] =	ssyncadd.s32 @p2 $0xFFFFD000;
	s17 =	simm.s32 @p2 $0x1  }
0x71: {  	_ =	swait.ge @p2 [sflag:s17], $0x3000  }
0x72: {  	s20 =	simm.s32 @!p2 $0x4;
	s19 =	rddreg [dreg:$0x6];
	[sflag:s17] =	ssyncset.done @p2 $0x0  }
0x73: {  	[sflag:s17] =	ssyncadd.s32 @p2 $0xFFFFD000;
	s17 =	sadd.s32 @!p2 $0x0, s19;
	s19 =	simm.s32 @!p2 $0x80  }
0x74: {  	[tilespmem:s19], [sflag:$0x3] =	stream.linear.gather @!p2 [hbm4b:s17+s16], $0x60, $0x38;
	[tilespmem:$0x1FCC0] =	vst v63  }
0x75: {  	_ =	swait.ge @!p2 [sflag:s20], $0x60  }
0x76: {  	s17 =	simm.s32 @!p2 $0x3400;
	[sflag:s20] =	ssyncset.done @!p2 $0x0  }
0x77: {  	s19 =	simm.s32 @!p2 $0x60;
	[sflag:s20] =	ssyncadd.s32 @!p2 $0xFFFFFFA0;
	s20 =	simm.s32 @!p2 $0x280  }
0x78: {  	[spmem:s4] =	stream.indirect.scatter.add.f32 @!p2 [tilespmem:s17], [sflag:$0x2], $0x80, s20, s19, $0xb8;
	[tilespmem:$0x1FCC0] =	vst v63  }
0x79: {  	s17 =	simm.s32 @!p2 $0x2  }
0x7a: {  	_ =	swait.ge @!p2 [sflag:s17], $0x3000  }
0x7b: {  	[sflag:s17] =	ssyncset.done @!p2 $0x0  }
0x7c: {  	[sflag:s17] =	ssyncadd.s32 @!p2 $0xFFFFD000;
	s17 =	simm.s32 @!p2 $0x3  }
0x7d: {  	_ =	swait.ge @!p2 [sflag:s17], $0x60  }
0x7e: {  	[sflag:s17] =	ssyncset.done @!p2 $0x0  }
0x7f: {  	[sflag:s17] =	ssyncadd.s32 @!p2 $0xFFFFFFA0;
	s17 =	simm.s32 @!p2 $0x400  }
0x80: {  	[tilespmem:s17], [sflag:$0x1] =	stream.indirect.gather @!p2 [hbm4b:s1+s19], $0x80, s16, s19, $0xb8;
	[tilespmem:$0x1FCC0] =	vst v63  }
0x81: {  	s17 =	sadd.s32 @!p2 s6, s18;
	s18 =	simm.s32 @!p2 $0x200;
	s19 =	simm.s32 @!p2 $0x1  }
0x82: {  	[tilespmem:s18], [sflag:$0x4] =	stream.linear.gather @!p2 [hbm4b:s17+s16], $0x60, $0x38;
	[tilespmem:$0x1FCC0] =	vst v63  }
0x83: {  	_ =	swait.ge @!p2 [sflag:s19], $0x3000  }
0x84: {  	s17 =	rddreg [dreg:$0x8];
	[sflag:s19] =	ssyncset.done @!p2 $0x0  }
0x85: {  	s18 =	simm.s32 @!p2 $0x100;
	[sflag:s19] =	ssyncadd.s32 @!p2 $0xFFFFD000;
	s17 =	sadd.s32 @!p2 $0x0, s17  }
0x86: {  	[tilespmem:s18], [sflag:$0x3] =	stream.linear.gather @!p2 [hbm4b:s17+s16], $0x60, $0x38;
	[tilespmem:$0x1FCC0] =	vst v63  }
0x87: {  	_ =	swait.ge [sflag:s0], $0x60  }
0x88: {  	[sflag:s0] =	ssyncset.done $0x0  }
0x89: {  	[sflag:s0] =	ssyncadd.s32 $0xFFFFFFA0  }
0x8a: {  	[spmem:s4] =	stream.indirect.scatter.add.f32 [tilespmem:s7], [sflag:$0x2], $0x80, s8, s30, $0xb8;
	[tilespmem:$0x1FCC0] =	vst v63  }
0x8b: {  	_ =	swait.ge [sflag:s14], $0x3000  }
0x8c: {  	p2 =	por $0x1, $0x1;
	[sflag:s14] =	ssyncset.done $0x0  }
0x8d: {  	s16 =	simm.s32 @p2 $0x3;
	[sflag:s14] =	ssyncadd.s32 $0xFFFFD000  }
0x8e: {  	_ =	swait.ge @p2 [sflag:s16], $0x60  }
0x8f: {  	s17 =	simm.s32 @p2 $0x3400;
	s19 =	simm.s32 @p2 $0x80;
	[sflag:s16] =	ssyncset.done @p2 $0x0  }
0x90: {  	s18 =	rddreg [dreg:$0x5];
	[sflag:s16] =	ssyncadd.s32 @p2 $0xFFFFFFA0;
	s16 =	simm.s32 @p2 $0x60  }
0x91: {  	[tilespmem:s17], [sflag:$0x1] =	stream.indirect.gather @p2 [hbm4b:s1+s16], $0x80, s19, s16, $0xb8;
	[tilespmem:$0x1FCC0] =	vst v63  }
0x92: {  	s16 =	sadd.s32 @p2 $0x0, s18;
	s17 =	simm.s32 @p2 $0x0;
	s18 =	simm.s32 @p2 $0x280  }
0x93: {  	[tilespmem:s18], [sflag:$0x4] =	stream.linear.gather @p2 [hbm4b:s16+s17], $0x60, $0x38;
	[tilespmem:$0x1FCC0] =	vst v63  }
0x94: {  	s16 =	simm.s32 @p2 $0x1  }
0x95: {  	_ =	swait.ge @p2 [sflag:s16], $0x3000  }
0x96: {  	s18 =	rddreg [dreg:$0x7];
	[sflag:s16] =	ssyncset.done @p2 $0x0  }
0x97: {  	[sflag:s16] =	ssyncadd.s32 @p2 $0xFFFFD000;
	s16 =	sadd.s32 @p2 $0x0, s18;
	s18 =	simm.s32 @p2 $0x180  }
0x98: {  	[tilespmem:s18], [sflag:$0x3] =	stream.linear.gather @p2 [hbm4b:s16+s17], $0x60, $0x38;
	[tilespmem:$0x1FCC0] =	vst v63  }
0x99: {  	s16 =	simm.s32 @!p2 $0x1  }
0x9a: {  	_ =	swait.ge @!p2 [sflag:s16], $0x3000  }
0x9b: {  	[sflag:s16] =	ssyncset.done @!p2 $0x0  }
0x9c: {  	[sflag:s16] =	ssyncadd.s32 @!p2 $0xFFFFD000  }
0x9d: {  	s18 =	simm.s32 $0x60;
	s17 =	sadd.s32 $0x180, s22;
	_ =	swait.ge [sflag:s0], $0x60  }
0x9e: {  	s16 =	simm.s32 $0x30;
	p2 =	por $0x0, $0x0;
	[sflag:s0] =	ssyncset.done $0x0  }
.LBB2_2:
0x9f: {  	s23 =	simm.s32 @!p2 $0x2;
	[sflag:s0] =	ssyncadd.s32 $0xFFFFFFA0  }
0xa0: {  	[spmem:s4] =	stream.indirect.scatter.add.f32 [tilespmem:s10], [sflag:$0x2], $0x80, s13, s30, $0xb8;
	[tilespmem:$0x1FCC0] =	vst v63  }
0xa1: {  	_ =	swait.ge @!p2 [sflag:s23], $0x3000  }
0xa2: {  	[sflag:s23] =	ssyncset.done @!p2 $0x0  }
0xa3: {  	[sflag:s23] =	ssyncadd.s32 @!p2 $0xFFFFD000  }
0xa4: {  	_ =	swait.ge [sflag:s29], $0x60  }
0xa5: {  	[sflag:s29] =	ssyncset.done $0x0  }
0xa6: {  	s20 =	rddreg [dreg:$0xa];
	[sflag:s29] =	ssyncadd.s32 $0xFFFFFFA0  }
0xa7: {  	[tilespmem:s7], [sflag:$0x1] =	stream.indirect.gather [hbm4b:s1+s30], $0x80, s24, s30, $0xb8;
	[tilespmem:$0x1FCC0] =	vst v63  }
0xa8: {  	s20 =	sadd.s32 s16, s20  }
0xa9: {  	[tilespmem:s8], [sflag:$0x4] =	stream.linear.gather [hbm4b:s20+s5], $0x60, $0x38;
	[tilespmem:$0x1FCC0] =	vst v63  }
0xaa: {  	p6 =	seq.s32 s16, $0x4E0;
	_ =	swait.ge [sflag:s28], $0x3000  }
0xab: {  	s21 =	sshrl.u32 @!p6 s17, $0x3;
	[sflag:s28] =	ssyncset.done $0x0  }
0xac: {  	s12 =	sadd.s32 @!p6 s2, s21;
	s20 =	simm.s32 @!p6 $0x0;
	[sflag:s28] =	ssyncadd.s32 $0xFFFFD000  }
0xad: {  	[tilespmem:s20], [sflag:$0x3] =	stream.linear.gather @!p6 [hbm4b:s12+s20], $0x60, $0x38;
	[tilespmem:$0x1FCC0] =	vst v63  }
0xae: {  	_ =	swait.ge [sflag:s0], $0x60  }
0xaf: {  	[sflag:s0] =	ssyncset.done $0x0  }
0xb0: {  	[sflag:s0] =	ssyncadd.s32 $0xFFFFFFA0  }
0xb1: {  	[spmem:s4] =	stream.indirect.scatter.add.f32 [tilespmem:s31], [sflag:$0x2], $0x80, s26, s30, $0xb8;
	[tilespmem:$0x1FCC0] =	vst v63  }
0xb2: {  	_ =	swait.ge @!p2 [sflag:s23], $0x3000  }
0xb3: {  	[sflag:s23] =	ssyncset.done @!p2 $0x0  }
0xb4: {  	[sflag:s23] =	ssyncadd.s32 @!p2 $0xFFFFD000  }
0xb5: {  	_ =	swait.ge [sflag:s29], $0x60  }
0xb6: {  	[sflag:s29] =	ssyncset.done $0x0  }
0xb7: {  	s23 =	rddreg [dreg:$0x9];
	[sflag:s29] =	ssyncadd.s32 $0xFFFFFFA0  }
0xb8: {  	[tilespmem:s10], [sflag:$0x1] =	stream.indirect.gather [hbm4b:s1+s30], $0x80, s25, s30, $0xb8;
	[tilespmem:$0x1FCC0] =	vst v63  }
0xb9: {  	s12 =	sadd.s32 s16, s23  }
0xba: {  	[tilespmem:s13], [sflag:$0x4] =	stream.linear.gather [hbm4b:s12+s5], $0x60, $0x38;
	[tilespmem:$0x1FCC0] =	vst v63  }
0xbb: {  	_ =	swait.ge [sflag:s28], $0x3000  }
0xbc: {  	[sflag:s28] =	ssyncset.done $0x0  }
0xbd: {  	s12 =	simm.s32 @p6 $0x4;
	[sflag:s28] =	ssyncadd.s32 $0xFFFFD000  }
0xbe: {  	_ =	swait.ge @p6 [sflag:s12], $0x60  }
0xbf: {  	s9 =	simm.s32 @p6 $0x2;
	s3 =	simm.s32 @p6 $0x280;
	[sflag:s12] =	ssyncset.done @p6 $0x0  }
0xc0: {  	s23 =	simm.s32 @p6 $0x3400;
	[sflag:s12] =	ssyncadd.s32 @p6 $0xFFFFFFA0;
	s12 =	simm.s32 @p6 $0x60  }
0xc1: {  	[spmem:s4] =	stream.indirect.scatter.add.f32 @p6 [tilespmem:s23], [sflag:$0x2], $0x80, s3, s12, $0xb8;
	[tilespmem:$0x1FCC0] =	vst v63  }
0xc2: {  	_ =	swait.ge @p6 [sflag:s9], $0x3000  }
0xc3: {  	[sflag:s9] =	ssyncset.done @p6 $0x0  }
0xc4: {  	s3 =	simm.s32 @p6 $0x1;
	[sflag:s9] =	ssyncadd.s32 @p6 $0xFFFFD000  }
0xc5: {  	_ =	swait.ge @p6 [sflag:s3], $0x3000  }
0xc6: {  	s12 =	simm.s32 @!p6 $0x4;
	s9 =	rddreg [dreg:$0x6];
	[sflag:s3] =	ssyncset.done @p6 $0x0  }
0xc7: {  	[sflag:s3] =	ssyncadd.s32 @p6 $0xFFFFD000;
	s3 =	sadd.s32 @!p6 s16, s9;
	s9 =	simm.s32 @!p6 $0x80  }
0xc8: {  	[tilespmem:s9], [sflag:$0x3] =	stream.linear.gather @!p6 [hbm4b:s3+s20], $0x60, $0x38;
	[tilespmem:$0x1FCC0] =	vst v63  }
0xc9: {  	_ =	swait.ge @!p6 [sflag:s12], $0x60  }
0xca: {  	s23 =	simm.s32 @!p6 $0x280;
	s3 =	simm.s32 @!p6 $0x3400;
	[sflag:s12] =	ssyncset.done @!p6 $0x0  }
0xcb: {  	s9 =	simm.s32 @!p6 $0x2;
	[sflag:s12] =	ssyncadd.s32 @!p6 $0xFFFFFFA0;
	s12 =	simm.s32 @!p6 $0x60  }
0xcc: {  	[spmem:s4] =	stream.indirect.scatter.add.f32 @!p6 [tilespmem:s3], [sflag:$0x2], $0x80, s23, s12, $0xb8;
	[tilespmem:$0x1FCC0] =	vst v63  }
0xcd: {  	_ =	swait.ge @!p6 [sflag:s9], $0x3000  }
0xce: {  	[sflag:s9] =	ssyncset.done @!p6 $0x0  }
0xcf: {  	s3 =	simm.s32 @!p6 $0x3;
	[sflag:s9] =	ssyncadd.s32 @!p6 $0xFFFFD000  }
0xd0: {  	_ =	swait.ge @!p6 [sflag:s3], $0x60  }
0xd1: {  	[sflag:s3] =	ssyncset.done @!p6 $0x0  }
0xd2: {  	[sflag:s3] =	ssyncadd.s32 @!p6 $0xFFFFFFA0;
	s3 =	simm.s32 @!p6 $0x400  }
0xd3: {  	[tilespmem:s3], [sflag:$0x1] =	stream.indirect.gather @!p6 [hbm4b:s1+s12], $0x80, s20, s12, $0xb8;
	[tilespmem:$0x1FCC0] =	vst v63  }
0xd4: {  	s21 =	sadd.s32 @!p6 s6, s21;
	s9 =	simm.s32 @!p6 $0x1;
	s3 =	simm.s32 @!p6 $0x200  }
0xd5: {  	[tilespmem:s3], [sflag:$0x4] =	stream.linear.gather @!p6 [hbm4b:s21+s20], $0x60, $0x38;
	[tilespmem:$0x1FCC0] =	vst v63  }
0xd6: {  	_ =	swait.ge @!p6 [sflag:s9], $0x3000  }
0xd7: {  	s3 =	rddreg [dreg:$0x8];
	[sflag:s9] =	ssyncset.done @!p6 $0x0  }
0xd8: {  	[sflag:s9] =	ssyncadd.s32 @!p6 $0xFFFFD000;
	s3 =	sadd.s32 @!p6 s16, s3;
	s9 =	simm.s32 @!p6 $0x100  }
0xd9: {  	[tilespmem:s9], [sflag:$0x3] =	stream.linear.gather @!p6 [hbm4b:s3+s20], $0x60, $0x38;
	[tilespmem:$0x1FCC0] =	vst v63  }
0xda: {  	_ =	swait.ge [sflag:s0], $0x60  }
0xdb: {  	[sflag:s0] =	ssyncset.done $0x0  }
0xdc: {  	[sflag:s0] =	ssyncadd.s32 $0xFFFFFFA0  }
0xdd: {  	[spmem:s4] =	stream.indirect.scatter.add.f32 [tilespmem:s7], [sflag:$0x2], $0x80, s8, s30, $0xb8;
	[tilespmem:$0x1FCC0] =	vst v63  }
0xde: {  	_ =	swait.ge [sflag:s14], $0x3000  }
0xdf: {  	p2 =	sne.s32 s16, $0x4E0;
	[sflag:s14] =	ssyncset.done $0x0  }
0xe0: {  	s19 =	smov.u32 s18;
	s3 =	simm.s32 @p2 $0x3;
	[sflag:s14] =	ssyncadd.s32 $0xFFFFD000  }
0xe1: {  	s18 =	sadd.s32 $0x30, s18;
	s12 =	simm.s32 @p2 $0x3400;
	_ =	swait.ge @p2 [sflag:s3], $0x60  }
0xe2: {  	s21 =	simm.s32 @p2 $0x80;
	s9 =	simm.s32 @p2 $0x1;
	[sflag:s3] =	ssyncset.done @p2 $0x0  }
0xe3: {  	s20 =	rddreg [dreg:$0x5];
	[sflag:s3] =	ssyncadd.s32 @p2 $0xFFFFFFA0;
	s3 =	simm.s32 @p2 $0x60  }
0xe4: {  	[tilespmem:s12], [sflag:$0x1] =	stream.indirect.gather @p2 [hbm4b:s1+s3], $0x80, s21, s3, $0xb8;
	[tilespmem:$0x1FCC0] =	vst v63  }
0xe5: {  	s3 =	sadd.s32 @p2 s16, s20;
	s12 =	simm.s32 @p2 $0x0;
	s20 =	simm.s32 @p2 $0x280  }
0xe6: {  	[tilespmem:s20], [sflag:$0x4] =	stream.linear.gather @p2 [hbm4b:s3+s12], $0x60, $0x38;
	[tilespmem:$0x1FCC0] =	vst v63  }
0xe7: {  	p5 =	sne.s32 s18, $0x510;
	_ =	swait.ge @p2 [sflag:s9], $0x3000  }
0xe8: {  	s20 =	simm.s32 @!p2 $0x1;
	s3 =	rddreg [dreg:$0x7];
	[sflag:s9] =	ssyncset.done @p2 $0x0  }
0xe9: {  	[sflag:s9] =	ssyncadd.s32 @p2 $0xFFFFD000;
	s3 =	sadd.s32 @p2 s16, s3;
	s9 =	simm.s32 @p2 $0x180  }
0xea: {  	[tilespmem:s9], [sflag:$0x3] =	stream.linear.gather @p2 [hbm4b:s3+s12], $0x60, $0x38;
	[tilespmem:$0x1FCC0] =	vst v63  }
.Ltmp2:
0xeb: {  	_ =	swait.ge @!p2 [sflag:s20], $0x3000;
	(pc) =	sbr.rel @p5 .LBB2_2-.Ltmp2, $4  }
0xec: {  	[sflag:s20] =	ssyncset.done @!p2 $0x0  }
0xed: {  	[sflag:s20] =	ssyncadd.s32 @!p2 $0xFFFFD000  }
0xee: {  	s16 =	smov.u32 s19;
	_ =	swait.ge [sflag:s0], $0x60  }
0xef: {  	s17 =	sadd.s32 $0x180, s17;
	p2 =	seq.s32 s16, $0x0;
	[sflag:s0] =	ssyncset.done $0x0  }
0xf0: {  	s3 =	simm.s32 @!p2 $0x2;
	[sflag:s0] =	ssyncadd.s32 $0xFFFFFFA0  }
0xf1: {  	[spmem:s4] =	stream.indirect.scatter.add.f32 [tilespmem:s10], [sflag:$0x2], $0x80, s13, s30, $0xb8;
	[tilespmem:$0x1FCC0] =	vst v63  }
0xf2: {  	_ =	swait.ge @!p2 [sflag:s3], $0x3000  }
0xf3: {  	[sflag:s3] =	ssyncset.done @!p2 $0x0  }
0xf4: {  	[sflag:s3] =	ssyncadd.s32 @!p2 $0xFFFFD000  }
0xf5: {  	_ =	swait.ge [sflag:s29], $0x60  }
0xf6: {  	[sflag:s29] =	ssyncset.done $0x0  }
0xf7: {  	s9 =	rddreg [dreg:$0xa];
	[sflag:s29] =	ssyncadd.s32 $0xFFFFFFA0  }
0xf8: {  	[tilespmem:s7], [sflag:$0x1] =	stream.indirect.gather [hbm4b:s1+s30], $0x80, s24, s30, $0xb8;
	[tilespmem:$0x1FCC0] =	vst v63  }
0xf9: {  	s9 =	sadd.s32 s16, s9  }
0xfa: {  	[tilespmem:s8], [sflag:$0x4] =	stream.linear.gather [hbm4b:s9+s5], $0x60, $0x38;
	[tilespmem:$0x1FCC0] =	vst v63  }
0xfb: {  	p5 =	seq.s32 s16, $0x4E0;
	_ =	swait.ge [sflag:s28], $0x3000  }
0xfc: {  	s9 =	sshrl.u32 @!p5 s17, $0x3;
	[sflag:s28] =	ssyncset.done $0x0  }
0xfd: {  	s17 =	simm.s32 @!p5 $0x0;
	s12 =	sadd.s32 @!p5 s2, s9;
	[sflag:s28] =	ssyncadd.s32 $0xFFFFD000  }
0xfe: {  	[tilespmem:s17], [sflag:$0x3] =	stream.linear.gather @!p5 [hbm4b:s12+s17], $0x60, $0x38;
	[tilespmem:$0x1FCC0] =	vst v63  }
0xff: {  	_ =	swait.ge [sflag:s0], $0x60  }
0x100: {  	[sflag:s0] =	ssyncset.done $0x0  }
0x101: {  	[sflag:s0] =	ssyncadd.s32 $0xFFFFFFA0  }
0x102: {  	[spmem:s4] =	stream.indirect.scatter.add.f32 [tilespmem:s31], [sflag:$0x2], $0x80, s26, s30, $0xb8;
	[tilespmem:$0x1FCC0] =	vst v63  }
0x103: {  	_ =	swait.ge @!p2 [sflag:s3], $0x3000  }
0x104: {  	[sflag:s3] =	ssyncset.done @!p2 $0x0  }
0x105: {  	[sflag:s3] =	ssyncadd.s32 @!p2 $0xFFFFD000  }
0x106: {  	_ =	swait.ge [sflag:s29], $0x60  }
0x107: {  	[sflag:s29] =	ssyncset.done $0x0  }
0x108: {  	s23 =	rddreg [dreg:$0x9];
	[sflag:s29] =	ssyncadd.s32 $0xFFFFFFA0  }
0x109: {  	[tilespmem:s10], [sflag:$0x1] =	stream.indirect.gather [hbm4b:s1+s30], $0x80, s25, s30, $0xb8;
	[tilespmem:$0x1FCC0] =	vst v63  }
0x10a: {  	s3 =	sadd.s32 s16, s23  }
0x10b: {  	[tilespmem:s13], [sflag:$0x4] =	stream.linear.gather [hbm4b:s3+s5], $0x60, $0x38;
	[tilespmem:$0x1FCC0] =	vst v63  }
0x10c: {  	_ =	swait.ge [sflag:s28], $0x3000  }
0x10d: {  	[sflag:s28] =	ssyncset.done $0x0  }
0x10e: {  	s3 =	simm.s32 @p5 $0x4;
	[sflag:s28] =	ssyncadd.s32 $0xFFFFD000  }
0x10f: {  	_ =	swait.ge @p5 [sflag:s3], $0x60  }
0x110: {  	s18 =	simm.s32 @p5 $0x280;
	[sflag:s3] =	ssyncset.done @p5 $0x0  }
0x111: {  	s12 =	simm.s32 @p5 $0x3400;
	[sflag:s3] =	ssyncadd.s32 @p5 $0xFFFFFFA0;
	s3 =	simm.s32 @p5 $0x60  }
0x112: {  	[spmem:s4] =	stream.indirect.scatter.add.f32 @p5 [tilespmem:s12], [sflag:$0x2], $0x80, s18, s3, $0xb8;
	[tilespmem:$0x1FCC0] =	vst v63  }
0x113: {  	s3 =	simm.s32 @p5 $0x2  }
0x114: {  	_ =	swait.ge @p5 [sflag:s3], $0x3000  }
0x115: {  	[sflag:s3] =	ssyncset.done @p5 $0x0  }
0x116: {  	[sflag:s3] =	ssyncadd.s32 @p5 $0xFFFFD000;
	s3 =	simm.s32 @p5 $0x1  }
0x117: {  	_ =	swait.ge @p5 [sflag:s3], $0x3000  }
0x118: {  	s18 =	simm.s32 @!p5 $0x4;
	s12 =	rddreg [dreg:$0x6];
	[sflag:s3] =	ssyncset.done @p5 $0x0  }
0x119: {  	[sflag:s3] =	ssyncadd.s32 @p5 $0xFFFFD000;
	s3 =	sadd.s32 @!p5 s16, s12;
	s12 =	simm.s32 @!p5 $0x80  }
0x11a: {  	[tilespmem:s12], [sflag:$0x3] =	stream.linear.gather @!p5 [hbm4b:s3+s17], $0x60, $0x38;
	[tilespmem:$0x1FCC0] =	vst v63  }
0x11b: {  	_ =	swait.ge @!p5 [sflag:s18], $0x60  }
0x11c: {  	s3 =	simm.s32 @!p5 $0x3400;
	[sflag:s18] =	ssyncset.done @!p5 $0x0  }
0x11d: {  	s12 =	simm.s32 @!p5 $0x60;
	[sflag:s18] =	ssyncadd.s32 @!p5 $0xFFFFFFA0;
	s18 =	simm.s32 @!p5 $0x280  }
0x11e: {  	[spmem:s4] =	stream.indirect.scatter.add.f32 @!p5 [tilespmem:s3], [sflag:$0x2], $0x80, s18, s12, $0xb8;
	[tilespmem:$0x1FCC0] =	vst v63  }
0x11f: {  	s3 =	simm.s32 @!p5 $0x2  }
0x120: {  	_ =	swait.ge @!p5 [sflag:s3], $0x3000  }
0x121: {  	[sflag:s3] =	ssyncset.done @!p5 $0x0  }
0x122: {  	[sflag:s3] =	ssyncadd.s32 @!p5 $0xFFFFD000;
	s3 =	simm.s32 @!p5 $0x3  }
0x123: {  	_ =	swait.ge @!p5 [sflag:s3], $0x60  }
0x124: {  	[sflag:s3] =	ssyncset.done @!p5 $0x0  }
0x125: {  	[sflag:s3] =	ssyncadd.s32 @!p5 $0xFFFFFFA0;
	s3 =	simm.s32 @!p5 $0x400  }
0x126: {  	[tilespmem:s3], [sflag:$0x1] =	stream.indirect.gather @!p5 [hbm4b:s1+s12], $0x80, s17, s12, $0xb8;
	[tilespmem:$0x1FCC0] =	vst v63  }
0x127: {  	s3 =	sadd.s32 @!p5 s6, s9;
	s9 =	simm.s32 @!p5 $0x200;
	s12 =	simm.s32 @!p5 $0x1  }
0x128: {  	[tilespmem:s9], [sflag:$0x4] =	stream.linear.gather @!p5 [hbm4b:s3+s17], $0x60, $0x38;
	[tilespmem:$0x1FCC0] =	vst v63  }
0x129: {  	_ =	swait.ge @!p5 [sflag:s12], $0x3000  }
0x12a: {  	s3 =	rddreg [dreg:$0x8];
	[sflag:s12] =	ssyncset.done @!p5 $0x0  }
0x12b: {  	s9 =	simm.s32 @!p5 $0x100;
	[sflag:s12] =	ssyncadd.s32 @!p5 $0xFFFFD000;
	s3 =	sadd.s32 @!p5 s16, s3  }
0x12c: {  	[tilespmem:s9], [sflag:$0x3] =	stream.linear.gather @!p5 [hbm4b:s3+s17], $0x60, $0x38;
	[tilespmem:$0x1FCC0] =	vst v63  }
0x12d: {  	_ =	swait.ge [sflag:s0], $0x60  }
0x12e: {  	[sflag:s0] =	ssyncset.done $0x0  }
0x12f: {  	[sflag:s0] =	ssyncadd.s32 $0xFFFFFFA0  }
0x130: {  	[spmem:s4] =	stream.indirect.scatter.add.f32 [tilespmem:s7], [sflag:$0x2], $0x80, s8, s30, $0xb8;
	[tilespmem:$0x1FCC0] =	vst v63  }
0x131: {  	_ =	swait.ge [sflag:s14], $0x3000  }
0x132: {  	p2 =	sne.s32 s16, $0x4E0;
	[sflag:s14] =	ssyncset.done $0x0  }
0x133: {  	s3 =	simm.s32 @p2 $0x3;
	[sflag:s14] =	ssyncadd.s32 $0xFFFFD000  }
0x134: {  	_ =	swait.ge @p2 [sflag:s3], $0x60  }
0x135: {  	s9 =	simm.s32 @p2 $0x3400;
	s17 =	simm.s32 @p2 $0x80;
	[sflag:s3] =	ssyncset.done @p2 $0x0  }
0x136: {  	s12 =	rddreg [dreg:$0x5];
	[sflag:s3] =	ssyncadd.s32 @p2 $0xFFFFFFA0;
	s3 =	simm.s32 @p2 $0x60  }
0x137: {  	[tilespmem:s9], [sflag:$0x1] =	stream.indirect.gather @p2 [hbm4b:s1+s3], $0x80, s17, s3, $0xb8;
	[tilespmem:$0x1FCC0] =	vst v63  }
0x138: {  	s3 =	sadd.s32 @p2 s16, s12;
	s9 =	simm.s32 @p2 $0x0;
	s12 =	simm.s32 @p2 $0x280  }
0x139: {  	[tilespmem:s12], [sflag:$0x4] =	stream.linear.gather @p2 [hbm4b:s3+s9], $0x60, $0x38;
	[tilespmem:$0x1FCC0] =	vst v63  }
0x13a: {  	s3 =	simm.s32 @p2 $0x1  }
0x13b: {  	_ =	swait.ge @p2 [sflag:s3], $0x3000  }
0x13c: {  	s12 =	rddreg [dreg:$0x7];
	[sflag:s3] =	ssyncset.done @p2 $0x0  }
0x13d: {  	[sflag:s3] =	ssyncadd.s32 @p2 $0xFFFFD000;
	s3 =	sadd.s32 @p2 s16, s12;
	s12 =	simm.s32 @p2 $0x180  }
0x13e: {  	[tilespmem:s12], [sflag:$0x3] =	stream.linear.gather @p2 [hbm4b:s3+s9], $0x60, $0x38;
	[tilespmem:$0x1FCC0] =	vst v63  }
0x13f: {  	s3 =	simm.s32 @!p2 $0x1  }
0x140: {  	_ =	swait.ge @!p2 [sflag:s3], $0x3000  }
0x141: {  	[sflag:s3] =	ssyncset.done @!p2 $0x0  }
0x142: {  	[sflag:s3] =	ssyncadd.s32 @!p2 $0xFFFFD000  }
0x143: {  	_ =	swait.ge [sflag:s0], $0x60  }
0x144: {  	[sflag:s0] =	ssyncset.done $0x0  }
0x145: {  	[sflag:s0] =	ssyncadd.s32 $0xFFFFFFA0  }
0x146: {  	[spmem:s4] =	stream.indirect.scatter.add.f32 [tilespmem:s10], [sflag:$0x2], $0x80, s13, s30, $0xb8;
	[tilespmem:$0x1FCC0] =	vst v63  }
0x147: {  	_ =	swait.ge [sflag:s14], $0x3000  }
0x148: {  	[sflag:s14] =	ssyncset.done $0x0  }
0x149: {  	[sflag:s14] =	ssyncadd.s32 $0xFFFFD000  }
0x14a: {  	_ =	swait.ge [sflag:s14], $0x3000  }
0x14b: {  	[sflag:s14] =	ssyncset.done $0x0  }
0x14c: {  	s18 =	stileid.u32;
	[sflag:s14] =	ssyncadd.s32 $0xFFFFD000  }
0x14d: {  	s3 =	sshll.u32 @p1 s18, $0x6;
	[bflag:$0x0] =	sbarrier.arrive $0xFFFF  }
0x14e: {  	s9 =	sshrl.u32 @p1 s11, $0x3;
	s3 =	sor.u32 @p1 $0x1C05, s3;
	s12 =	rddreg [dreg:$0x16]  }
0x14f: {  	[hbm:s12], [sflag:s3] =	dma.local @p1 [spmem:s9], $0x2700  }
0x150: {  	s3 =	simm.s32 @p1 $0x5  }
0x151: {  	_ =	swait.ge @p1 [sflag:s3], $0x2700  }
0x152: {  	s9 =	sshll.u32 @!p4 s18, $0x6;
	[sflag:s3] =	ssyncset.done @p1 $0x0;
	s12 =	rddreg [dreg:$0x17]  }
0x153: {  	[sflag:s3] =	ssyncadd.s32 @p1 $0xFFFFD900;
	s3 =	sor.u32 @!p4 $0x1C05, s9;
	s9 =	sshrl.u32 @!p4 s11, $0x3  }
0x154: {  	[hbm:s12], [sflag:s3] =	dma.local @!p4 [spmem:s9], $0x2700  }
0x155: {  	s3 =	sld [smem:$0x7FD];
	_ =	sdelay $0x2  }
0x156: {  	p2 =	por @!p4 $0x1, $0x1;
	p5 =	seq.s32 s3, $0x1  }
0x157: {  	p5 =	por @!p4 p2, p2  }
0x158: {  	p2 =	por @!p3 !p5, !p0  }
0x159: {  	p2 =	por @!p3 !p2, !p2  }
0x15a: {  	p2 =	por p3, p2  }
.Ltmp3:
0x15b: {  	_ = 	snop;
	(pc) =	sbr.rel @!p2 .LBB2_5-.Ltmp3, $4  }
0x15c: {  	s3 =	simm.s32 @!p4 $0x5  }
0x15d: {  	_ =	swait.ge @!p4 [sflag:s3], $0x2700  }
0x15e: {  	[sflag:s3] =	ssyncset.done @!p4 $0x0  }
0x15f: {  	[sflag:s3] =	ssyncadd.s32 @!p4 $0xFFFFD900  }
0x160: {  	s3 =	rddreg [dreg:$0xc]  }
0x161: {  	s9 =	rddreg [dreg:$0xb]  }
0x162: {  	s21 =	rddreg [dreg:$0xd]  }
0x163: {  	s12 =	simm.s32 $0x1FC5;
	s23 =	simm.s32 $0x5;
	s3 =	smov.u32 @p3 s9  }
.Ltmp4:
0x164: {  	s9 =	sshrl.u32 s21, $0x3;
	s3 =	sadd.s32 $0x24900, s3;
	(pc) =	sbr.rel .LBB2_5-.Ltmp4, $4  }
0x165: {  	[hbm:s3], [sflag:s12] =	dma.local [spmem:s9], $0x2800  }
0x166: {  	_ =	swait.ge [sflag:s23], $0x2800  }
0x167: {  	[sflag:s23] =	ssyncset.done $0x0  }
0x168: {  	[sflag:s23] =	ssyncadd.s32 $0xFFFFD800  }
.LBB2_6:
0x169: {  	_ =	sfence.sel $0x180000  }
0x16a: {  	[bflag:$0x0] =	sbarrier.arrive $0xFFFF  }
0x16b: {  	_ =	strace $0x90000047  }
0x16c: {  	[bflag:$0x2] =	sbarrier.arrive $0xFFFF  }
0x16d: {  	p0 =	sne.s32 s18, $0x0;
	s0 =	rddreg [dreg:$0x4]  }
0x16e: {  	s0 =	sadd.s32 @!p0 $0x100000, s0  }
0x16f: {  	[sflag:s0] =	ssyncadd.tile.s32 @!p0 $0x1;
	_ =	shalt  }
.Lfunc_end2:
_tile_overlayer_lowered:
.L_overlay_start_2:
0x170: {  	(tag) =	ssettag $0x2  }
0x171: {  	s0 =	rddreg [dreg:$0x0];
	s2 =	stileid.u32  }
0x172: {  	s1 =	rddreg [dreg:$0x1];
	p0 =	sne.s32 s2, $0x0  }
0x173: {  	s3 =	rddreg [dreg:$0x2];
	[bflag:$0x3] =	sbarrier.arrive $0xFFFF;
	s2 =	simm.s32 @!p0 $0x1C05  }
0x174: {  	[timem:s3], [sflag:s2] =	dma.local @!p0 [hbm:s0], s1  }
0x175: {  	s0 =	simm.s32 @!p0 $0x5  }
0x176: {  	_ =	swait.ge @!p0 [sflag:s0], s1  }
0x177: {  	s1 =	ssub.s32 @!p0 $0x0, s1;
	[sflag:s0] =	ssyncset.done @!p0 $0x0  }
0x178: {  	[sflag:s0] =	ssyncadd.s32 @!p0 s1  }
0x179: {  	[bflag:$0x3] =	sbarrier.arrive $0xFFFF  }
0x17a: {  	_ =	shalt  }

</sc_bundles>
